<compile_context>
chip_gen: v7x
topology: tpu7x:2x2x1
jax: 0.10.2.dev20260603
libtpu: 0.0.44.dev20260713+nightly
codegen_flags: <defaults>
</compile_context>

<pallas_src>
import functools

import ml_dtypes
import numpy as np
import jax
import jax.numpy as jnp
from jax import lax
from jax.experimental import pallas as pl
from jax.experimental.pallas import tpu as pltpu
from jax.experimental.pallas import tpu_sc as plsc

_B, _T, _D, _V = 4, 2048, 1024, 32000
_NC, _NS = 2, 16
_NW = _NC * _NS
_TPW = _T // _NW
_CHUNK = 16
_NCHUNK = _TPW // _CHUNK
_NK = _B * _NCHUNK
_NBUF = 6
_GP16 = _D // 16


def _pos_embedding_np():
    even_i = np.arange(0, _D, 2, dtype=np.float32)
    denom = np.power(np.float32(10000.0), even_i / np.float32(_D))
    pos = np.arange(_T, dtype=np.float32)[:, None]
    pe = np.empty((_T, _D), np.float32)
    pe[:, 0::2] = np.sin(pos / denom)
    pe[:, 1::2] = np.cos(pos / denom)
    return pe


_PE = _pos_embedding_np().astype(ml_dtypes.bfloat16)

_mesh = plsc.VectorSubcoreMesh(
    core_axis_name="c", subcore_axis_name="s",
    num_cores=_NC, num_subcores=_NS,
)


@functools.partial(
    pl.kernel,
    out_type=jax.ShapeDtypeStruct((_B, _T, _D), jnp.float32),
    mesh=_mesh,
    scratch_types=[
        pltpu.VMEM((_B, _TPW), jnp.int32),
        pltpu.VMEM((_CHUNK * _D,), jnp.bfloat16),
        pltpu.VMEM((_CHUNK * _D,), jnp.bfloat16),
        pltpu.VMEM((_NBUF, _CHUNK, _D), jnp.float32),
        pltpu.SemaphoreType.DMA,
        pltpu.SemaphoreType.DMA,
        pltpu.SemaphoreType.DMA,
        pltpu.SemaphoreType.DMA,
        pltpu.SemaphoreType.DMA,
        pltpu.SemaphoreType.DMA,
        pltpu.SemaphoreType.DMA,
        pltpu.SemaphoreType.DMA,
        pltpu.SemaphoreType.DMA,
        pltpu.SemaphoreType.DMA,
        pltpu.SemaphoreType.DMA,
        pltpu.SemaphoreType.DMA,
        pltpu.SemaphoreType.DMA,
        pltpu.SemaphoreType.DMA,
        pltpu.SemaphoreType.DMA,
    ],
)
def _emb_lookup(idx_hbm, table_hbm, pe_hbm, out_hbm,
                idx_v, pe_v0, pe_v1, gbuf, isem, ps0, ps1,
                gs0, gs1, gs2, gs3, gs4, gs5,
                ss0, ss1, ss2, ss3, ss4, ss5):
    wid = lax.axis_index("s") * _NC + lax.axis_index("c")
    t0 = wid * _TPW
    gsem = (gs0, gs1, gs2, gs3, gs4, gs5)
    ssem = (ss0, ss1, ss2, ss3, ss4, ss5)
    psem = (ps0, ps1)
    pe_bufs = (pe_v0, pe_v1)

    idx_copies = [
        pltpu.async_copy(idx_hbm.at[b, pl.ds(t0, _TPW)], idx_v.at[b], isem)
        for b in range(_B)
    ]

    def start_gather(k):
        c, b = divmod(k, _B)
        return pltpu.async_copy(
            table_hbm.at[idx_v.at[b, pl.ds(c * _CHUNK, _CHUNK)]],
            gbuf.at[k % _NBUF], gsem[k % _NBUF])

    def start_pe(c):
        return pltpu.async_copy(
            pe_hbm.at[pl.ds((t0 + c * _CHUNK) * _D, _CHUNK * _D)],
            pe_bufs[c % 2], psem[c % 2])

    pe_loads = {0: start_pe(0), 1: start_pe(1)}
    for d in idx_copies:
        d.wait()
    gathers = {k: start_gather(k) for k in range(_NBUF - 1)}

    stores = {}
    for k in range(_NK):
        buf = k % _NBUF
        c, b = divmod(k, _B)

        if b == 0:
            pe_loads.pop(c).wait()
        gathers.pop(k).wait()

        def _add_pe(q, _pe=pe_bufs[c % 2]):
            r = q >> 6
            g = (q & (_GP16 - 1)) * 16
            plsc.addupdate(gbuf.at[buf, r, pl.ds(g, 16)],
                           _pe[pl.ds(q * 16, 16)].astype(jnp.float32))

        plsc.parallel_loop(0, _CHUNK * _GP16, unroll=8)(_add_pe)

        if k + _NBUF - 1 < _NK:
            if k - 1 in stores:
                stores.pop(k - 1).wait()
            gathers[k + _NBUF - 1] = start_gather(k + _NBUF - 1)

        if b == _B - 1 and c + 2 < _NCHUNK:
            pe_loads[c + 2] = start_pe(c + 2)

        stores[k] = pltpu.async_copy(
            gbuf.at[buf],
            out_hbm.at[b, pl.ds(t0 + c * _CHUNK, _CHUNK)],
            ssem[buf])

    for s in stores.values():
        s.wait()


def kernel(indices, table):
    return _emb_lookup(indices.astype(jnp.int32), table,
                       jnp.asarray(_PE.reshape(-1)))

# --- scband reference (transcript-rebuilt; emitter-appended) ---
"""Pipeline reference for scband-transformer-embedding-87651692577297 (READ-ONLY COPY).

The authoritative reference and input builder live on the scoring server;
editing this copy changes nothing except your own understanding.
"""

import jax, jax.numpy as jnp
import numpy as np

BATCH = 4
SEQ_LEN = 2048
D_MODEL = 1024
VOCAB = 32000


def positional_embedding(T, d):
    even_i = jnp.arange(0, d, 2, dtype=jnp.float32)
    denominator = jnp.power(10000.0, even_i / d)
    pos = jnp.arange(0, T, dtype=jnp.float32)[:, None]
    odd_pos = jnp.cos(pos / denominator)
    even_pos = jnp.sin(pos / denominator)
    stacked = jnp.stack([even_pos, odd_pos], axis=2)
    PE = stacked.reshape(T, d)
    return PE


def setup_inputs(seed: int = 0) -> dict:
    key = jax.random.key(seed)
    k1, k2 = jax.random.split(key)
    indices = jax.random.randint(k1, (BATCH, SEQ_LEN), 0, VOCAB)
    table = jax.random.normal(k2, (VOCAB, D_MODEL), dtype=jnp.float32)
    return {"indices": indices, "table": table}


def reference(indices, table):
    # Token embedding lookup (nn.Embedding) -> gather
    emb = jnp.take(table, indices, axis=0)  # [B, T, d_model]
    # Sinusoidal positional embedding (PositionalEmbedding.forward)
    pos = positional_embedding(SEQ_LEN, D_MODEL)  # [T, d_model]
    # Dropout is identity at inference
    out = emb + pos
    return out

if __name__ == "__main__":
    import jax
    _d = setup_inputs()
    print(jax.jit(kernel)(*tuple(_d.values())))

</pallas_src>

<mosaic_0001>
#map = affine_map<(d0, d1) -> (0, 0)>
#map1 = affine_map<(d0, d1) -> (0)>
#map2 = affine_map<(d0, d1) -> (0, 0, 0)>
module attributes {stable_mosaic.version = 14 : i64} {
  func.func @_emb_lookup(%arg0: i32, %arg1: i32, %arg2: memref<4x2048xi32, #tpu.memory_space<hbm>>, %arg3: memref<32000x1024xf32, #tpu.memory_space<hbm>>, %arg4: memref<2097152xbf16, #tpu.memory_space<hbm>>, %arg5: memref<4x2048x1024xf32, #tpu.memory_space<hbm>>, %arg6: memref<4x64xi32, #tpu.memory_space<vmem>>, %arg7: memref<16384xbf16, #tpu.memory_space<vmem>>, %arg8: memref<16384xbf16, #tpu.memory_space<vmem>>, %arg9: memref<6x16x1024xf32, #tpu.memory_space<vmem>>, %arg10: memref<!tpu.dma_semaphore, #tpu.memory_space<semaphore_mem>>, %arg11: memref<!tpu.dma_semaphore, #tpu.memory_space<semaphore_mem>>, %arg12: memref<!tpu.dma_semaphore, #tpu.memory_space<semaphore_mem>>, %arg13: memref<!tpu.dma_semaphore, #tpu.memory_space<semaphore_mem>>, %arg14: memref<!tpu.dma_semaphore, #tpu.memory_space<semaphore_mem>>, %arg15: memref<!tpu.dma_semaphore, #tpu.memory_space<semaphore_mem>>, %arg16: memref<!tpu.dma_semaphore, #tpu.memory_space<semaphore_mem>>, %arg17: memref<!tpu.dma_semaphore, #tpu.memory_space<semaphore_mem>>, %arg18: memref<!tpu.dma_semaphore, #tpu.memory_space<semaphore_mem>>, %arg19: memref<!tpu.dma_semaphore, #tpu.memory_space<semaphore_mem>>, %arg20: memref<!tpu.dma_semaphore, #tpu.memory_space<semaphore_mem>>, %arg21: memref<!tpu.dma_semaphore, #tpu.memory_space<semaphore_mem>>, %arg22: memref<!tpu.dma_semaphore, #tpu.memory_space<semaphore_mem>>, %arg23: memref<!tpu.dma_semaphore, #tpu.memory_space<semaphore_mem>>, %arg24: memref<!tpu.dma_semaphore, #tpu.memory_space<semaphore_mem>>) attributes {dimension_semantics = [#tpu.dimension_semantics<core_parallel>, #tpu.dimension_semantics<subcore_parallel>], iteration_bounds = array<i64: 2, 16>, scalar_prefetch = 0 : i64, scratch_operands = 19 : i64, tpu.core_type = #tpu.core_type<sc_vector_subcore>, window_params = [{transform_indices = #map}, {transform_indices = #map}, {transform_indices = #map1}, {transform_indices = #map2}]} {
    %mul3A = arith.constant 2 : i32
    %mul3A_0 = arith.muli %arg1, %mul3A : i32
    %add3A = arith.addi %mul3A_0, %arg0 : i32
    %mul3A_1 = arith.constant 64 : i32
    %mul3A_2 = arith.muli %add3A, %mul3A_1 : i32
    %dma_start3A = arith.constant 0 : i32
    %dma_start3A_3 = arith.constant 0 : i32
    %dma_start3A_4 = arith.constant 0 : i32
    %dma_start3A_5 = tpu.memref_slice %arg6[%dma_start3A_3, %dma_start3A_4] : memref<4x64xi32, #tpu.memory_space<vmem>> -> memref<1x64xi32, #tpu.memory_space<vmem>>
    %dma_start3A_6 = tpu.memref_squeeze %dma_start3A_5 : memref<1x64xi32, #tpu.memory_space<vmem>> -> memref<64xi32, #tpu.memory_space<vmem>>
    %dma_start3A_7 = tpu.memref_slice %arg2[%dma_start3A, %mul3A_2] : memref<4x2048xi32, #tpu.memory_space<hbm>> -> memref<1x64xi32, #tpu.memory_space<hbm>>
    %dma_start3A_8 = tpu.memref_squeeze %dma_start3A_7 : memref<1x64xi32, #tpu.memory_space<hbm>> -> memref<64xi32, #tpu.memory_space<hbm>>
    %dma_start3A_9 = arith.constant 0 : i32
    %dma_start3A_10 = tpu.memref_slice %arg6[%dma_start3A_3, %dma_start3A_9] : memref<4x64xi32, #tpu.memory_space<vmem>> -> memref<1x64xi32, #tpu.memory_space<vmem>>
    %dma_start3A_11 = tpu.memref_squeeze %dma_start3A_10 : memref<1x64xi32, #tpu.memory_space<vmem>> -> memref<64xi32, #tpu.memory_space<vmem>>
    %dma_start3A_12 = tpu.memref_slice %arg2[%dma_start3A, %mul3A_2] : memref<4x2048xi32, #tpu.memory_space<hbm>> -> memref<1x64xi32, #tpu.memory_space<hbm>>
    %dma_start3A_13 = tpu.memref_squeeze %dma_start3A_12 : memref<1x64xi32, #tpu.memory_space<hbm>> -> memref<64xi32, #tpu.memory_space<hbm>>
    tpu.enqueue_dma source(%dma_start3A_13 : memref<64xi32, #tpu.memory_space<hbm>>) target(%dma_start3A_11 : memref<64xi32, #tpu.memory_space<vmem>>) target_semaphore(%arg10 : memref<!tpu.dma_semaphore, #tpu.memory_space<semaphore_mem>>)
    %dma_start3A_14 = arith.constant 1 : i32
    %dma_start3A_15 = arith.constant 1 : i32
    %dma_start3A_16 = arith.constant 0 : i32
    %dma_start3A_17 = tpu.memref_slice %arg6[%dma_start3A_15, %dma_start3A_16] : memref<4x64xi32, #tpu.memory_space<vmem>> -> memref<1x64xi32, #tpu.memory_space<vmem>>
    %dma_start3A_18 = tpu.memref_squeeze %dma_start3A_17 : memref<1x64xi32, #tpu.memory_space<vmem>> -> memref<64xi32, #tpu.memory_space<vmem>>
    %dma_start3A_19 = tpu.memref_slice %arg2[%dma_start3A_14, %mul3A_2] : memref<4x2048xi32, #tpu.memory_space<hbm>> -> memref<1x64xi32, #tpu.memory_space<hbm>>
    %dma_start3A_20 = tpu.memref_squeeze %dma_start3A_19 : memref<1x64xi32, #tpu.memory_space<hbm>> -> memref<64xi32, #tpu.memory_space<hbm>>
    %dma_start3A_21 = arith.constant 0 : i32
    %dma_start3A_22 = tpu.memref_slice %arg6[%dma_start3A_15, %dma_start3A_21] : memref<4x64xi32, #tpu.memory_space<vmem>> -> memref<1x64xi32, #tpu.memory_space<vmem>>
    %dma_start3A_23 = tpu.memref_squeeze %dma_start3A_22 : memref<1x64xi32, #tpu.memory_space<vmem>> -> memref<64xi32, #tpu.memory_space<vmem>>
    %dma_start3A_24 = tpu.memref_slice %arg2[%dma_start3A_14, %mul3A_2] : memref<4x2048xi32, #tpu.memory_space<hbm>> -> memref<1x64xi32, #tpu.memory_space<hbm>>
    %dma_start3A_25 = tpu.memref_squeeze %dma_start3A_24 : memref<1x64xi32, #tpu.memory_space<hbm>> -> memref<64xi32, #tpu.memory_space<hbm>>
    tpu.enqueue_dma source(%dma_start3A_25 : memref<64xi32, #tpu.memory_space<hbm>>) target(%dma_start3A_23 : memref<64xi32, #tpu.memory_space<vmem>>) target_semaphore(%arg10 : memref<!tpu.dma_semaphore, #tpu.memory_space<semaphore_mem>>)
    %dma_start3A_26 = arith.constant 2 : i32
    %dma_start3A_27 = arith.constant 2 : i32
    %dma_start3A_28 = arith.constant 0 : i32
    %dma_start3A_29 = tpu.memref_slice %arg6[%dma_start3A_27, %dma_start3A_28] : memref<4x64xi32, #tpu.memory_space<vmem>> -> memref<1x64xi32, #tpu.memory_space<vmem>>
    %dma_start3A_30 = tpu.memref_squeeze %dma_start3A_29 : memref<1x64xi32, #tpu.memory_space<vmem>> -> memref<64xi32, #tpu.memory_space<vmem>>
    %dma_start3A_31 = tpu.memref_slice %arg2[%dma_start3A_26, %mul3A_2] : memref<4x2048xi32, #tpu.memory_space<hbm>> -> memref<1x64xi32, #tpu.memory_space<hbm>>
    %dma_start3A_32 = tpu.memref_squeeze %dma_start3A_31 : memref<1x64xi32, #tpu.memory_space<hbm>> -> memref<64xi32, #tpu.memory_space<hbm>>
    %dma_start3A_33 = arith.constant 0 : i32
    %dma_start3A_34 = tpu.memref_slice %arg6[%dma_start3A_27, %dma_start3A_33] : memref<4x64xi32, #tpu.memory_space<vmem>> -> memref<1x64xi32, #tpu.memory_space<vmem>>
    %dma_start3A_35 = tpu.memref_squeeze %dma_start3A_34 : memref<1x64xi32, #tpu.memory_space<vmem>> -> memref<64xi32, #tpu.memory_space<vmem>>
    %dma_start3A_36 = tpu.memref_slice %arg2[%dma_start3A_26, %mul3A_2] : memref<4x2048xi32, #tpu.memory_space<hbm>> -> memref<1x64xi32, #tpu.memory_space<hbm>>
    %dma_start3A_37 = tpu.memref_squeeze %dma_start3A_36 : memref<1x64xi32, #tpu.memory_space<hbm>> -> memref<64xi32, #tpu.memory_space<hbm>>
    tpu.enqueue_dma source(%dma_start3A_37 : memref<64xi32, #tpu.memory_space<hbm>>) target(%dma_start3A_35 : memref<64xi32, #tpu.memory_space<vmem>>) target_semaphore(%arg10 : memref<!tpu.dma_semaphore, #tpu.memory_space<semaphore_mem>>)
    %dma_start3A_38 = arith.constant 3 : i32
    %dma_start3A_39 = arith.constant 3 : i32
    %dma_start3A_40 = arith.constant 0 : i32
    %dma_start3A_41 = tpu.memref_slice %arg6[%dma_start3A_39, %dma_start3A_40] : memref<4x64xi32, #tpu.memory_space<vmem>> -> memref<1x64xi32, #tpu.memory_space<vmem>>
    %dma_start3A_42 = tpu.memref_squeeze %dma_start3A_41 : memref<1x64xi32, #tpu.memory_space<vmem>> -> memref<64xi32, #tpu.memory_space<vmem>>
    %dma_start3A_43 = tpu.memref_slice %arg2[%dma_start3A_38, %mul3A_2] : memref<4x2048xi32, #tpu.memory_space<hbm>> -> memref<1x64xi32, #tpu.memory_space<hbm>>
    %dma_start3A_44 = tpu.memref_squeeze %dma_start3A_43 : memref<1x64xi32, #tpu.memory_space<hbm>> -> memref<64xi32, #tpu.memory_space<hbm>>
    %dma_start3A_45 = arith.constant 0 : i32
    %dma_start3A_46 = tpu.memref_slice %arg6[%dma_start3A_39, %dma_start3A_45] : memref<4x64xi32, #tpu.memory_space<vmem>> -> memref<1x64xi32, #tpu.memory_space<vmem>>
    %dma_start3A_47 = tpu.memref_squeeze %dma_start3A_46 : memref<1x64xi32, #tpu.memory_space<vmem>> -> memref<64xi32, #tpu.memory_space<vmem>>
    %dma_start3A_48 = tpu.memref_slice %arg2[%dma_start3A_38, %mul3A_2] : memref<4x2048xi32, #tpu.memory_space<hbm>> -> memref<1x64xi32, #tpu.memory_space<hbm>>
    %dma_start3A_49 = tpu.memref_squeeze %dma_start3A_48 : memref<1x64xi32, #tpu.memory_space<hbm>> -> memref<64xi32, #tpu.memory_space<hbm>>
    tpu.enqueue_dma source(%dma_start3A_49 : memref<64xi32, #tpu.memory_space<hbm>>) target(%dma_start3A_47 : memref<64xi32, #tpu.memory_space<vmem>>) target_semaphore(%arg10 : memref<!tpu.dma_semaphore, #tpu.memory_space<semaphore_mem>>)
    %add3A_50 = arith.constant 0 : i32
    %add3A_51 = arith.addi %mul3A_2, %add3A_50 : i32
    %mul3A_52 = arith.constant 1024 : i32
    %mul3A_53 = arith.muli %add3A_51, %mul3A_52 : i32
    %dma_start3A_54 = tpu.memref_slice %arg4[%mul3A_53] : memref<2097152xbf16, #tpu.memory_space<hbm>> -> memref<16384xbf16, #tpu.memory_space<hbm>>
    %dma_start3A_55 = tpu.memref_slice %arg4[%mul3A_53] : memref<2097152xbf16, #tpu.memory_space<hbm>> -> memref<16384xbf16, #tpu.memory_space<hbm>>
    tpu.enqueue_dma source(%dma_start3A_55 : memref<16384xbf16, #tpu.memory_space<hbm>>) target(%arg7 : memref<16384xbf16, #tpu.memory_space<vmem>>) target_semaphore(%arg11 : memref<!tpu.dma_semaphore, #tpu.memory_space<semaphore_mem>>)
    %add3A_56 = arith.constant 16 : i32
    %add3A_57 = arith.addi %mul3A_2, %add3A_56 : i32
    %mul3A_58 = arith.constant 1024 : i32
    %mul3A_59 = arith.muli %add3A_57, %mul3A_58 : i32
    %dma_start3A_60 = tpu.memref_slice %arg4[%mul3A_59] : memref<2097152xbf16, #tpu.memory_space<hbm>> -> memref<16384xbf16, #tpu.memory_space<hbm>>
    %dma_start3A_61 = tpu.memref_slice %arg4[%mul3A_59] : memref<2097152xbf16, #tpu.memory_space<hbm>> -> memref<16384xbf16, #tpu.memory_space<hbm>>
    tpu.enqueue_dma source(%dma_start3A_61 : memref<16384xbf16, #tpu.memory_space<hbm>>) target(%arg8 : memref<16384xbf16, #tpu.memory_space<vmem>>) target_semaphore(%arg12 : memref<!tpu.dma_semaphore, #tpu.memory_space<semaphore_mem>>)
    %dma_wait3A = arith.constant 0 : i32
    %dma_wait3A_62 = arith.constant 0 : i32
    %dma_wait3A_63 = arith.constant 0 : i32
    %dma_wait3A_64 = tpu.memref_slice %arg6[%dma_wait3A_62, %dma_wait3A_63] : memref<4x64xi32, #tpu.memory_space<vmem>> -> memref<1x64xi32, #tpu.memory_space<vmem>>
    %dma_wait3A_65 = tpu.memref_squeeze %dma_wait3A_64 : memref<1x64xi32, #tpu.memory_space<vmem>> -> memref<64xi32, #tpu.memory_space<vmem>>
    %dma_wait3A_66 = tpu.memref_slice %arg2[%dma_wait3A, %mul3A_2] : memref<4x2048xi32, #tpu.memory_space<hbm>> -> memref<1x64xi32, #tpu.memory_space<hbm>>
    %dma_wait3A_67 = tpu.memref_squeeze %dma_wait3A_66 : memref<1x64xi32, #tpu.memory_space<hbm>> -> memref<64xi32, #tpu.memory_space<hbm>>
    %dma_wait3A_68 = arith.constant 0 : i32
    %dma_wait3A_69 = tpu.memref_slice %arg6[%dma_wait3A_62, %dma_wait3A_68] : memref<4x64xi32, #tpu.memory_space<vmem>> -> memref<1x64xi32, #tpu.memory_space<vmem>>
    %dma_wait3A_70 = tpu.memref_squeeze %dma_wait3A_69 : memref<1x64xi32, #tpu.memory_space<vmem>> -> memref<64xi32, #tpu.memory_space<vmem>>
    %dma_wait3A_71 = tpu.memref_slice %arg2[%dma_wait3A, %mul3A_2] : memref<4x2048xi32, #tpu.memory_space<hbm>> -> memref<1x64xi32, #tpu.memory_space<hbm>>
    %dma_wait3A_72 = tpu.memref_squeeze %dma_wait3A_71 : memref<1x64xi32, #tpu.memory_space<hbm>> -> memref<64xi32, #tpu.memory_space<hbm>>
    tpu.wait_dma2 semaphore(%arg10 : memref<!tpu.dma_semaphore, #tpu.memory_space<semaphore_mem>>) src(%dma_wait3A_72 : memref<64xi32, #tpu.memory_space<hbm>>) dst(%dma_wait3A_70 : memref<64xi32, #tpu.memory_space<vmem>>)
    %dma_wait3A_73 = arith.constant 1 : i32
    %dma_wait3A_74 = arith.constant 1 : i32
    %dma_wait3A_75 = arith.constant 0 : i32
    %dma_wait3A_76 = tpu.memref_slice %arg6[%dma_wait3A_74, %dma_wait3A_75] : memref<4x64xi32, #tpu.memory_space<vmem>> -> memref<1x64xi32, #tpu.memory_space<vmem>>
    %dma_wait3A_77 = tpu.memref_squeeze %dma_wait3A_76 : memref<1x64xi32, #tpu.memory_space<vmem>> -> memref<64xi32, #tpu.memory_space<vmem>>
    %dma_wait3A_78 = tpu.memref_slice %arg2[%dma_wait3A_73, %mul3A_2] : memref<4x2048xi32, #tpu.memory_space<hbm>> -> memref<1x64xi32, #tpu.memory_space<hbm>>
    %dma_wait3A_79 = tpu.memref_squeeze %dma_wait3A_78 : memref<1x64xi32, #tpu.memory_space<hbm>> -> memref<64xi32, #tpu.memory_space<hbm>>
    %dma_wait3A_80 = arith.constant 0 : i32
    %dma_wait3A_81 = tpu.memref_slice %arg6[%dma_wait3A_74, %dma_wait3A_80] : memref<4x64xi32, #tpu.memory_space<vmem>> -> memref<1x64xi32, #tpu.memory_space<vmem>>
    %dma_wait3A_82 = tpu.memref_squeeze %dma_wait3A_81 : memref<1x64xi32, #tpu.memory_space<vmem>> -> memref<64xi32, #tpu.memory_space<vmem>>
    %dma_wait3A_83 = tpu.memref_slice %arg2[%dma_wait3A_73, %mul3A_2] : memref<4x2048xi32, #tpu.memory_space<hbm>> -> memref<1x64xi32, #tpu.memory_space<hbm>>
    %dma_wait3A_84 = tpu.memref_squeeze %dma_wait3A_83 : memref<1x64xi32, #tpu.memory_space<hbm>> -> memref<64xi32, #tpu.memory_space<hbm>>
    tpu.wait_dma2 semaphore(%arg10 : memref<!tpu.dma_semaphore, #tpu.memory_space<semaphore_mem>>) src(%dma_wait3A_84 : memref<64xi32, #tpu.memory_space<hbm>>) dst(%dma_wait3A_82 : memref<64xi32, #tpu.memory_space<vmem>>)
    %dma_wait3A_85 = arith.constant 2 : i32
    %dma_wait3A_86 = arith.constant 2 : i32
    %dma_wait3A_87 = arith.constant 0 : i32
    %dma_wait3A_88 = tpu.memref_slice %arg6[%dma_wait3A_86, %dma_wait3A_87] : memref<4x64xi32, #tpu.memory_space<vmem>> -> memref<1x64xi32, #tpu.memory_space<vmem>>
    %dma_wait3A_89 = tpu.memref_squeeze %dma_wait3A_88 : memref<1x64xi32, #tpu.memory_space<vmem>> -> memref<64xi32, #tpu.memory_space<vmem>>
    %dma_wait3A_90 = tpu.memref_slice %arg2[%dma_wait3A_85, %mul3A_2] : memref<4x2048xi32, #tpu.memory_space<hbm>> -> memref<1x64xi32, #tpu.memory_space<hbm>>
    %dma_wait3A_91 = tpu.memref_squeeze %dma_wait3A_90 : memref<1x64xi32, #tpu.memory_space<hbm>> -> memref<64xi32, #tpu.memory_space<hbm>>
    %dma_wait3A_92 = arith.constant 0 : i32
    %dma_wait3A_93 = tpu.memref_slice %arg6[%dma_wait3A_86, %dma_wait3A_92] : memref<4x64xi32, #tpu.memory_space<vmem>> -> memref<1x64xi32, #tpu.memory_space<vmem>>
    %dma_wait3A_94 = tpu.memref_squeeze %dma_wait3A_93 : memref<1x64xi32, #tpu.memory_space<vmem>> -> memref<64xi32, #tpu.memory_space<vmem>>
    %dma_wait3A_95 = tpu.memref_slice %arg2[%dma_wait3A_85, %mul3A_2] : memref<4x2048xi32, #tpu.memory_space<hbm>> -> memref<1x64xi32, #tpu.memory_space<hbm>>
    %dma_wait3A_96 = tpu.memref_squeeze %dma_wait3A_95 : memref<1x64xi32, #tpu.memory_space<hbm>> -> memref<64xi32, #tpu.memory_space<hbm>>
    tpu.wait_dma2 semaphore(%arg10 : memref<!tpu.dma_semaphore, #tpu.memory_space<semaphore_mem>>) src(%dma_wait3A_96 : memref<64xi32, #tpu.memory_space<hbm>>) dst(%dma_wait3A_94 : memref<64xi32, #tpu.memory_space<vmem>>)
    %dma_wait3A_97 = arith.constant 3 : i32
    %dma_wait3A_98 = arith.constant 3 : i32
    %dma_wait3A_99 = arith.constant 0 : i32
    %dma_wait3A_100 = tpu.memref_slice %arg6[%dma_wait3A_98, %dma_wait3A_99] : memref<4x64xi32, #tpu.memory_space<vmem>> -> memref<1x64xi32, #tpu.memory_space<vmem>>
    %dma_wait3A_101 = tpu.memref_squeeze %dma_wait3A_100 : memref<1x64xi32, #tpu.memory_space<vmem>> -> memref<64xi32, #tpu.memory_space<vmem>>
    %dma_wait3A_102 = tpu.memref_slice %arg2[%dma_wait3A_97, %mul3A_2] : memref<4x2048xi32, #tpu.memory_space<hbm>> -> memref<1x64xi32, #tpu.memory_space<hbm>>
    %dma_wait3A_103 = tpu.memref_squeeze %dma_wait3A_102 : memref<1x64xi32, #tpu.memory_space<hbm>> -> memref<64xi32, #tpu.memory_space<hbm>>
    %dma_wait3A_104 = arith.constant 0 : i32
    %dma_wait3A_105 = tpu.memref_slice %arg6[%dma_wait3A_98, %dma_wait3A_104] : memref<4x64xi32, #tpu.memory_space<vmem>> -> memref<1x64xi32, #tpu.memory_space<vmem>>
    %dma_wait3A_106 = tpu.memref_squeeze %dma_wait3A_105 : memref<1x64xi32, #tpu.memory_space<vmem>> -> memref<64xi32, #tpu.memory_space<vmem>>
    %dma_wait3A_107 = tpu.memref_slice %arg2[%dma_wait3A_97, %mul3A_2] : memref<4x2048xi32, #tpu.memory_space<hbm>> -> memref<1x64xi32, #tpu.memory_space<hbm>>
    %dma_wait3A_108 = tpu.memref_squeeze %dma_wait3A_107 : memref<1x64xi32, #tpu.memory_space<hbm>> -> memref<64xi32, #tpu.memory_space<hbm>>
    tpu.wait_dma2 semaphore(%arg10 : memref<!tpu.dma_semaphore, #tpu.memory_space<semaphore_mem>>) src(%dma_wait3A_108 : memref<64xi32, #tpu.memory_space<hbm>>) dst(%dma_wait3A_106 : memref<64xi32, #tpu.memory_space<vmem>>)
    %dma_start3A_109 = arith.constant 0 : i32
    %dma_start3A_110 = arith.constant 0 : i32
    %dma_start3A_111 = arith.constant 0 : i32
    %dma_start3A_112 = arith.constant 0 : i32
    %dma_start3A_113 = tpu.memref_slice %arg9[%dma_start3A_110, %dma_start3A_111, %dma_start3A_112] : memref<6x16x1024xf32, #tpu.memory_space<vmem>> -> memref<1x16x1024xf32, #tpu.memory_space<vmem>>
    %dma_start3A_114 = tpu.memref_squeeze %dma_start3A_113 : memref<1x16x1024xf32, #tpu.memory_space<vmem>> -> memref<16x1024xf32, #tpu.memory_space<vmem>>
    %dma_start3A_115 = arith.constant 0 : i32
    %dma_start3A_116 = tpu.memref_slice %arg6[%dma_start3A_109, %dma_start3A_115] : memref<4x64xi32, #tpu.memory_space<vmem>> -> memref<1x16xi32, #tpu.memory_space<vmem>>
    %dma_start3A_117 = tpu.memref_squeeze %dma_start3A_116 : memref<1x16xi32, #tpu.memory_space<vmem>> -> memref<16xi32, #tpu.memory_space<vmem>>
    %dma_start3A_118 = arith.constant 0 : i32
    %dma_start3A_119 = arith.constant 0 : i32
    %dma_start3A_120 = tpu.memref_slice %arg3[%dma_start3A_118, %dma_start3A_119] : memref<32000x1024xf32, #tpu.memory_space<hbm>> -> memref<32000x1024xf32, #tpu.memory_space<hbm>>
    tpu.enqueue_indirect_dma source(%dma_start3A_120 : memref<32000x1024xf32, #tpu.memory_space<hbm>>) target(%dma_start3A_114 : memref<16x1024xf32, #tpu.memory_space<vmem>>) offsets(%dma_start3A_117 : memref<16xi32, #tpu.memory_space<vmem>>) semaphore(%arg13 : memref<!tpu.dma_semaphore, #tpu.memory_space<semaphore_mem>>)
    %dma_start3A_121 = arith.constant 1 : i32
    %dma_start3A_122 = arith.constant 1 : i32
    %dma_start3A_123 = arith.constant 0 : i32
    %dma_start3A_124 = arith.constant 0 : i32
    %dma_start3A_125 = tpu.memref_slice %arg9[%dma_start3A_122, %dma_start3A_123, %dma_start3A_124] : memref<6x16x1024xf32, #tpu.memory_space<vmem>> -> memref<1x16x1024xf32, #tpu.memory_space<vmem>>
    %dma_start3A_126 = tpu.memref_squeeze %dma_start3A_125 : memref<1x16x1024xf32, #tpu.memory_space<vmem>> -> memref<16x1024xf32, #tpu.memory_space<vmem>>
    %dma_start3A_127 = arith.constant 0 : i32
    %dma_start3A_128 = tpu.memref_slice %arg6[%dma_start3A_121, %dma_start3A_127] : memref<4x64xi32, #tpu.memory_space<vmem>> -> memref<1x16xi32, #tpu.memory_space<vmem>>
    %dma_start3A_129 = tpu.memref_squeeze %dma_start3A_128 : memref<1x16xi32, #tpu.memory_space<vmem>> -> memref<16xi32, #tpu.memory_space<vmem>>
    %dma_start3A_130 = arith.constant 0 : i32
    %dma_start3A_131 = arith.constant 0 : i32
    %dma_start3A_132 = tpu.memref_slice %arg3[%dma_start3A_130, %dma_start3A_131] : memref<32000x1024xf32, #tpu.memory_space<hbm>> -> memref<32000x1024xf32, #tpu.memory_space<hbm>>
    tpu.enqueue_indirect_dma source(%dma_start3A_132 : memref<32000x1024xf32, #tpu.memory_space<hbm>>) target(%dma_start3A_126 : memref<16x1024xf32, #tpu.memory_space<vmem>>) offsets(%dma_start3A_129 : memref<16xi32, #tpu.memory_space<vmem>>) semaphore(%arg14 : memref<!tpu.dma_semaphore, #tpu.memory_space<semaphore_mem>>)
    %dma_start3A_133 = arith.constant 2 : i32
    %dma_start3A_134 = arith.constant 2 : i32
    %dma_start3A_135 = arith.constant 0 : i32
    %dma_start3A_136 = arith.constant 0 : i32
    %dma_start3A_137 = tpu.memref_slice %arg9[%dma_start3A_134, %dma_start3A_135, %dma_start3A_136] : memref<6x16x1024xf32, #tpu.memory_space<vmem>> -> memref<1x16x1024xf32, #tpu.memory_space<vmem>>
    %dma_start3A_138 = tpu.memref_squeeze %dma_start3A_137 : memref<1x16x1024xf32, #tpu.memory_space<vmem>> -> memref<16x1024xf32, #tpu.memory_space<vmem>>
    %dma_start3A_139 = arith.constant 0 : i32
    %dma_start3A_140 = tpu.memref_slice %arg6[%dma_start3A_133, %dma_start3A_139] : memref<4x64xi32, #tpu.memory_space<vmem>> -> memref<1x16xi32, #tpu.memory_space<vmem>>
    %dma_start3A_141 = tpu.memref_squeeze %dma_start3A_140 : memref<1x16xi32, #tpu.memory_space<vmem>> -> memref<16xi32, #tpu.memory_space<vmem>>
    %dma_start3A_142 = arith.constant 0 : i32
    %dma_start3A_143 = arith.constant 0 : i32
    %dma_start3A_144 = tpu.memref_slice %arg3[%dma_start3A_142, %dma_start3A_143] : memref<32000x1024xf32, #tpu.memory_space<hbm>> -> memref<32000x1024xf32, #tpu.memory_space<hbm>>
    tpu.enqueue_indirect_dma source(%dma_start3A_144 : memref<32000x1024xf32, #tpu.memory_space<hbm>>) target(%dma_start3A_138 : memref<16x1024xf32, #tpu.memory_space<vmem>>) offsets(%dma_start3A_141 : memref<16xi32, #tpu.memory_space<vmem>>) semaphore(%arg15 : memref<!tpu.dma_semaphore, #tpu.memory_space<semaphore_mem>>)
    %dma_start3A_145 = arith.constant 3 : i32
    %dma_start3A_146 = arith.constant 3 : i32
    %dma_start3A_147 = arith.constant 0 : i32
    %dma_start3A_148 = arith.constant 0 : i32
    %dma_start3A_149 = tpu.memref_slice %arg9[%dma_start3A_146, %dma_start3A_147, %dma_start3A_148] : memref<6x16x1024xf32, #tpu.memory_space<vmem>> -> memref<1x16x1024xf32, #tpu.memory_space<vmem>>
    %dma_start3A_150 = tpu.memref_squeeze %dma_start3A_149 : memref<1x16x1024xf32, #tpu.memory_space<vmem>> -> memref<16x1024xf32, #tpu.memory_space<vmem>>
    %dma_start3A_151 = arith.constant 0 : i32
    %dma_start3A_152 = tpu.memref_slice %arg6[%dma_start3A_145, %dma_start3A_151] : memref<4x64xi32, #tpu.memory_space<vmem>> -> memref<1x16xi32, #tpu.memory_space<vmem>>
    %dma_start3A_153 = tpu.memref_squeeze %dma_start3A_152 : memref<1x16xi32, #tpu.memory_space<vmem>> -> memref<16xi32, #tpu.memory_space<vmem>>
    %dma_start3A_154 = arith.constant 0 : i32
    %dma_start3A_155 = arith.constant 0 : i32
    %dma_start3A_156 = tpu.memref_slice %arg3[%dma_start3A_154, %dma_start3A_155] : memref<32000x1024xf32, #tpu.memory_space<hbm>> -> memref<32000x1024xf32, #tpu.memory_space<hbm>>
    tpu.enqueue_indirect_dma source(%dma_start3A_156 : memref<32000x1024xf32, #tpu.memory_space<hbm>>) target(%dma_start3A_150 : memref<16x1024xf32, #tpu.memory_space<vmem>>) offsets(%dma_start3A_153 : memref<16xi32, #tpu.memory_space<vmem>>) semaphore(%arg16 : memref<!tpu.dma_semaphore, #tpu.memory_space<semaphore_mem>>)
    %dma_start3A_157 = arith.constant 0 : i32
    %dma_start3A_158 = arith.constant 4 : i32
    %dma_start3A_159 = arith.constant 0 : i32
    %dma_start3A_160 = arith.constant 0 : i32
    %dma_start3A_161 = tpu.memref_slice %arg9[%dma_start3A_158, %dma_start3A_159, %dma_start3A_160] : memref<6x16x1024xf32, #tpu.memory_space<vmem>> -> memref<1x16x1024xf32, #tpu.memory_space<vmem>>
    %dma_start3A_162 = tpu.memref_squeeze %dma_start3A_161 : memref<1x16x1024xf32, #tpu.memory_space<vmem>> -> memref<16x1024xf32, #tpu.memory_space<vmem>>
    %dma_start3A_163 = arith.constant 16 : i32
    %dma_start3A_164 = tpu.memref_slice %arg6[%dma_start3A_157, %dma_start3A_163] : memref<4x64xi32, #tpu.memory_space<vmem>> -> memref<1x16xi32, #tpu.memory_space<vmem>>
    %dma_start3A_165 = tpu.memref_squeeze %dma_start3A_164 : memref<1x16xi32, #tpu.memory_space<vmem>> -> memref<16xi32, #tpu.memory_space<vmem>>
    %dma_start3A_166 = arith.constant 0 : i32
    %dma_start3A_167 = arith.constant 0 : i32
    %dma_start3A_168 = tpu.memref_slice %arg3[%dma_start3A_166, %dma_start3A_167] : memref<32000x1024xf32, #tpu.memory_space<hbm>> -> memref<32000x1024xf32, #tpu.memory_space<hbm>>
    tpu.enqueue_indirect_dma source(%dma_start3A_168 : memref<32000x1024xf32, #tpu.memory_space<hbm>>) target(%dma_start3A_162 : memref<16x1024xf32, #tpu.memory_space<vmem>>) offsets(%dma_start3A_165 : memref<16xi32, #tpu.memory_space<vmem>>) semaphore(%arg17 : memref<!tpu.dma_semaphore, #tpu.memory_space<semaphore_mem>>)
    %dma_wait3A_169 = tpu.memref_slice %arg4[%mul3A_53] : memref<2097152xbf16, #tpu.memory_space<hbm>> -> memref<16384xbf16, #tpu.memory_space<hbm>>
    %dma_wait3A_170 = tpu.memref_slice %arg4[%mul3A_53] : memref<2097152xbf16, #tpu.memory_space<hbm>> -> memref<16384xbf16, #tpu.memory_space<hbm>>
    tpu.wait_dma2 semaphore(%arg11 : memref<!tpu.dma_semaphore, #tpu.memory_space<semaphore_mem>>) src(%dma_wait3A_170 : memref<16384xbf16, #tpu.memory_space<hbm>>) dst(%arg7 : memref<16384xbf16, #tpu.memory_space<vmem>>)
    %dma_wait3A_171 = arith.constant 0 : i32
    %dma_wait3A_172 = arith.constant 0 : i32
    %dma_wait3A_173 = arith.constant 0 : i32
    %dma_wait3A_174 = arith.constant 0 : i32
    %dma_wait3A_175 = tpu.memref_slice %arg9[%dma_wait3A_172, %dma_wait3A_173, %dma_wait3A_174] : memref<6x16x1024xf32, #tpu.memory_space<vmem>> -> memref<1x16x1024xf32, #tpu.memory_space<vmem>>
    %dma_wait3A_176 = tpu.memref_squeeze %dma_wait3A_175 : memref<1x16x1024xf32, #tpu.memory_space<vmem>> -> memref<16x1024xf32, #tpu.memory_space<vmem>>
    %dma_wait3A_177 = arith.constant 0 : i32
    %dma_wait3A_178 = tpu.memref_slice %arg6[%dma_wait3A_171, %dma_wait3A_177] : memref<4x64xi32, #tpu.memory_space<vmem>> -> memref<1x16xi32, #tpu.memory_space<vmem>>
    %dma_wait3A_179 = tpu.memref_squeeze %dma_wait3A_178 : memref<1x16xi32, #tpu.memory_space<vmem>> -> memref<16xi32, #tpu.memory_space<vmem>>
    %dma_wait3A_180 = arith.constant 0 : i32
    %dma_wait3A_181 = arith.constant 0 : i32
    %dma_wait3A_182 = tpu.memref_slice %arg3[%dma_wait3A_180, %dma_wait3A_181] : memref<32000x1024xf32, #tpu.memory_space<hbm>> -> memref<32000x1024xf32, #tpu.memory_space<hbm>>
    tpu.wait_indirect_dma semaphore(%arg13 : memref<!tpu.dma_semaphore, #tpu.memory_space<semaphore_mem>>) src(%dma_wait3A_182 : memref<32000x1024xf32, #tpu.memory_space<hbm>>) dst(%dma_wait3A_176 : memref<16x1024xf32, #tpu.memory_space<vmem>>)
    %parallel_loop3A = arith.constant 0 : i32
    %parallel_loop3A_183 = arith.constant 1024 : i32
    %parallel_loop3A_184 = arith.constant 1 : i32
    scf.for %parallel_loop3A_1104 = %parallel_loop3A to %parallel_loop3A_183 step %parallel_loop3A_184  : i32 {
      %parallel_loop3A_1105 = arith.constant 6 : i32
      %parallel_loop3A_1106 = arith.shrsi %parallel_loop3A_1104, %parallel_loop3A_1105 : i32
      %parallel_loop3A_1107 = arith.constant 63 : i32
      %parallel_loop3A_1108 = arith.andi %parallel_loop3A_1104, %parallel_loop3A_1107 : i32
      %parallel_loop3A_1109 = arith.constant 16 : i32
      %parallel_loop3A_1110 = arith.muli %parallel_loop3A_1108, %parallel_loop3A_1109 : i32
      %parallel_loop3A_1111 = arith.constant 16 : i32
      %parallel_loop3A_1112 = arith.muli %parallel_loop3A_1104, %parallel_loop3A_1111 : i32
      %parallel_loop3A_1113 = arith.index_cast %parallel_loop3A_1112 : i32 to index
      %parallel_loop3A_1114 = tpu.vector_load %arg7[%parallel_loop3A_1113] {strides = array<i32>} : memref<16384xbf16, #tpu.memory_space<vmem>>, vector<16xbf16>,
      %parallel_loop3A_1115 = vector.shape_cast %parallel_loop3A_1114 : vector<16xbf16> to vector<16xbf16>
      %parallel_loop3A_1116 = arith.extf %parallel_loop3A_1115 : vector<16xbf16> to vector<16xf32>
      %parallel_loop3A_1117 = arith.constant 0 : i32
      %parallel_loop3A_1118 = arith.index_cast %parallel_loop3A_1117 : i32 to index
      %parallel_loop3A_1119 = arith.index_cast %parallel_loop3A_1106 : i32 to index
      %parallel_loop3A_1120 = arith.index_cast %parallel_loop3A_1110 : i32 to index
      %parallel_loop3A_1121 = tpu.vector_load %arg9[%parallel_loop3A_1118, %parallel_loop3A_1119, %parallel_loop3A_1120] {strides = array<i32>} : memref<6x16x1024xf32, #tpu.memory_space<vmem>>, vector<1x1x16xf32>,
      %parallel_loop3A_1122 = vector.shape_cast %parallel_loop3A_1121 : vector<1x1x16xf32> to vector<16xf32>
      %parallel_loop3A_1123 = vector.shape_cast %parallel_loop3A_1116 : vector<16xf32> to vector<1x1x16xf32>
      tpu.vector_store %arg9[%parallel_loop3A_1118, %parallel_loop3A_1119, %parallel_loop3A_1120], %parallel_loop3A_1123 {add = true, strides = array<i32>} : memref<6x16x1024xf32, #tpu.memory_space<vmem>>, vector<1x1x16xf32>,
    } {sc.loop_unroll_factor = 8 : i64, sc.parallel_access}
    %dma_start3A_185 = arith.constant 1 : i32
    %dma_start3A_186 = arith.constant 5 : i32
    %dma_start3A_187 = arith.constant 0 : i32
    %dma_start3A_188 = arith.constant 0 : i32
    %dma_start3A_189 = tpu.memref_slice %arg9[%dma_start3A_186, %dma_start3A_187, %dma_start3A_188] : memref<6x16x1024xf32, #tpu.memory_space<vmem>> -> memref<1x16x1024xf32, #tpu.memory_space<vmem>>
    %dma_start3A_190 = tpu.memref_squeeze %dma_start3A_189 : memref<1x16x1024xf32, #tpu.memory_space<vmem>> -> memref<16x1024xf32, #tpu.memory_space<vmem>>
    %dma_start3A_191 = arith.constant 16 : i32
    %dma_start3A_192 = tpu.memref_slice %arg6[%dma_start3A_185, %dma_start3A_191] : memref<4x64xi32, #tpu.memory_space<vmem>> -> memref<1x16xi32, #tpu.memory_space<vmem>>
    %dma_start3A_193 = tpu.memref_squeeze %dma_start3A_192 : memref<1x16xi32, #tpu.memory_space<vmem>> -> memref<16xi32, #tpu.memory_space<vmem>>
    %dma_start3A_194 = arith.constant 0 : i32
    %dma_start3A_195 = arith.constant 0 : i32
    %dma_start3A_196 = tpu.memref_slice %arg3[%dma_start3A_194, %dma_start3A_195] : memref<32000x1024xf32, #tpu.memory_space<hbm>> -> memref<32000x1024xf32, #tpu.memory_space<hbm>>
    tpu.enqueue_indirect_dma source(%dma_start3A_196 : memref<32000x1024xf32, #tpu.memory_space<hbm>>) target(%dma_start3A_190 : memref<16x1024xf32, #tpu.memory_space<vmem>>) offsets(%dma_start3A_193 : memref<16xi32, #tpu.memory_space<vmem>>) semaphore(%arg18 : memref<!tpu.dma_semaphore, #tpu.memory_space<semaphore_mem>>)
    %add3A_197 = arith.constant 0 : i32
    %add3A_198 = arith.addi %mul3A_2, %add3A_197 : i32
    %dma_start3A_199 = arith.constant 0 : i32
    %dma_start3A_200 = arith.constant 0 : i32
    %dma_start3A_201 = arith.constant 0 : i32
    %dma_start3A_202 = arith.constant 0 : i32
    %dma_start3A_203 = tpu.memref_slice %arg9[%dma_start3A_199, %dma_start3A_201, %dma_start3A_202] : memref<6x16x1024xf32, #tpu.memory_space<vmem>> -> memref<1x16x1024xf32, #tpu.memory_space<vmem>>
    %dma_start3A_204 = tpu.memref_squeeze %dma_start3A_203 : memref<1x16x1024xf32, #tpu.memory_space<vmem>> -> memref<16x1024xf32, #tpu.memory_space<vmem>>
    %dma_start3A_205 = arith.constant 0 : i32
    %dma_start3A_206 = tpu.memref_slice %arg5[%dma_start3A_200, %add3A_198, %dma_start3A_205] : memref<4x2048x1024xf32, #tpu.memory_space<hbm>> -> memref<1x16x1024xf32, #tpu.memory_space<hbm>>
    %dma_start3A_207 = tpu.memref_squeeze %dma_start3A_206 : memref<1x16x1024xf32, #tpu.memory_space<hbm>> -> memref<16x1024xf32, #tpu.memory_space<hbm>>
    %dma_start3A_208 = arith.constant 0 : i32
    %dma_start3A_209 = tpu.memref_slice %arg5[%dma_start3A_200, %add3A_198, %dma_start3A_208] : memref<4x2048x1024xf32, #tpu.memory_space<hbm>> -> memref<1x16x1024xf32, #tpu.memory_space<hbm>>
    %dma_start3A_210 = tpu.memref_squeeze %dma_start3A_209 : memref<1x16x1024xf32, #tpu.memory_space<hbm>> -> memref<16x1024xf32, #tpu.memory_space<hbm>>
    %dma_start3A_211 = arith.constant 0 : i32
    %dma_start3A_212 = arith.constant 0 : i32
    %dma_start3A_213 = tpu.memref_slice %arg9[%dma_start3A_199, %dma_start3A_211, %dma_start3A_212] : memref<6x16x1024xf32, #tpu.memory_space<vmem>> -> memref<1x16x1024xf32, #tpu.memory_space<vmem>>
    %dma_start3A_214 = tpu.memref_squeeze %dma_start3A_213 : memref<1x16x1024xf32, #tpu.memory_space<vmem>> -> memref<16x1024xf32, #tpu.memory_space<vmem>>
    tpu.enqueue_dma source(%dma_start3A_214 : memref<16x1024xf32, #tpu.memory_space<vmem>>) target(%dma_start3A_210 : memref<16x1024xf32, #tpu.memory_space<hbm>>) target_semaphore(%arg19 : memref<!tpu.dma_semaphore, #tpu.memory_space<semaphore_mem>>)
    %dma_wait3A_215 = arith.constant 1 : i32
    %dma_wait3A_216 = arith.constant 1 : i32
    %dma_wait3A_217 = arith.constant 0 : i32
    %dma_wait3A_218 = arith.constant 0 : i32
    %dma_wait3A_219 = tpu.memref_slice %arg9[%dma_wait3A_216, %dma_wait3A_217, %dma_wait3A_218] : memref<6x16x1024xf32, #tpu.memory_space<vmem>> -> memref<1x16x1024xf32, #tpu.memory_space<vmem>>
    %dma_wait3A_220 = tpu.memref_squeeze %dma_wait3A_219 : memref<1x16x1024xf32, #tpu.memory_space<vmem>> -> memref<16x1024xf32, #tpu.memory_space<vmem>>
    %dma_wait3A_221 = arith.constant 0 : i32
    %dma_wait3A_222 = tpu.memref_slice %arg6[%dma_wait3A_215, %dma_wait3A_221] : memref<4x64xi32, #tpu.memory_space<vmem>> -> memref<1x16xi32, #tpu.memory_space<vmem>>
    %dma_wait3A_223 = tpu.memref_squeeze %dma_wait3A_222 : memref<1x16xi32, #tpu.memory_space<vmem>> -> memref<16xi32, #tpu.memory_space<vmem>>
    %dma_wait3A_224 = arith.constant 0 : i32
    %dma_wait3A_225 = arith.constant 0 : i32
    %dma_wait3A_226 = tpu.memref_slice %arg3[%dma_wait3A_224, %dma_wait3A_225] : memref<32000x1024xf32, #tpu.memory_space<hbm>> -> memref<32000x1024xf32, #tpu.memory_space<hbm>>
    tpu.wait_indirect_dma semaphore(%arg14 : memref<!tpu.dma_semaphore, #tpu.memory_space<semaphore_mem>>) src(%dma_wait3A_226 : memref<32000x1024xf32, #tpu.memory_space<hbm>>) dst(%dma_wait3A_220 : memref<16x1024xf32, #tpu.memory_space<vmem>>)
    %parallel_loop3A_227 = arith.constant 0 : i32
    %parallel_loop3A_228 = arith.constant 1024 : i32
    %parallel_loop3A_229 = arith.constant 1 : i32
    scf.for %parallel_loop3A_1104 = %parallel_loop3A_227 to %parallel_loop3A_228 step %parallel_loop3A_229  : i32 {
      %parallel_loop3A_1105 = arith.constant 6 : i32
      %parallel_loop3A_1106 = arith.shrsi %parallel_loop3A_1104, %parallel_loop3A_1105 : i32
      %parallel_loop3A_1107 = arith.constant 63 : i32
      %parallel_loop3A_1108 = arith.andi %parallel_loop3A_1104, %parallel_loop3A_1107 : i32
      %parallel_loop3A_1109 = arith.constant 16 : i32
      %parallel_loop3A_1110 = arith.muli %parallel_loop3A_1108, %parallel_loop3A_1109 : i32
      %parallel_loop3A_1111 = arith.constant 16 : i32
      %parallel_loop3A_1112 = arith.muli %parallel_loop3A_1104, %parallel_loop3A_1111 : i32
      %parallel_loop3A_1113 = arith.index_cast %parallel_loop3A_1112 : i32 to index
      %parallel_loop3A_1114 = tpu.vector_load %arg7[%parallel_loop3A_1113] {strides = array<i32>} : memref<16384xbf16, #tpu.memory_space<vmem>>, vector<16xbf16>,
      %parallel_loop3A_1115 = vector.shape_cast %parallel_loop3A_1114 : vector<16xbf16> to vector<16xbf16>
      %parallel_loop3A_1116 = arith.extf %parallel_loop3A_1115 : vector<16xbf16> to vector<16xf32>
      %parallel_loop3A_1117 = arith.constant 1 : i32
      %parallel_loop3A_1118 = arith.index_cast %parallel_loop3A_1117 : i32 to index
      %parallel_loop3A_1119 = arith.index_cast %parallel_loop3A_1106 : i32 to index
      %parallel_loop3A_1120 = arith.index_cast %parallel_loop3A_1110 : i32 to index
      %parallel_loop3A_1121 = tpu.vector_load %arg9[%parallel_loop3A_1118, %parallel_loop3A_1119, %parallel_loop3A_1120] {strides = array<i32>} : memref<6x16x1024xf32, #tpu.memory_space<vmem>>, vector<1x1x16xf32>,
      %parallel_loop3A_1122 = vector.shape_cast %parallel_loop3A_1121 : vector<1x1x16xf32> to vector<16xf32>
      %parallel_loop3A_1123 = vector.shape_cast %parallel_loop3A_1116 : vector<16xf32> to vector<1x1x16xf32>
      tpu.vector_store %arg9[%parallel_loop3A_1118, %parallel_loop3A_1119, %parallel_loop3A_1120], %parallel_loop3A_1123 {add = true, strides = array<i32>} : memref<6x16x1024xf32, #tpu.memory_space<vmem>>, vector<1x1x16xf32>,
    } {sc.loop_unroll_factor = 8 : i64, sc.parallel_access}
    %dma_wait3A_230 = arith.constant 0 : i32
    %dma_wait3A_231 = arith.constant 0 : i32
    %dma_wait3A_232 = arith.constant 0 : i32
    %dma_wait3A_233 = arith.constant 0 : i32
    %dma_wait3A_234 = tpu.memref_slice %arg9[%dma_wait3A_230, %dma_wait3A_232, %dma_wait3A_233] : memref<6x16x1024xf32, #tpu.memory_space<vmem>> -> memref<1x16x1024xf32, #tpu.memory_space<vmem>>
    %dma_wait3A_235 = tpu.memref_squeeze %dma_wait3A_234 : memref<1x16x1024xf32, #tpu.memory_space<vmem>> -> memref<16x1024xf32, #tpu.memory_space<vmem>>
    %dma_wait3A_236 = arith.constant 0 : i32
    %dma_wait3A_237 = tpu.memref_slice %arg5[%dma_wait3A_231, %add3A_198, %dma_wait3A_236] : memref<4x2048x1024xf32, #tpu.memory_space<hbm>> -> memref<1x16x1024xf32, #tpu.memory_space<hbm>>
    %dma_wait3A_238 = tpu.memref_squeeze %dma_wait3A_237 : memref<1x16x1024xf32, #tpu.memory_space<hbm>> -> memref<16x1024xf32, #tpu.memory_space<hbm>>
    %dma_wait3A_239 = arith.constant 0 : i32
    %dma_wait3A_240 = tpu.memref_slice %arg5[%dma_wait3A_231, %add3A_198, %dma_wait3A_239] : memref<4x2048x1024xf32, #tpu.memory_space<hbm>> -> memref<1x16x1024xf32, #tpu.memory_space<hbm>>
    %dma_wait3A_241 = tpu.memref_squeeze %dma_wait3A_240 : memref<1x16x1024xf32, #tpu.memory_space<hbm>> -> memref<16x1024xf32, #tpu.memory_space<hbm>>
    %dma_wait3A_242 = arith.constant 0 : i32
    %dma_wait3A_243 = arith.constant 0 : i32
    %dma_wait3A_244 = tpu.memref_slice %arg9[%dma_wait3A_230, %dma_wait3A_242, %dma_wait3A_243] : memref<6x16x1024xf32, #tpu.memory_space<vmem>> -> memref<1x16x1024xf32, #tpu.memory_space<vmem>>
    %dma_wait3A_245 = tpu.memref_squeeze %dma_wait3A_244 : memref<1x16x1024xf32, #tpu.memory_space<vmem>> -> memref<16x1024xf32, #tpu.memory_space<vmem>>
    tpu.wait_dma2 semaphore(%arg19 : memref<!tpu.dma_semaphore, #tpu.memory_space<semaphore_mem>>) src(%dma_wait3A_245 : memref<16x1024xf32, #tpu.memory_space<vmem>>) dst(%dma_wait3A_241 : memref<16x1024xf32, #tpu.memory_space<hbm>>)
    %dma_start3A_246 = arith.constant 2 : i32
    %dma_start3A_247 = arith.constant 0 : i32
    %dma_start3A_248 = arith.constant 0 : i32
    %dma_start3A_249 = arith.constant 0 : i32
    %dma_start3A_250 = tpu.memref_slice %arg9[%dma_start3A_247, %dma_start3A_248, %dma_start3A_249] : memref<6x16x1024xf32, #tpu.memory_space<vmem>> -> memref<1x16x1024xf32, #tpu.memory_space<vmem>>
    %dma_start3A_251 = tpu.memref_squeeze %dma_start3A_250 : memref<1x16x1024xf32, #tpu.memory_space<vmem>> -> memref<16x1024xf32, #tpu.memory_space<vmem>>
    %dma_start3A_252 = arith.constant 16 : i32
    %dma_start3A_253 = tpu.memref_slice %arg6[%dma_start3A_246, %dma_start3A_252] : memref<4x64xi32, #tpu.memory_space<vmem>> -> memref<1x16xi32, #tpu.memory_space<vmem>>
    %dma_start3A_254 = tpu.memref_squeeze %dma_start3A_253 : memref<1x16xi32, #tpu.memory_space<vmem>> -> memref<16xi32, #tpu.memory_space<vmem>>
    %dma_start3A_255 = arith.constant 0 : i32
    %dma_start3A_256 = arith.constant 0 : i32
    %dma_start3A_257 = tpu.memref_slice %arg3[%dma_start3A_255, %dma_start3A_256] : memref<32000x1024xf32, #tpu.memory_space<hbm>> -> memref<32000x1024xf32, #tpu.memory_space<hbm>>
    tpu.enqueue_indirect_dma source(%dma_start3A_257 : memref<32000x1024xf32, #tpu.memory_space<hbm>>) target(%dma_start3A_251 : memref<16x1024xf32, #tpu.memory_space<vmem>>) offsets(%dma_start3A_254 : memref<16xi32, #tpu.memory_space<vmem>>) semaphore(%arg13 : memref<!tpu.dma_semaphore, #tpu.memory_space<semaphore_mem>>)
    %add3A_258 = arith.constant 0 : i32
    %add3A_259 = arith.addi %mul3A_2, %add3A_258 : i32
    %dma_start3A_260 = arith.constant 1 : i32
    %dma_start3A_261 = arith.constant 1 : i32
    %dma_start3A_262 = arith.constant 0 : i32
    %dma_start3A_263 = arith.constant 0 : i32
    %dma_start3A_264 = tpu.memref_slice %arg9[%dma_start3A_260, %dma_start3A_262, %dma_start3A_263] : memref<6x16x1024xf32, #tpu.memory_space<vmem>> -> memref<1x16x1024xf32, #tpu.memory_space<vmem>>
    %dma_start3A_265 = tpu.memref_squeeze %dma_start3A_264 : memref<1x16x1024xf32, #tpu.memory_space<vmem>> -> memref<16x1024xf32, #tpu.memory_space<vmem>>
    %dma_start3A_266 = arith.constant 0 : i32
    %dma_start3A_267 = tpu.memref_slice %arg5[%dma_start3A_261, %add3A_259, %dma_start3A_266] : memref<4x2048x1024xf32, #tpu.memory_space<hbm>> -> memref<1x16x1024xf32, #tpu.memory_space<hbm>>
    %dma_start3A_268 = tpu.memref_squeeze %dma_start3A_267 : memref<1x16x1024xf32, #tpu.memory_space<hbm>> -> memref<16x1024xf32, #tpu.memory_space<hbm>>
    %dma_start3A_269 = arith.constant 0 : i32
    %dma_start3A_270 = tpu.memref_slice %arg5[%dma_start3A_261, %add3A_259, %dma_start3A_269] : memref<4x2048x1024xf32, #tpu.memory_space<hbm>> -> memref<1x16x1024xf32, #tpu.memory_space<hbm>>
    %dma_start3A_271 = tpu.memref_squeeze %dma_start3A_270 : memref<1x16x1024xf32, #tpu.memory_space<hbm>> -> memref<16x1024xf32, #tpu.memory_space<hbm>>
    %dma_start3A_272 = arith.constant 0 : i32
    %dma_start3A_273 = arith.constant 0 : i32
    %dma_start3A_274 = tpu.memref_slice %arg9[%dma_start3A_260, %dma_start3A_272, %dma_start3A_273] : memref<6x16x1024xf32, #tpu.memory_space<vmem>> -> memref<1x16x1024xf32, #tpu.memory_space<vmem>>
    %dma_start3A_275 = tpu.memref_squeeze %dma_start3A_274 : memref<1x16x1024xf32, #tpu.memory_space<vmem>> -> memref<16x1024xf32, #tpu.memory_space<vmem>>
    tpu.enqueue_dma source(%dma_start3A_275 : memref<16x1024xf32, #tpu.memory_space<vmem>>) target(%dma_start3A_271 : memref<16x1024xf32, #tpu.memory_space<hbm>>) target_semaphore(%arg20 : memref<!tpu.dma_semaphore, #tpu.memory_space<semaphore_mem>>)
    %dma_wait3A_276 = arith.constant 2 : i32
    %dma_wait3A_277 = arith.constant 2 : i32
    %dma_wait3A_278 = arith.constant 0 : i32
    %dma_wait3A_279 = arith.constant 0 : i32
    %dma_wait3A_280 = tpu.memref_slice %arg9[%dma_wait3A_277, %dma_wait3A_278, %dma_wait3A_279] : memref<6x16x1024xf32, #tpu.memory_space<vmem>> -> memref<1x16x1024xf32, #tpu.memory_space<vmem>>
    %dma_wait3A_281 = tpu.memref_squeeze %dma_wait3A_280 : memref<1x16x1024xf32, #tpu.memory_space<vmem>> -> memref<16x1024xf32, #tpu.memory_space<vmem>>
    %dma_wait3A_282 = arith.constant 0 : i32
    %dma_wait3A_283 = tpu.memref_slice %arg6[%dma_wait3A_276, %dma_wait3A_282] : memref<4x64xi32, #tpu.memory_space<vmem>> -> memref<1x16xi32, #tpu.memory_space<vmem>>
    %dma_wait3A_284 = tpu.memref_squeeze %dma_wait3A_283 : memref<1x16xi32, #tpu.memory_space<vmem>> -> memref<16xi32, #tpu.memory_space<vmem>>
    %dma_wait3A_285 = arith.constant 0 : i32
    %dma_wait3A_286 = arith.constant 0 : i32
    %dma_wait3A_287 = tpu.memref_slice %arg3[%dma_wait3A_285, %dma_wait3A_286] : memref<32000x1024xf32, #tpu.memory_space<hbm>> -> memref<32000x1024xf32, #tpu.memory_space<hbm>>
    tpu.wait_indirect_dma semaphore(%arg15 : memref<!tpu.dma_semaphore, #tpu.memory_space<semaphore_mem>>) src(%dma_wait3A_287 : memref<32000x1024xf32, #tpu.memory_space<hbm>>) dst(%dma_wait3A_281 : memref<16x1024xf32, #tpu.memory_space<vmem>>)
    %parallel_loop3A_288 = arith.constant 0 : i32
    %parallel_loop3A_289 = arith.constant 1024 : i32
    %parallel_loop3A_290 = arith.constant 1 : i32
    scf.for %parallel_loop3A_1104 = %parallel_loop3A_288 to %parallel_loop3A_289 step %parallel_loop3A_290  : i32 {
      %parallel_loop3A_1105 = arith.constant 6 : i32
      %parallel_loop3A_1106 = arith.shrsi %parallel_loop3A_1104, %parallel_loop3A_1105 : i32
      %parallel_loop3A_1107 = arith.constant 63 : i32
      %parallel_loop3A_1108 = arith.andi %parallel_loop3A_1104, %parallel_loop3A_1107 : i32
      %parallel_loop3A_1109 = arith.constant 16 : i32
      %parallel_loop3A_1110 = arith.muli %parallel_loop3A_1108, %parallel_loop3A_1109 : i32
      %parallel_loop3A_1111 = arith.constant 16 : i32
      %parallel_loop3A_1112 = arith.muli %parallel_loop3A_1104, %parallel_loop3A_1111 : i32
      %parallel_loop3A_1113 = arith.index_cast %parallel_loop3A_1112 : i32 to index
      %parallel_loop3A_1114 = tpu.vector_load %arg7[%parallel_loop3A_1113] {strides = array<i32>} : memref<16384xbf16, #tpu.memory_space<vmem>>, vector<16xbf16>,
      %parallel_loop3A_1115 = vector.shape_cast %parallel_loop3A_1114 : vector<16xbf16> to vector<16xbf16>
      %parallel_loop3A_1116 = arith.extf %parallel_loop3A_1115 : vector<16xbf16> to vector<16xf32>
      %parallel_loop3A_1117 = arith.constant 2 : i32
      %parallel_loop3A_1118 = arith.index_cast %parallel_loop3A_1117 : i32 to index
      %parallel_loop3A_1119 = arith.index_cast %parallel_loop3A_1106 : i32 to index
      %parallel_loop3A_1120 = arith.index_cast %parallel_loop3A_1110 : i32 to index
      %parallel_loop3A_1121 = tpu.vector_load %arg9[%parallel_loop3A_1118, %parallel_loop3A_1119, %parallel_loop3A_1120] {strides = array<i32>} : memref<6x16x1024xf32, #tpu.memory_space<vmem>>, vector<1x1x16xf32>,
      %parallel_loop3A_1122 = vector.shape_cast %parallel_loop3A_1121 : vector<1x1x16xf32> to vector<16xf32>
      %parallel_loop3A_1123 = vector.shape_cast %parallel_loop3A_1116 : vector<16xf32> to vector<1x1x16xf32>
      tpu.vector_store %arg9[%parallel_loop3A_1118, %parallel_loop3A_1119, %parallel_loop3A_1120], %parallel_loop3A_1123 {add = true, strides = array<i32>} : memref<6x16x1024xf32, #tpu.memory_space<vmem>>, vector<1x1x16xf32>,
    } {sc.loop_unroll_factor = 8 : i64, sc.parallel_access}
    %dma_wait3A_291 = arith.constant 1 : i32
    %dma_wait3A_292 = arith.constant 1 : i32
    %dma_wait3A_293 = arith.constant 0 : i32
    %dma_wait3A_294 = arith.constant 0 : i32
    %dma_wait3A_295 = tpu.memref_slice %arg9[%dma_wait3A_291, %dma_wait3A_293, %dma_wait3A_294] : memref<6x16x1024xf32, #tpu.memory_space<vmem>> -> memref<1x16x1024xf32, #tpu.memory_space<vmem>>
    %dma_wait3A_296 = tpu.memref_squeeze %dma_wait3A_295 : memref<1x16x1024xf32, #tpu.memory_space<vmem>> -> memref<16x1024xf32, #tpu.memory_space<vmem>>
    %dma_wait3A_297 = arith.constant 0 : i32
    %dma_wait3A_298 = tpu.memref_slice %arg5[%dma_wait3A_292, %add3A_259, %dma_wait3A_297] : memref<4x2048x1024xf32, #tpu.memory_space<hbm>> -> memref<1x16x1024xf32, #tpu.memory_space<hbm>>
    %dma_wait3A_299 = tpu.memref_squeeze %dma_wait3A_298 : memref<1x16x1024xf32, #tpu.memory_space<hbm>> -> memref<16x1024xf32, #tpu.memory_space<hbm>>
    %dma_wait3A_300 = arith.constant 0 : i32
    %dma_wait3A_301 = tpu.memref_slice %arg5[%dma_wait3A_292, %add3A_259, %dma_wait3A_300] : memref<4x2048x1024xf32, #tpu.memory_space<hbm>> -> memref<1x16x1024xf32, #tpu.memory_space<hbm>>
    %dma_wait3A_302 = tpu.memref_squeeze %dma_wait3A_301 : memref<1x16x1024xf32, #tpu.memory_space<hbm>> -> memref<16x1024xf32, #tpu.memory_space<hbm>>
    %dma_wait3A_303 = arith.constant 0 : i32
    %dma_wait3A_304 = arith.constant 0 : i32
    %dma_wait3A_305 = tpu.memref_slice %arg9[%dma_wait3A_291, %dma_wait3A_303, %dma_wait3A_304] : memref<6x16x1024xf32, #tpu.memory_space<vmem>> -> memref<1x16x1024xf32, #tpu.memory_space<vmem>>
    %dma_wait3A_306 = tpu.memref_squeeze %dma_wait3A_305 : memref<1x16x1024xf32, #tpu.memory_space<vmem>> -> memref<16x1024xf32, #tpu.memory_space<vmem>>
    tpu.wait_dma2 semaphore(%arg20 : memref<!tpu.dma_semaphore, #tpu.memory_space<semaphore_mem>>) src(%dma_wait3A_306 : memref<16x1024xf32, #tpu.memory_space<vmem>>) dst(%dma_wait3A_302 : memref<16x1024xf32, #tpu.memory_space<hbm>>)
    %dma_start3A_307 = arith.constant 3 : i32
    %dma_start3A_308 = arith.constant 1 : i32
    %dma_start3A_309 = arith.constant 0 : i32
    %dma_start3A_310 = arith.constant 0 : i32
    %dma_start3A_311 = tpu.memref_slice %arg9[%dma_start3A_308, %dma_start3A_309, %dma_start3A_310] : memref<6x16x1024xf32, #tpu.memory_space<vmem>> -> memref<1x16x1024xf32, #tpu.memory_space<vmem>>
    %dma_start3A_312 = tpu.memref_squeeze %dma_start3A_311 : memref<1x16x1024xf32, #tpu.memory_space<vmem>> -> memref<16x1024xf32, #tpu.memory_space<vmem>>
    %dma_start3A_313 = arith.constant 16 : i32
    %dma_start3A_314 = tpu.memref_slice %arg6[%dma_start3A_307, %dma_start3A_313] : memref<4x64xi32, #tpu.memory_space<vmem>> -> memref<1x16xi32, #tpu.memory_space<vmem>>
    %dma_start3A_315 = tpu.memref_squeeze %dma_start3A_314 : memref<1x16xi32, #tpu.memory_space<vmem>> -> memref<16xi32, #tpu.memory_space<vmem>>
    %dma_start3A_316 = arith.constant 0 : i32
    %dma_start3A_317 = arith.constant 0 : i32
    %dma_start3A_318 = tpu.memref_slice %arg3[%dma_start3A_316, %dma_start3A_317] : memref<32000x1024xf32, #tpu.memory_space<hbm>> -> memref<32000x1024xf32, #tpu.memory_space<hbm>>
    tpu.enqueue_indirect_dma source(%dma_start3A_318 : memref<32000x1024xf32, #tpu.memory_space<hbm>>) target(%dma_start3A_312 : memref<16x1024xf32, #tpu.memory_space<vmem>>) offsets(%dma_start3A_315 : memref<16xi32, #tpu.memory_space<vmem>>) semaphore(%arg14 : memref<!tpu.dma_semaphore, #tpu.memory_space<semaphore_mem>>)
    %add3A_319 = arith.constant 0 : i32
    %add3A_320 = arith.addi %mul3A_2, %add3A_319 : i32
    %dma_start3A_321 = arith.constant 2 : i32
    %dma_start3A_322 = arith.constant 2 : i32
    %dma_start3A_323 = arith.constant 0 : i32
    %dma_start3A_324 = arith.constant 0 : i32
    %dma_start3A_325 = tpu.memref_slice %arg9[%dma_start3A_321, %dma_start3A_323, %dma_start3A_324] : memref<6x16x1024xf32, #tpu.memory_space<vmem>> -> memref<1x16x1024xf32, #tpu.memory_space<vmem>>
    %dma_start3A_326 = tpu.memref_squeeze %dma_start3A_325 : memref<1x16x1024xf32, #tpu.memory_space<vmem>> -> memref<16x1024xf32, #tpu.memory_space<vmem>>
    %dma_start3A_327 = arith.constant 0 : i32
    %dma_start3A_328 = tpu.memref_slice %arg5[%dma_start3A_322, %add3A_320, %dma_start3A_327] : memref<4x2048x1024xf32, #tpu.memory_space<hbm>> -> memref<1x16x1024xf32, #tpu.memory_space<hbm>>
    %dma_start3A_329 = tpu.memref_squeeze %dma_start3A_328 : memref<1x16x1024xf32, #tpu.memory_space<hbm>> -> memref<16x1024xf32, #tpu.memory_space<hbm>>
    %dma_start3A_330 = arith.constant 0 : i32
    %dma_start3A_331 = tpu.memref_slice %arg5[%dma_start3A_322, %add3A_320, %dma_start3A_330] : memref<4x2048x1024xf32, #tpu.memory_space<hbm>> -> memref<1x16x1024xf32, #tpu.memory_space<hbm>>
    %dma_start3A_332 = tpu.memref_squeeze %dma_start3A_331 : memref<1x16x1024xf32, #tpu.memory_space<hbm>> -> memref<16x1024xf32, #tpu.memory_space<hbm>>
    %dma_start3A_333 = arith.constant 0 : i32
    %dma_start3A_334 = arith.constant 0 : i32
    %dma_start3A_335 = tpu.memref_slice %arg9[%dma_start3A_321, %dma_start3A_333, %dma_start3A_334] : memref<6x16x1024xf32, #tpu.memory_space<vmem>> -> memref<1x16x1024xf32, #tpu.memory_space<vmem>>
    %dma_start3A_336 = tpu.memref_squeeze %dma_start3A_335 : memref<1x16x1024xf32, #tpu.memory_space<vmem>> -> memref<16x1024xf32, #tpu.memory_space<vmem>>
    tpu.enqueue_dma source(%dma_start3A_336 : memref<16x1024xf32, #tpu.memory_space<vmem>>) target(%dma_start3A_332 : memref<16x1024xf32, #tpu.memory_space<hbm>>) target_semaphore(%arg21 : memref<!tpu.dma_semaphore, #tpu.memory_space<semaphore_mem>>)
    %dma_wait3A_337 = arith.constant 3 : i32
    %dma_wait3A_338 = arith.constant 3 : i32
    %dma_wait3A_339 = arith.constant 0 : i32
    %dma_wait3A_340 = arith.constant 0 : i32
    %dma_wait3A_341 = tpu.memref_slice %arg9[%dma_wait3A_338, %dma_wait3A_339, %dma_wait3A_340] : memref<6x16x1024xf32, #tpu.memory_space<vmem>> -> memref<1x16x1024xf32, #tpu.memory_space<vmem>>
    %dma_wait3A_342 = tpu.memref_squeeze %dma_wait3A_341 : memref<1x16x1024xf32, #tpu.memory_space<vmem>> -> memref<16x1024xf32, #tpu.memory_space<vmem>>
    %dma_wait3A_343 = arith.constant 0 : i32
    %dma_wait3A_344 = tpu.memref_slice %arg6[%dma_wait3A_337, %dma_wait3A_343] : memref<4x64xi32, #tpu.memory_space<vmem>> -> memref<1x16xi32, #tpu.memory_space<vmem>>
    %dma_wait3A_345 = tpu.memref_squeeze %dma_wait3A_344 : memref<1x16xi32, #tpu.memory_space<vmem>> -> memref<16xi32, #tpu.memory_space<vmem>>
    %dma_wait3A_346 = arith.constant 0 : i32
    %dma_wait3A_347 = arith.constant 0 : i32
    %dma_wait3A_348 = tpu.memref_slice %arg3[%dma_wait3A_346, %dma_wait3A_347] : memref<32000x1024xf32, #tpu.memory_space<hbm>> -> memref<32000x1024xf32, #tpu.memory_space<hbm>>
    tpu.wait_indirect_dma semaphore(%arg16 : memref<!tpu.dma_semaphore, #tpu.memory_space<semaphore_mem>>) src(%dma_wait3A_348 : memref<32000x1024xf32, #tpu.memory_space<hbm>>) dst(%dma_wait3A_342 : memref<16x1024xf32, #tpu.memory_space<vmem>>)
    %parallel_loop3A_349 = arith.constant 0 : i32
    %parallel_loop3A_350 = arith.constant 1024 : i32
    %parallel_loop3A_351 = arith.constant 1 : i32
    scf.for %parallel_loop3A_1104 = %parallel_loop3A_349 to %parallel_loop3A_350 step %parallel_loop3A_351  : i32 {
      %parallel_loop3A_1105 = arith.constant 6 : i32
      %parallel_loop3A_1106 = arith.shrsi %parallel_loop3A_1104, %parallel_loop3A_1105 : i32
      %parallel_loop3A_1107 = arith.constant 63 : i32
      %parallel_loop3A_1108 = arith.andi %parallel_loop3A_1104, %parallel_loop3A_1107 : i32
      %parallel_loop3A_1109 = arith.constant 16 : i32
      %parallel_loop3A_1110 = arith.muli %parallel_loop3A_1108, %parallel_loop3A_1109 : i32
      %parallel_loop3A_1111 = arith.constant 16 : i32
      %parallel_loop3A_1112 = arith.muli %parallel_loop3A_1104, %parallel_loop3A_1111 : i32
      %parallel_loop3A_1113 = arith.index_cast %parallel_loop3A_1112 : i32 to index
      %parallel_loop3A_1114 = tpu.vector_load %arg7[%parallel_loop3A_1113] {strides = array<i32>} : memref<16384xbf16, #tpu.memory_space<vmem>>, vector<16xbf16>,
      %parallel_loop3A_1115 = vector.shape_cast %parallel_loop3A_1114 : vector<16xbf16> to vector<16xbf16>
      %parallel_loop3A_1116 = arith.extf %parallel_loop3A_1115 : vector<16xbf16> to vector<16xf32>
      %parallel_loop3A_1117 = arith.constant 3 : i32
      %parallel_loop3A_1118 = arith.index_cast %parallel_loop3A_1117 : i32 to index
      %parallel_loop3A_1119 = arith.index_cast %parallel_loop3A_1106 : i32 to index
      %parallel_loop3A_1120 = arith.index_cast %parallel_loop3A_1110 : i32 to index
      %parallel_loop3A_1121 = tpu.vector_load %arg9[%parallel_loop3A_1118, %parallel_loop3A_1119, %parallel_loop3A_1120] {strides = array<i32>} : memref<6x16x1024xf32, #tpu.memory_space<vmem>>, vector<1x1x16xf32>,
      %parallel_loop3A_1122 = vector.shape_cast %parallel_loop3A_1121 : vector<1x1x16xf32> to vector<16xf32>
      %parallel_loop3A_1123 = vector.shape_cast %parallel_loop3A_1116 : vector<16xf32> to vector<1x1x16xf32>
      tpu.vector_store %arg9[%parallel_loop3A_1118, %parallel_loop3A_1119, %parallel_loop3A_1120], %parallel_loop3A_1123 {add = true, strides = array<i32>} : memref<6x16x1024xf32, #tpu.memory_space<vmem>>, vector<1x1x16xf32>,
    } {sc.loop_unroll_factor = 8 : i64, sc.parallel_access}
    %dma_wait3A_352 = arith.constant 2 : i32
    %dma_wait3A_353 = arith.constant 2 : i32
    %dma_wait3A_354 = arith.constant 0 : i32
    %dma_wait3A_355 = arith.constant 0 : i32
    %dma_wait3A_356 = tpu.memref_slice %arg9[%dma_wait3A_352, %dma_wait3A_354, %dma_wait3A_355] : memref<6x16x1024xf32, #tpu.memory_space<vmem>> -> memref<1x16x1024xf32, #tpu.memory_space<vmem>>
    %dma_wait3A_357 = tpu.memref_squeeze %dma_wait3A_356 : memref<1x16x1024xf32, #tpu.memory_space<vmem>> -> memref<16x1024xf32, #tpu.memory_space<vmem>>
    %dma_wait3A_358 = arith.constant 0 : i32
    %dma_wait3A_359 = tpu.memref_slice %arg5[%dma_wait3A_353, %add3A_320, %dma_wait3A_358] : memref<4x2048x1024xf32, #tpu.memory_space<hbm>> -> memref<1x16x1024xf32, #tpu.memory_space<hbm>>
    %dma_wait3A_360 = tpu.memref_squeeze %dma_wait3A_359 : memref<1x16x1024xf32, #tpu.memory_space<hbm>> -> memref<16x1024xf32, #tpu.memory_space<hbm>>
    %dma_wait3A_361 = arith.constant 0 : i32
    %dma_wait3A_362 = tpu.memref_slice %arg5[%dma_wait3A_353, %add3A_320, %dma_wait3A_361] : memref<4x2048x1024xf32, #tpu.memory_space<hbm>> -> memref<1x16x1024xf32, #tpu.memory_space<hbm>>
    %dma_wait3A_363 = tpu.memref_squeeze %dma_wait3A_362 : memref<1x16x1024xf32, #tpu.memory_space<hbm>> -> memref<16x1024xf32, #tpu.memory_space<hbm>>
    %dma_wait3A_364 = arith.constant 0 : i32
    %dma_wait3A_365 = arith.constant 0 : i32
    %dma_wait3A_366 = tpu.memref_slice %arg9[%dma_wait3A_352, %dma_wait3A_364, %dma_wait3A_365] : memref<6x16x1024xf32, #tpu.memory_space<vmem>> -> memref<1x16x1024xf32, #tpu.memory_space<vmem>>
    %dma_wait3A_367 = tpu.memref_squeeze %dma_wait3A_366 : memref<1x16x1024xf32, #tpu.memory_space<vmem>> -> memref<16x1024xf32, #tpu.memory_space<vmem>>
    tpu.wait_dma2 semaphore(%arg21 : memref<!tpu.dma_semaphore, #tpu.memory_space<semaphore_mem>>) src(%dma_wait3A_367 : memref<16x1024xf32, #tpu.memory_space<vmem>>) dst(%dma_wait3A_363 : memref<16x1024xf32, #tpu.memory_space<hbm>>)
    %dma_start3A_368 = arith.constant 0 : i32
    %dma_start3A_369 = arith.constant 2 : i32
    %dma_start3A_370 = arith.constant 0 : i32
    %dma_start3A_371 = arith.constant 0 : i32
    %dma_start3A_372 = tpu.memref_slice %arg9[%dma_start3A_369, %dma_start3A_370, %dma_start3A_371] : memref<6x16x1024xf32, #tpu.memory_space<vmem>> -> memref<1x16x1024xf32, #tpu.memory_space<vmem>>
    %dma_start3A_373 = tpu.memref_squeeze %dma_start3A_372 : memref<1x16x1024xf32, #tpu.memory_space<vmem>> -> memref<16x1024xf32, #tpu.memory_space<vmem>>
    %dma_start3A_374 = arith.constant 32 : i32
    %dma_start3A_375 = tpu.memref_slice %arg6[%dma_start3A_368, %dma_start3A_374] : memref<4x64xi32, #tpu.memory_space<vmem>> -> memref<1x16xi32, #tpu.memory_space<vmem>>
    %dma_start3A_376 = tpu.memref_squeeze %dma_start3A_375 : memref<1x16xi32, #tpu.memory_space<vmem>> -> memref<16xi32, #tpu.memory_space<vmem>>
    %dma_start3A_377 = arith.constant 0 : i32
    %dma_start3A_378 = arith.constant 0 : i32
    %dma_start3A_379 = tpu.memref_slice %arg3[%dma_start3A_377, %dma_start3A_378] : memref<32000x1024xf32, #tpu.memory_space<hbm>> -> memref<32000x1024xf32, #tpu.memory_space<hbm>>
    tpu.enqueue_indirect_dma source(%dma_start3A_379 : memref<32000x1024xf32, #tpu.memory_space<hbm>>) target(%dma_start3A_373 : memref<16x1024xf32, #tpu.memory_space<vmem>>) offsets(%dma_start3A_376 : memref<16xi32, #tpu.memory_space<vmem>>) semaphore(%arg15 : memref<!tpu.dma_semaphore, #tpu.memory_space<semaphore_mem>>)
    %add3A_380 = arith.constant 32 : i32
    %add3A_381 = arith.addi %mul3A_2, %add3A_380 : i32
    %mul3A_382 = arith.constant 1024 : i32
    %mul3A_383 = arith.muli %add3A_381, %mul3A_382 : i32
    %dma_start3A_384 = tpu.memref_slice %arg4[%mul3A_383] : memref<2097152xbf16, #tpu.memory_space<hbm>> -> memref<16384xbf16, #tpu.memory_space<hbm>>
    %dma_start3A_385 = tpu.memref_slice %arg4[%mul3A_383] : memref<2097152xbf16, #tpu.memory_space<hbm>> -> memref<16384xbf16, #tpu.memory_space<hbm>>
    tpu.enqueue_dma source(%dma_start3A_385 : memref<16384xbf16, #tpu.memory_space<hbm>>) target(%arg7 : memref<16384xbf16, #tpu.memory_space<vmem>>) target_semaphore(%arg11 : memref<!tpu.dma_semaphore, #tpu.memory_space<semaphore_mem>>)
    %add3A_386 = arith.constant 0 : i32
    %add3A_387 = arith.addi %mul3A_2, %add3A_386 : i32
    %dma_start3A_388 = arith.constant 3 : i32
    %dma_start3A_389 = arith.constant 3 : i32
    %dma_start3A_390 = arith.constant 0 : i32
    %dma_start3A_391 = arith.constant 0 : i32
    %dma_start3A_392 = tpu.memref_slice %arg9[%dma_start3A_388, %dma_start3A_390, %dma_start3A_391] : memref<6x16x1024xf32, #tpu.memory_space<vmem>> -> memref<1x16x1024xf32, #tpu.memory_space<vmem>>
    %dma_start3A_393 = tpu.memref_squeeze %dma_start3A_392 : memref<1x16x1024xf32, #tpu.memory_space<vmem>> -> memref<16x1024xf32, #tpu.memory_space<vmem>>
    %dma_start3A_394 = arith.constant 0 : i32
    %dma_start3A_395 = tpu.memref_slice %arg5[%dma_start3A_389, %add3A_387, %dma_start3A_394] : memref<4x2048x1024xf32, #tpu.memory_space<hbm>> -> memref<1x16x1024xf32, #tpu.memory_space<hbm>>
    %dma_start3A_396 = tpu.memref_squeeze %dma_start3A_395 : memref<1x16x1024xf32, #tpu.memory_space<hbm>> -> memref<16x1024xf32, #tpu.memory_space<hbm>>
    %dma_start3A_397 = arith.constant 0 : i32
    %dma_start3A_398 = tpu.memref_slice %arg5[%dma_start3A_389, %add3A_387, %dma_start3A_397] : memref<4x2048x1024xf32, #tpu.memory_space<hbm>> -> memref<1x16x1024xf32, #tpu.memory_space<hbm>>
    %dma_start3A_399 = tpu.memref_squeeze %dma_start3A_398 : memref<1x16x1024xf32, #tpu.memory_space<hbm>> -> memref<16x1024xf32, #tpu.memory_space<hbm>>
    %dma_start3A_400 = arith.constant 0 : i32
    %dma_start3A_401 = arith.constant 0 : i32
    %dma_start3A_402 = tpu.memref_slice %arg9[%dma_start3A_388, %dma_start3A_400, %dma_start3A_401] : memref<6x16x1024xf32, #tpu.memory_space<vmem>> -> memref<1x16x1024xf32, #tpu.memory_space<vmem>>
    %dma_start3A_403 = tpu.memref_squeeze %dma_start3A_402 : memref<1x16x1024xf32, #tpu.memory_space<vmem>> -> memref<16x1024xf32, #tpu.memory_space<vmem>>
    tpu.enqueue_dma source(%dma_start3A_403 : memref<16x1024xf32, #tpu.memory_space<vmem>>) target(%dma_start3A_399 : memref<16x1024xf32, #tpu.memory_space<hbm>>) target_semaphore(%arg22 : memref<!tpu.dma_semaphore, #tpu.memory_space<semaphore_mem>>)
    %dma_wait3A_404 = tpu.memref_slice %arg4[%mul3A_59] : memref<2097152xbf16, #tpu.memory_space<hbm>> -> memref<16384xbf16, #tpu.memory_space<hbm>>
    %dma_wait3A_405 = tpu.memref_slice %arg4[%mul3A_59] : memref<2097152xbf16, #tpu.memory_space<hbm>> -> memref<16384xbf16, #tpu.memory_space<hbm>>
    tpu.wait_dma2 semaphore(%arg12 : memref<!tpu.dma_semaphore, #tpu.memory_space<semaphore_mem>>) src(%dma_wait3A_405 : memref<16384xbf16, #tpu.memory_space<hbm>>) dst(%arg8 : memref<16384xbf16, #tpu.memory_space<vmem>>)
    %dma_wait3A_406 = arith.constant 0 : i32
    %dma_wait3A_407 = arith.constant 4 : i32
    %dma_wait3A_408 = arith.constant 0 : i32
    %dma_wait3A_409 = arith.constant 0 : i32
    %dma_wait3A_410 = tpu.memref_slice %arg9[%dma_wait3A_407, %dma_wait3A_408, %dma_wait3A_409] : memref<6x16x1024xf32, #tpu.memory_space<vmem>> -> memref<1x16x1024xf32, #tpu.memory_space<vmem>>
    %dma_wait3A_411 = tpu.memref_squeeze %dma_wait3A_410 : memref<1x16x1024xf32, #tpu.memory_space<vmem>> -> memref<16x1024xf32, #tpu.memory_space<vmem>>
    %dma_wait3A_412 = arith.constant 16 : i32
    %dma_wait3A_413 = tpu.memref_slice %arg6[%dma_wait3A_406, %dma_wait3A_412] : memref<4x64xi32, #tpu.memory_space<vmem>> -> memref<1x16xi32, #tpu.memory_space<vmem>>
    %dma_wait3A_414 = tpu.memref_squeeze %dma_wait3A_413 : memref<1x16xi32, #tpu.memory_space<vmem>> -> memref<16xi32, #tpu.memory_space<vmem>>
    %dma_wait3A_415 = arith.constant 0 : i32
    %dma_wait3A_416 = arith.constant 0 : i32
    %dma_wait3A_417 = tpu.memref_slice %arg3[%dma_wait3A_415, %dma_wait3A_416] : memref<32000x1024xf32, #tpu.memory_space<hbm>> -> memref<32000x1024xf32, #tpu.memory_space<hbm>>
    tpu.wait_indirect_dma semaphore(%arg17 : memref<!tpu.dma_semaphore, #tpu.memory_space<semaphore_mem>>) src(%dma_wait3A_417 : memref<32000x1024xf32, #tpu.memory_space<hbm>>) dst(%dma_wait3A_411 : memref<16x1024xf32, #tpu.memory_space<vmem>>)
    %parallel_loop3A_418 = arith.constant 0 : i32
    %parallel_loop3A_419 = arith.constant 1024 : i32
    %parallel_loop3A_420 = arith.constant 1 : i32
    scf.for %parallel_loop3A_1104 = %parallel_loop3A_418 to %parallel_loop3A_419 step %parallel_loop3A_420  : i32 {
      %parallel_loop3A_1105 = arith.constant 6 : i32
      %parallel_loop3A_1106 = arith.shrsi %parallel_loop3A_1104, %parallel_loop3A_1105 : i32
      %parallel_loop3A_1107 = arith.constant 63 : i32
      %parallel_loop3A_1108 = arith.andi %parallel_loop3A_1104, %parallel_loop3A_1107 : i32
      %parallel_loop3A_1109 = arith.constant 16 : i32
      %parallel_loop3A_1110 = arith.muli %parallel_loop3A_1108, %parallel_loop3A_1109 : i32
      %parallel_loop3A_1111 = arith.constant 16 : i32
      %parallel_loop3A_1112 = arith.muli %parallel_loop3A_1104, %parallel_loop3A_1111 : i32
      %parallel_loop3A_1113 = arith.index_cast %parallel_loop3A_1112 : i32 to index
      %parallel_loop3A_1114 = tpu.vector_load %arg8[%parallel_loop3A_1113] {strides = array<i32>} : memref<16384xbf16, #tpu.memory_space<vmem>>, vector<16xbf16>,
      %parallel_loop3A_1115 = vector.shape_cast %parallel_loop3A_1114 : vector<16xbf16> to vector<16xbf16>
      %parallel_loop3A_1116 = arith.extf %parallel_loop3A_1115 : vector<16xbf16> to vector<16xf32>
      %parallel_loop3A_1117 = arith.constant 4 : i32
      %parallel_loop3A_1118 = arith.index_cast %parallel_loop3A_1117 : i32 to index
      %parallel_loop3A_1119 = arith.index_cast %parallel_loop3A_1106 : i32 to index
      %parallel_loop3A_1120 = arith.index_cast %parallel_loop3A_1110 : i32 to index
      %parallel_loop3A_1121 = tpu.vector_load %arg9[%parallel_loop3A_1118, %parallel_loop3A_1119, %parallel_loop3A_1120] {strides = array<i32>} : memref<6x16x1024xf32, #tpu.memory_space<vmem>>, vector<1x1x16xf32>,
      %parallel_loop3A_1122 = vector.shape_cast %parallel_loop3A_1121 : vector<1x1x16xf32> to vector<16xf32>
      %parallel_loop3A_1123 = vector.shape_cast %parallel_loop3A_1116 : vector<16xf32> to vector<1x1x16xf32>
      tpu.vector_store %arg9[%parallel_loop3A_1118, %parallel_loop3A_1119, %parallel_loop3A_1120], %parallel_loop3A_1123 {add = true, strides = array<i32>} : memref<6x16x1024xf32, #tpu.memory_space<vmem>>, vector<1x1x16xf32>,
    } {sc.loop_unroll_factor = 8 : i64, sc.parallel_access}
    %dma_wait3A_421 = arith.constant 3 : i32
    %dma_wait3A_422 = arith.constant 3 : i32
    %dma_wait3A_423 = arith.constant 0 : i32
    %dma_wait3A_424 = arith.constant 0 : i32
    %dma_wait3A_425 = tpu.memref_slice %arg9[%dma_wait3A_421, %dma_wait3A_423, %dma_wait3A_424] : memref<6x16x1024xf32, #tpu.memory_space<vmem>> -> memref<1x16x1024xf32, #tpu.memory_space<vmem>>
    %dma_wait3A_426 = tpu.memref_squeeze %dma_wait3A_425 : memref<1x16x1024xf32, #tpu.memory_space<vmem>> -> memref<16x1024xf32, #tpu.memory_space<vmem>>
    %dma_wait3A_427 = arith.constant 0 : i32
    %dma_wait3A_428 = tpu.memref_slice %arg5[%dma_wait3A_422, %add3A_387, %dma_wait3A_427] : memref<4x2048x1024xf32, #tpu.memory_space<hbm>> -> memref<1x16x1024xf32, #tpu.memory_space<hbm>>
    %dma_wait3A_429 = tpu.memref_squeeze %dma_wait3A_428 : memref<1x16x1024xf32, #tpu.memory_space<hbm>> -> memref<16x1024xf32, #tpu.memory_space<hbm>>
    %dma_wait3A_430 = arith.constant 0 : i32
    %dma_wait3A_431 = tpu.memref_slice %arg5[%dma_wait3A_422, %add3A_387, %dma_wait3A_430] : memref<4x2048x1024xf32, #tpu.memory_space<hbm>> -> memref<1x16x1024xf32, #tpu.memory_space<hbm>>
    %dma_wait3A_432 = tpu.memref_squeeze %dma_wait3A_431 : memref<1x16x1024xf32, #tpu.memory_space<hbm>> -> memref<16x1024xf32, #tpu.memory_space<hbm>>
    %dma_wait3A_433 = arith.constant 0 : i32
    %dma_wait3A_434 = arith.constant 0 : i32
    %dma_wait3A_435 = tpu.memref_slice %arg9[%dma_wait3A_421, %dma_wait3A_433, %dma_wait3A_434] : memref<6x16x1024xf32, #tpu.memory_space<vmem>> -> memref<1x16x1024xf32, #tpu.memory_space<vmem>>
    %dma_wait3A_436 = tpu.memref_squeeze %dma_wait3A_435 : memref<1x16x1024xf32, #tpu.memory_space<vmem>> -> memref<16x1024xf32, #tpu.memory_space<vmem>>
    tpu.wait_dma2 semaphore(%arg22 : memref<!tpu.dma_semaphore, #tpu.memory_space<semaphore_mem>>) src(%dma_wait3A_436 : memref<16x1024xf32, #tpu.memory_space<vmem>>) dst(%dma_wait3A_432 : memref<16x1024xf32, #tpu.memory_space<hbm>>)
    %dma_start3A_437 = arith.constant 1 : i32
    %dma_start3A_438 = arith.constant 3 : i32
    %dma_start3A_439 = arith.constant 0 : i32
    %dma_start3A_440 = arith.constant 0 : i32
    %dma_start3A_441 = tpu.memref_slice %arg9[%dma_start3A_438, %dma_start3A_439, %dma_start3A_440] : memref<6x16x1024xf32, #tpu.memory_space<vmem>> -> memref<1x16x1024xf32, #tpu.memory_space<vmem>>
    %dma_start3A_442 = tpu.memref_squeeze %dma_start3A_441 : memref<1x16x1024xf32, #tpu.memory_space<vmem>> -> memref<16x1024xf32, #tpu.memory_space<vmem>>
    %dma_start3A_443 = arith.constant 32 : i32
    %dma_start3A_444 = tpu.memref_slice %arg6[%dma_start3A_437, %dma_start3A_443] : memref<4x64xi32, #tpu.memory_space<vmem>> -> memref<1x16xi32, #tpu.memory_space<vmem>>
    %dma_start3A_445 = tpu.memref_squeeze %dma_start3A_444 : memref<1x16xi32, #tpu.memory_space<vmem>> -> memref<16xi32, #tpu.memory_space<vmem>>
    %dma_start3A_446 = arith.constant 0 : i32
    %dma_start3A_447 = arith.constant 0 : i32
    %dma_start3A_448 = tpu.memref_slice %arg3[%dma_start3A_446, %dma_start3A_447] : memref<32000x1024xf32, #tpu.memory_space<hbm>> -> memref<32000x1024xf32, #tpu.memory_space<hbm>>
    tpu.enqueue_indirect_dma source(%dma_start3A_448 : memref<32000x1024xf32, #tpu.memory_space<hbm>>) target(%dma_start3A_442 : memref<16x1024xf32, #tpu.memory_space<vmem>>) offsets(%dma_start3A_445 : memref<16xi32, #tpu.memory_space<vmem>>) semaphore(%arg16 : memref<!tpu.dma_semaphore, #tpu.memory_space<semaphore_mem>>)
    %add3A_449 = arith.constant 16 : i32
    %add3A_450 = arith.addi %mul3A_2, %add3A_449 : i32
    %dma_start3A_451 = arith.constant 4 : i32
    %dma_start3A_452 = arith.constant 0 : i32
    %dma_start3A_453 = arith.constant 0 : i32
    %dma_start3A_454 = arith.constant 0 : i32
    %dma_start3A_455 = tpu.memref_slice %arg9[%dma_start3A_451, %dma_start3A_453, %dma_start3A_454] : memref<6x16x1024xf32, #tpu.memory_space<vmem>> -> memref<1x16x1024xf32, #tpu.memory_space<vmem>>
    %dma_start3A_456 = tpu.memref_squeeze %dma_start3A_455 : memref<1x16x1024xf32, #tpu.memory_space<vmem>> -> memref<16x1024xf32, #tpu.memory_space<vmem>>
    %dma_start3A_457 = arith.constant 0 : i32
    %dma_start3A_458 = tpu.memref_slice %arg5[%dma_start3A_452, %add3A_450, %dma_start3A_457] : memref<4x2048x1024xf32, #tpu.memory_space<hbm>> -> memref<1x16x1024xf32, #tpu.memory_space<hbm>>
    %dma_start3A_459 = tpu.memref_squeeze %dma_start3A_458 : memref<1x16x1024xf32, #tpu.memory_space<hbm>> -> memref<16x1024xf32, #tpu.memory_space<hbm>>
    %dma_start3A_460 = arith.constant 0 : i32
    %dma_start3A_461 = tpu.memref_slice %arg5[%dma_start3A_452, %add3A_450, %dma_start3A_460] : memref<4x2048x1024xf32, #tpu.memory_space<hbm>> -> memref<1x16x1024xf32, #tpu.memory_space<hbm>>
    %dma_start3A_462 = tpu.memref_squeeze %dma_start3A_461 : memref<1x16x1024xf32, #tpu.memory_space<hbm>> -> memref<16x1024xf32, #tpu.memory_space<hbm>>
    %dma_start3A_463 = arith.constant 0 : i32
    %dma_start3A_464 = arith.constant 0 : i32
    %dma_start3A_465 = tpu.memref_slice %arg9[%dma_start3A_451, %dma_start3A_463, %dma_start3A_464] : memref<6x16x1024xf32, #tpu.memory_space<vmem>> -> memref<1x16x1024xf32, #tpu.memory_space<vmem>>
    %dma_start3A_466 = tpu.memref_squeeze %dma_start3A_465 : memref<1x16x1024xf32, #tpu.memory_space<vmem>> -> memref<16x1024xf32, #tpu.memory_space<vmem>>
    tpu.enqueue_dma source(%dma_start3A_466 : memref<16x1024xf32, #tpu.memory_space<vmem>>) target(%dma_start3A_462 : memref<16x1024xf32, #tpu.memory_space<hbm>>) target_semaphore(%arg23 : memref<!tpu.dma_semaphore, #tpu.memory_space<semaphore_mem>>)
    %dma_wait3A_467 = arith.constant 1 : i32
    %dma_wait3A_468 = arith.constant 5 : i32
    %dma_wait3A_469 = arith.constant 0 : i32
    %dma_wait3A_470 = arith.constant 0 : i32
    %dma_wait3A_471 = tpu.memref_slice %arg9[%dma_wait3A_468, %dma_wait3A_469, %dma_wait3A_470] : memref<6x16x1024xf32, #tpu.memory_space<vmem>> -> memref<1x16x1024xf32, #tpu.memory_space<vmem>>
    %dma_wait3A_472 = tpu.memref_squeeze %dma_wait3A_471 : memref<1x16x1024xf32, #tpu.memory_space<vmem>> -> memref<16x1024xf32, #tpu.memory_space<vmem>>
    %dma_wait3A_473 = arith.constant 16 : i32
    %dma_wait3A_474 = tpu.memref_slice %arg6[%dma_wait3A_467, %dma_wait3A_473] : memref<4x64xi32, #tpu.memory_space<vmem>> -> memref<1x16xi32, #tpu.memory_space<vmem>>
    %dma_wait3A_475 = tpu.memref_squeeze %dma_wait3A_474 : memref<1x16xi32, #tpu.memory_space<vmem>> -> memref<16xi32, #tpu.memory_space<vmem>>
    %dma_wait3A_476 = arith.constant 0 : i32
    %dma_wait3A_477 = arith.constant 0 : i32
    %dma_wait3A_478 = tpu.memref_slice %arg3[%dma_wait3A_476, %dma_wait3A_477] : memref<32000x1024xf32, #tpu.memory_space<hbm>> -> memref<32000x1024xf32, #tpu.memory_space<hbm>>
    tpu.wait_indirect_dma semaphore(%arg18 : memref<!tpu.dma_semaphore, #tpu.memory_space<semaphore_mem>>) src(%dma_wait3A_478 : memref<32000x1024xf32, #tpu.memory_space<hbm>>) dst(%dma_wait3A_472 : memref<16x1024xf32, #tpu.memory_space<vmem>>)
    %parallel_loop3A_479 = arith.constant 0 : i32
    %parallel_loop3A_480 = arith.constant 1024 : i32
    %parallel_loop3A_481 = arith.constant 1 : i32
    scf.for %parallel_loop3A_1104 = %parallel_loop3A_479 to %parallel_loop3A_480 step %parallel_loop3A_481  : i32 {
      %parallel_loop3A_1105 = arith.constant 6 : i32
      %parallel_loop3A_1106 = arith.shrsi %parallel_loop3A_1104, %parallel_loop3A_1105 : i32
      %parallel_loop3A_1107 = arith.constant 63 : i32
      %parallel_loop3A_1108 = arith.andi %parallel_loop3A_1104, %parallel_loop3A_1107 : i32
      %parallel_loop3A_1109 = arith.constant 16 : i32
      %parallel_loop3A_1110 = arith.muli %parallel_loop3A_1108, %parallel_loop3A_1109 : i32
      %parallel_loop3A_1111 = arith.constant 16 : i32
      %parallel_loop3A_1112 = arith.muli %parallel_loop3A_1104, %parallel_loop3A_1111 : i32
      %parallel_loop3A_1113 = arith.index_cast %parallel_loop3A_1112 : i32 to index
      %parallel_loop3A_1114 = tpu.vector_load %arg8[%parallel_loop3A_1113] {strides = array<i32>} : memref<16384xbf16, #tpu.memory_space<vmem>>, vector<16xbf16>,
      %parallel_loop3A_1115 = vector.shape_cast %parallel_loop3A_1114 : vector<16xbf16> to vector<16xbf16>
      %parallel_loop3A_1116 = arith.extf %parallel_loop3A_1115 : vector<16xbf16> to vector<16xf32>
      %parallel_loop3A_1117 = arith.constant 5 : i32
      %parallel_loop3A_1118 = arith.index_cast %parallel_loop3A_1117 : i32 to index
      %parallel_loop3A_1119 = arith.index_cast %parallel_loop3A_1106 : i32 to index
      %parallel_loop3A_1120 = arith.index_cast %parallel_loop3A_1110 : i32 to index
      %parallel_loop3A_1121 = tpu.vector_load %arg9[%parallel_loop3A_1118, %parallel_loop3A_1119, %parallel_loop3A_1120] {strides = array<i32>} : memref<6x16x1024xf32, #tpu.memory_space<vmem>>, vector<1x1x16xf32>,
      %parallel_loop3A_1122 = vector.shape_cast %parallel_loop3A_1121 : vector<1x1x16xf32> to vector<16xf32>
      %parallel_loop3A_1123 = vector.shape_cast %parallel_loop3A_1116 : vector<16xf32> to vector<1x1x16xf32>
      tpu.vector_store %arg9[%parallel_loop3A_1118, %parallel_loop3A_1119, %parallel_loop3A_1120], %parallel_loop3A_1123 {add = true, strides = array<i32>} : memref<6x16x1024xf32, #tpu.memory_space<vmem>>, vector<1x1x16xf32>,
    } {sc.loop_unroll_factor = 8 : i64, sc.parallel_access}
    %dma_wait3A_482 = arith.constant 4 : i32
    %dma_wait3A_483 = arith.constant 0 : i32
    %dma_wait3A_484 = arith.constant 0 : i32
    %dma_wait3A_485 = arith.constant 0 : i32
    %dma_wait3A_486 = tpu.memref_slice %arg9[%dma_wait3A_482, %dma_wait3A_484, %dma_wait3A_485] : memref<6x16x1024xf32, #tpu.memory_space<vmem>> -> memref<1x16x1024xf32, #tpu.memory_space<vmem>>
    %dma_wait3A_487 = tpu.memref_squeeze %dma_wait3A_486 : memref<1x16x1024xf32, #tpu.memory_space<vmem>> -> memref<16x1024xf32, #tpu.memory_space<vmem>>
    %dma_wait3A_488 = arith.constant 0 : i32
    %dma_wait3A_489 = tpu.memref_slice %arg5[%dma_wait3A_483, %add3A_450, %dma_wait3A_488] : memref<4x2048x1024xf32, #tpu.memory_space<hbm>> -> memref<1x16x1024xf32, #tpu.memory_space<hbm>>
    %dma_wait3A_490 = tpu.memref_squeeze %dma_wait3A_489 : memref<1x16x1024xf32, #tpu.memory_space<hbm>> -> memref<16x1024xf32, #tpu.memory_space<hbm>>
    %dma_wait3A_491 = arith.constant 0 : i32
    %dma_wait3A_492 = tpu.memref_slice %arg5[%dma_wait3A_483, %add3A_450, %dma_wait3A_491] : memref<4x2048x1024xf32, #tpu.memory_space<hbm>> -> memref<1x16x1024xf32, #tpu.memory_space<hbm>>
    %dma_wait3A_493 = tpu.memref_squeeze %dma_wait3A_492 : memref<1x16x1024xf32, #tpu.memory_space<hbm>> -> memref<16x1024xf32, #tpu.memory_space<hbm>>
    %dma_wait3A_494 = arith.constant 0 : i32
    %dma_wait3A_495 = arith.constant 0 : i32
    %dma_wait3A_496 = tpu.memref_slice %arg9[%dma_wait3A_482, %dma_wait3A_494, %dma_wait3A_495] : memref<6x16x1024xf32, #tpu.memory_space<vmem>> -> memref<1x16x1024xf32, #tpu.memory_space<vmem>>
    %dma_wait3A_497 = tpu.memref_squeeze %dma_wait3A_496 : memref<1x16x1024xf32, #tpu.memory_space<vmem>> -> memref<16x1024xf32, #tpu.memory_space<vmem>>
    tpu.wait_dma2 semaphore(%arg23 : memref<!tpu.dma_semaphore, #tpu.memory_space<semaphore_mem>>) src(%dma_wait3A_497 : memref<16x1024xf32, #tpu.memory_space<vmem>>) dst(%dma_wait3A_493 : memref<16x1024xf32, #tpu.memory_space<hbm>>)
    %dma_start3A_498 = arith.constant 2 : i32
    %dma_start3A_499 = arith.constant 4 : i32
    %dma_start3A_500 = arith.constant 0 : i32
    %dma_start3A_501 = arith.constant 0 : i32
    %dma_start3A_502 = tpu.memref_slice %arg9[%dma_start3A_499, %dma_start3A_500, %dma_start3A_501] : memref<6x16x1024xf32, #tpu.memory_space<vmem>> -> memref<1x16x1024xf32, #tpu.memory_space<vmem>>
    %dma_start3A_503 = tpu.memref_squeeze %dma_start3A_502 : memref<1x16x1024xf32, #tpu.memory_space<vmem>> -> memref<16x1024xf32, #tpu.memory_space<vmem>>
    %dma_start3A_504 = arith.constant 32 : i32
    %dma_start3A_505 = tpu.memref_slice %arg6[%dma_start3A_498, %dma_start3A_504] : memref<4x64xi32, #tpu.memory_space<vmem>> -> memref<1x16xi32, #tpu.memory_space<vmem>>
    %dma_start3A_506 = tpu.memref_squeeze %dma_start3A_505 : memref<1x16xi32, #tpu.memory_space<vmem>> -> memref<16xi32, #tpu.memory_space<vmem>>
    %dma_start3A_507 = arith.constant 0 : i32
    %dma_start3A_508 = arith.constant 0 : i32
    %dma_start3A_509 = tpu.memref_slice %arg3[%dma_start3A_507, %dma_start3A_508] : memref<32000x1024xf32, #tpu.memory_space<hbm>> -> memref<32000x1024xf32, #tpu.memory_space<hbm>>
    tpu.enqueue_indirect_dma source(%dma_start3A_509 : memref<32000x1024xf32, #tpu.memory_space<hbm>>) target(%dma_start3A_503 : memref<16x1024xf32, #tpu.memory_space<vmem>>) offsets(%dma_start3A_506 : memref<16xi32, #tpu.memory_space<vmem>>) semaphore(%arg17 : memref<!tpu.dma_semaphore, #tpu.memory_space<semaphore_mem>>)
    %add3A_510 = arith.constant 16 : i32
    %add3A_511 = arith.addi %mul3A_2, %add3A_510 : i32
    %dma_start3A_512 = arith.constant 5 : i32
    %dma_start3A_513 = arith.constant 1 : i32
    %dma_start3A_514 = arith.constant 0 : i32
    %dma_start3A_515 = arith.constant 0 : i32
    %dma_start3A_516 = tpu.memref_slice %arg9[%dma_start3A_512, %dma_start3A_514, %dma_start3A_515] : memref<6x16x1024xf32, #tpu.memory_space<vmem>> -> memref<1x16x1024xf32, #tpu.memory_space<vmem>>
    %dma_start3A_517 = tpu.memref_squeeze %dma_start3A_516 : memref<1x16x1024xf32, #tpu.memory_space<vmem>> -> memref<16x1024xf32, #tpu.memory_space<vmem>>
    %dma_start3A_518 = arith.constant 0 : i32
    %dma_start3A_519 = tpu.memref_slice %arg5[%dma_start3A_513, %add3A_511, %dma_start3A_518] : memref<4x2048x1024xf32, #tpu.memory_space<hbm>> -> memref<1x16x1024xf32, #tpu.memory_space<hbm>>
    %dma_start3A_520 = tpu.memref_squeeze %dma_start3A_519 : memref<1x16x1024xf32, #tpu.memory_space<hbm>> -> memref<16x1024xf32, #tpu.memory_space<hbm>>
    %dma_start3A_521 = arith.constant 0 : i32
    %dma_start3A_522 = tpu.memref_slice %arg5[%dma_start3A_513, %add3A_511, %dma_start3A_521] : memref<4x2048x1024xf32, #tpu.memory_space<hbm>> -> memref<1x16x1024xf32, #tpu.memory_space<hbm>>
    %dma_start3A_523 = tpu.memref_squeeze %dma_start3A_522 : memref<1x16x1024xf32, #tpu.memory_space<hbm>> -> memref<16x1024xf32, #tpu.memory_space<hbm>>
    %dma_start3A_524 = arith.constant 0 : i32
    %dma_start3A_525 = arith.constant 0 : i32
    %dma_start3A_526 = tpu.memref_slice %arg9[%dma_start3A_512, %dma_start3A_524, %dma_start3A_525] : memref<6x16x1024xf32, #tpu.memory_space<vmem>> -> memref<1x16x1024xf32, #tpu.memory_space<vmem>>
    %dma_start3A_527 = tpu.memref_squeeze %dma_start3A_526 : memref<1x16x1024xf32, #tpu.memory_space<vmem>> -> memref<16x1024xf32, #tpu.memory_space<vmem>>
    tpu.enqueue_dma source(%dma_start3A_527 : memref<16x1024xf32, #tpu.memory_space<vmem>>) target(%dma_start3A_523 : memref<16x1024xf32, #tpu.memory_space<hbm>>) target_semaphore(%arg24 : memref<!tpu.dma_semaphore, #tpu.memory_space<semaphore_mem>>)
    %dma_wait3A_528 = arith.constant 2 : i32
    %dma_wait3A_529 = arith.constant 0 : i32
    %dma_wait3A_530 = arith.constant 0 : i32
    %dma_wait3A_531 = arith.constant 0 : i32
    %dma_wait3A_532 = tpu.memref_slice %arg9[%dma_wait3A_529, %dma_wait3A_530, %dma_wait3A_531] : memref<6x16x1024xf32, #tpu.memory_space<vmem>> -> memref<1x16x1024xf32, #tpu.memory_space<vmem>>
    %dma_wait3A_533 = tpu.memref_squeeze %dma_wait3A_532 : memref<1x16x1024xf32, #tpu.memory_space<vmem>> -> memref<16x1024xf32, #tpu.memory_space<vmem>>
    %dma_wait3A_534 = arith.constant 16 : i32
    %dma_wait3A_535 = tpu.memref_slice %arg6[%dma_wait3A_528, %dma_wait3A_534] : memref<4x64xi32, #tpu.memory_space<vmem>> -> memref<1x16xi32, #tpu.memory_space<vmem>>
    %dma_wait3A_536 = tpu.memref_squeeze %dma_wait3A_535 : memref<1x16xi32, #tpu.memory_space<vmem>> -> memref<16xi32, #tpu.memory_space<vmem>>
    %dma_wait3A_537 = arith.constant 0 : i32
    %dma_wait3A_538 = arith.constant 0 : i32
    %dma_wait3A_539 = tpu.memref_slice %arg3[%dma_wait3A_537, %dma_wait3A_538] : memref<32000x1024xf32, #tpu.memory_space<hbm>> -> memref<32000x1024xf32, #tpu.memory_space<hbm>>
    tpu.wait_indirect_dma semaphore(%arg13 : memref<!tpu.dma_semaphore, #tpu.memory_space<semaphore_mem>>) src(%dma_wait3A_539 : memref<32000x1024xf32, #tpu.memory_space<hbm>>) dst(%dma_wait3A_533 : memref<16x1024xf32, #tpu.memory_space<vmem>>)
    %parallel_loop3A_540 = arith.constant 0 : i32
    %parallel_loop3A_541 = arith.constant 1024 : i32
    %parallel_loop3A_542 = arith.constant 1 : i32
    scf.for %parallel_loop3A_1104 = %parallel_loop3A_540 to %parallel_loop3A_541 step %parallel_loop3A_542  : i32 {
      %parallel_loop3A_1105 = arith.constant 6 : i32
      %parallel_loop3A_1106 = arith.shrsi %parallel_loop3A_1104, %parallel_loop3A_1105 : i32
      %parallel_loop3A_1107 = arith.constant 63 : i32
      %parallel_loop3A_1108 = arith.andi %parallel_loop3A_1104, %parallel_loop3A_1107 : i32
      %parallel_loop3A_1109 = arith.constant 16 : i32
      %parallel_loop3A_1110 = arith.muli %parallel_loop3A_1108, %parallel_loop3A_1109 : i32
      %parallel_loop3A_1111 = arith.constant 16 : i32
      %parallel_loop3A_1112 = arith.muli %parallel_loop3A_1104, %parallel_loop3A_1111 : i32
      %parallel_loop3A_1113 = arith.index_cast %parallel_loop3A_1112 : i32 to index
      %parallel_loop3A_1114 = tpu.vector_load %arg8[%parallel_loop3A_1113] {strides = array<i32>} : memref<16384xbf16, #tpu.memory_space<vmem>>, vector<16xbf16>,
      %parallel_loop3A_1115 = vector.shape_cast %parallel_loop3A_1114 : vector<16xbf16> to vector<16xbf16>
      %parallel_loop3A_1116 = arith.extf %parallel_loop3A_1115 : vector<16xbf16> to vector<16xf32>
      %parallel_loop3A_1117 = arith.constant 0 : i32
      %parallel_loop3A_1118 = arith.index_cast %parallel_loop3A_1117 : i32 to index
      %parallel_loop3A_1119 = arith.index_cast %parallel_loop3A_1106 : i32 to index
      %parallel_loop3A_1120 = arith.index_cast %parallel_loop3A_1110 : i32 to index
      %parallel_loop3A_1121 = tpu.vector_load %arg9[%parallel_loop3A_1118, %parallel_loop3A_1119, %parallel_loop3A_1120] {strides = array<i32>} : memref<6x16x1024xf32, #tpu.memory_space<vmem>>, vector<1x1x16xf32>,
      %parallel_loop3A_1122 = vector.shape_cast %parallel_loop3A_1121 : vector<1x1x16xf32> to vector<16xf32>
      %parallel_loop3A_1123 = vector.shape_cast %parallel_loop3A_1116 : vector<16xf32> to vector<1x1x16xf32>
      tpu.vector_store %arg9[%parallel_loop3A_1118, %parallel_loop3A_1119, %parallel_loop3A_1120], %parallel_loop3A_1123 {add = true, strides = array<i32>} : memref<6x16x1024xf32, #tpu.memory_space<vmem>>, vector<1x1x16xf32>,
    } {sc.loop_unroll_factor = 8 : i64, sc.parallel_access}
    %dma_wait3A_543 = arith.constant 5 : i32
    %dma_wait3A_544 = arith.constant 1 : i32
    %dma_wait3A_545 = arith.constant 0 : i32
    %dma_wait3A_546 = arith.constant 0 : i32
    %dma_wait3A_547 = tpu.memref_slice %arg9[%dma_wait3A_543, %dma_wait3A_545, %dma_wait3A_546] : memref<6x16x1024xf32, #tpu.memory_space<vmem>> -> memref<1x16x1024xf32, #tpu.memory_space<vmem>>
    %dma_wait3A_548 = tpu.memref_squeeze %dma_wait3A_547 : memref<1x16x1024xf32, #tpu.memory_space<vmem>> -> memref<16x1024xf32, #tpu.memory_space<vmem>>
    %dma_wait3A_549 = arith.constant 0 : i32
    %dma_wait3A_550 = tpu.memref_slice %arg5[%dma_wait3A_544, %add3A_511, %dma_wait3A_549] : memref<4x2048x1024xf32, #tpu.memory_space<hbm>> -> memref<1x16x1024xf32, #tpu.memory_space<hbm>>
    %dma_wait3A_551 = tpu.memref_squeeze %dma_wait3A_550 : memref<1x16x1024xf32, #tpu.memory_space<hbm>> -> memref<16x1024xf32, #tpu.memory_space<hbm>>
    %dma_wait3A_552 = arith.constant 0 : i32
    %dma_wait3A_553 = tpu.memref_slice %arg5[%dma_wait3A_544, %add3A_511, %dma_wait3A_552] : memref<4x2048x1024xf32, #tpu.memory_space<hbm>> -> memref<1x16x1024xf32, #tpu.memory_space<hbm>>
    %dma_wait3A_554 = tpu.memref_squeeze %dma_wait3A_553 : memref<1x16x1024xf32, #tpu.memory_space<hbm>> -> memref<16x1024xf32, #tpu.memory_space<hbm>>
    %dma_wait3A_555 = arith.constant 0 : i32
    %dma_wait3A_556 = arith.constant 0 : i32
    %dma_wait3A_557 = tpu.memref_slice %arg9[%dma_wait3A_543, %dma_wait3A_555, %dma_wait3A_556] : memref<6x16x1024xf32, #tpu.memory_space<vmem>> -> memref<1x16x1024xf32, #tpu.memory_space<vmem>>
    %dma_wait3A_558 = tpu.memref_squeeze %dma_wait3A_557 : memref<1x16x1024xf32, #tpu.memory_space<vmem>> -> memref<16x1024xf32, #tpu.memory_space<vmem>>
    tpu.wait_dma2 semaphore(%arg24 : memref<!tpu.dma_semaphore, #tpu.memory_space<semaphore_mem>>) src(%dma_wait3A_558 : memref<16x1024xf32, #tpu.memory_space<vmem>>) dst(%dma_wait3A_554 : memref<16x1024xf32, #tpu.memory_space<hbm>>)
    %dma_start3A_559 = arith.constant 3 : i32
    %dma_start3A_560 = arith.constant 5 : i32
    %dma_start3A_561 = arith.constant 0 : i32
    %dma_start3A_562 = arith.constant 0 : i32
    %dma_start3A_563 = tpu.memref_slice %arg9[%dma_start3A_560, %dma_start3A_561, %dma_start3A_562] : memref<6x16x1024xf32, #tpu.memory_space<vmem>> -> memref<1x16x1024xf32, #tpu.memory_space<vmem>>
    %dma_start3A_564 = tpu.memref_squeeze %dma_start3A_563 : memref<1x16x1024xf32, #tpu.memory_space<vmem>> -> memref<16x1024xf32, #tpu.memory_space<vmem>>
    %dma_start3A_565 = arith.constant 32 : i32
    %dma_start3A_566 = tpu.memref_slice %arg6[%dma_start3A_559, %dma_start3A_565] : memref<4x64xi32, #tpu.memory_space<vmem>> -> memref<1x16xi32, #tpu.memory_space<vmem>>
    %dma_start3A_567 = tpu.memref_squeeze %dma_start3A_566 : memref<1x16xi32, #tpu.memory_space<vmem>> -> memref<16xi32, #tpu.memory_space<vmem>>
    %dma_start3A_568 = arith.constant 0 : i32
    %dma_start3A_569 = arith.constant 0 : i32
    %dma_start3A_570 = tpu.memref_slice %arg3[%dma_start3A_568, %dma_start3A_569] : memref<32000x1024xf32, #tpu.memory_space<hbm>> -> memref<32000x1024xf32, #tpu.memory_space<hbm>>
    tpu.enqueue_indirect_dma source(%dma_start3A_570 : memref<32000x1024xf32, #tpu.memory_space<hbm>>) target(%dma_start3A_564 : memref<16x1024xf32, #tpu.memory_space<vmem>>) offsets(%dma_start3A_567 : memref<16xi32, #tpu.memory_space<vmem>>) semaphore(%arg18 : memref<!tpu.dma_semaphore, #tpu.memory_space<semaphore_mem>>)
    %add3A_571 = arith.constant 16 : i32
    %add3A_572 = arith.addi %mul3A_2, %add3A_571 : i32
    %dma_start3A_573 = arith.constant 0 : i32
    %dma_start3A_574 = arith.constant 2 : i32
    %dma_start3A_575 = arith.constant 0 : i32
    %dma_start3A_576 = arith.constant 0 : i32
    %dma_start3A_577 = tpu.memref_slice %arg9[%dma_start3A_573, %dma_start3A_575, %dma_start3A_576] : memref<6x16x1024xf32, #tpu.memory_space<vmem>> -> memref<1x16x1024xf32, #tpu.memory_space<vmem>>
    %dma_start3A_578 = tpu.memref_squeeze %dma_start3A_577 : memref<1x16x1024xf32, #tpu.memory_space<vmem>> -> memref<16x1024xf32, #tpu.memory_space<vmem>>
    %dma_start3A_579 = arith.constant 0 : i32
    %dma_start3A_580 = tpu.memref_slice %arg5[%dma_start3A_574, %add3A_572, %dma_start3A_579] : memref<4x2048x1024xf32, #tpu.memory_space<hbm>> -> memref<1x16x1024xf32, #tpu.memory_space<hbm>>
    %dma_start3A_581 = tpu.memref_squeeze %dma_start3A_580 : memref<1x16x1024xf32, #tpu.memory_space<hbm>> -> memref<16x1024xf32, #tpu.memory_space<hbm>>
    %dma_start3A_582 = arith.constant 0 : i32
    %dma_start3A_583 = tpu.memref_slice %arg5[%dma_start3A_574, %add3A_572, %dma_start3A_582] : memref<4x2048x1024xf32, #tpu.memory_space<hbm>> -> memref<1x16x1024xf32, #tpu.memory_space<hbm>>
    %dma_start3A_584 = tpu.memref_squeeze %dma_start3A_583 : memref<1x16x1024xf32, #tpu.memory_space<hbm>> -> memref<16x1024xf32, #tpu.memory_space<hbm>>
    %dma_start3A_585 = arith.constant 0 : i32
    %dma_start3A_586 = arith.constant 0 : i32
    %dma_start3A_587 = tpu.memref_slice %arg9[%dma_start3A_573, %dma_start3A_585, %dma_start3A_586] : memref<6x16x1024xf32, #tpu.memory_space<vmem>> -> memref<1x16x1024xf32, #tpu.memory_space<vmem>>
    %dma_start3A_588 = tpu.memref_squeeze %dma_start3A_587 : memref<1x16x1024xf32, #tpu.memory_space<vmem>> -> memref<16x1024xf32, #tpu.memory_space<vmem>>
    tpu.enqueue_dma source(%dma_start3A_588 : memref<16x1024xf32, #tpu.memory_space<vmem>>) target(%dma_start3A_584 : memref<16x1024xf32, #tpu.memory_space<hbm>>) target_semaphore(%arg19 : memref<!tpu.dma_semaphore, #tpu.memory_space<semaphore_mem>>)
    %dma_wait3A_589 = arith.constant 3 : i32
    %dma_wait3A_590 = arith.constant 1 : i32
    %dma_wait3A_591 = arith.constant 0 : i32
    %dma_wait3A_592 = arith.constant 0 : i32
    %dma_wait3A_593 = tpu.memref_slice %arg9[%dma_wait3A_590, %dma_wait3A_591, %dma_wait3A_592] : memref<6x16x1024xf32, #tpu.memory_space<vmem>> -> memref<1x16x1024xf32, #tpu.memory_space<vmem>>
    %dma_wait3A_594 = tpu.memref_squeeze %dma_wait3A_593 : memref<1x16x1024xf32, #tpu.memory_space<vmem>> -> memref<16x1024xf32, #tpu.memory_space<vmem>>
    %dma_wait3A_595 = arith.constant 16 : i32
    %dma_wait3A_596 = tpu.memref_slice %arg6[%dma_wait3A_589, %dma_wait3A_595] : memref<4x64xi32, #tpu.memory_space<vmem>> -> memref<1x16xi32, #tpu.memory_space<vmem>>
    %dma_wait3A_597 = tpu.memref_squeeze %dma_wait3A_596 : memref<1x16xi32, #tpu.memory_space<vmem>> -> memref<16xi32, #tpu.memory_space<vmem>>
    %dma_wait3A_598 = arith.constant 0 : i32
    %dma_wait3A_599 = arith.constant 0 : i32
    %dma_wait3A_600 = tpu.memref_slice %arg3[%dma_wait3A_598, %dma_wait3A_599] : memref<32000x1024xf32, #tpu.memory_space<hbm>> -> memref<32000x1024xf32, #tpu.memory_space<hbm>>
    tpu.wait_indirect_dma semaphore(%arg14 : memref<!tpu.dma_semaphore, #tpu.memory_space<semaphore_mem>>) src(%dma_wait3A_600 : memref<32000x1024xf32, #tpu.memory_space<hbm>>) dst(%dma_wait3A_594 : memref<16x1024xf32, #tpu.memory_space<vmem>>)
    %parallel_loop3A_601 = arith.constant 0 : i32
    %parallel_loop3A_602 = arith.constant 1024 : i32
    %parallel_loop3A_603 = arith.constant 1 : i32
    scf.for %parallel_loop3A_1104 = %parallel_loop3A_601 to %parallel_loop3A_602 step %parallel_loop3A_603  : i32 {
      %parallel_loop3A_1105 = arith.constant 6 : i32
      %parallel_loop3A_1106 = arith.shrsi %parallel_loop3A_1104, %parallel_loop3A_1105 : i32
      %parallel_loop3A_1107 = arith.constant 63 : i32
      %parallel_loop3A_1108 = arith.andi %parallel_loop3A_1104, %parallel_loop3A_1107 : i32
      %parallel_loop3A_1109 = arith.constant 16 : i32
      %parallel_loop3A_1110 = arith.muli %parallel_loop3A_1108, %parallel_loop3A_1109 : i32
      %parallel_loop3A_1111 = arith.constant 16 : i32
      %parallel_loop3A_1112 = arith.muli %parallel_loop3A_1104, %parallel_loop3A_1111 : i32
      %parallel_loop3A_1113 = arith.index_cast %parallel_loop3A_1112 : i32 to index
      %parallel_loop3A_1114 = tpu.vector_load %arg8[%parallel_loop3A_1113] {strides = array<i32>} : memref<16384xbf16, #tpu.memory_space<vmem>>, vector<16xbf16>,
      %parallel_loop3A_1115 = vector.shape_cast %parallel_loop3A_1114 : vector<16xbf16> to vector<16xbf16>
      %parallel_loop3A_1116 = arith.extf %parallel_loop3A_1115 : vector<16xbf16> to vector<16xf32>
      %parallel_loop3A_1117 = arith.constant 1 : i32
      %parallel_loop3A_1118 = arith.index_cast %parallel_loop3A_1117 : i32 to index
      %parallel_loop3A_1119 = arith.index_cast %parallel_loop3A_1106 : i32 to index
      %parallel_loop3A_1120 = arith.index_cast %parallel_loop3A_1110 : i32 to index
      %parallel_loop3A_1121 = tpu.vector_load %arg9[%parallel_loop3A_1118, %parallel_loop3A_1119, %parallel_loop3A_1120] {strides = array<i32>} : memref<6x16x1024xf32, #tpu.memory_space<vmem>>, vector<1x1x16xf32>,
      %parallel_loop3A_1122 = vector.shape_cast %parallel_loop3A_1121 : vector<1x1x16xf32> to vector<16xf32>
      %parallel_loop3A_1123 = vector.shape_cast %parallel_loop3A_1116 : vector<16xf32> to vector<1x1x16xf32>
      tpu.vector_store %arg9[%parallel_loop3A_1118, %parallel_loop3A_1119, %parallel_loop3A_1120], %parallel_loop3A_1123 {add = true, strides = array<i32>} : memref<6x16x1024xf32, #tpu.memory_space<vmem>>, vector<1x1x16xf32>,
    } {sc.loop_unroll_factor = 8 : i64, sc.parallel_access}
    %dma_wait3A_604 = arith.constant 0 : i32
    %dma_wait3A_605 = arith.constant 2 : i32
    %dma_wait3A_606 = arith.constant 0 : i32
    %dma_wait3A_607 = arith.constant 0 : i32
    %dma_wait3A_608 = tpu.memref_slice %arg9[%dma_wait3A_604, %dma_wait3A_606, %dma_wait3A_607] : memref<6x16x1024xf32, #tpu.memory_space<vmem>> -> memref<1x16x1024xf32, #tpu.memory_space<vmem>>
    %dma_wait3A_609 = tpu.memref_squeeze %dma_wait3A_608 : memref<1x16x1024xf32, #tpu.memory_space<vmem>> -> memref<16x1024xf32, #tpu.memory_space<vmem>>
    %dma_wait3A_610 = arith.constant 0 : i32
    %dma_wait3A_611 = tpu.memref_slice %arg5[%dma_wait3A_605, %add3A_572, %dma_wait3A_610] : memref<4x2048x1024xf32, #tpu.memory_space<hbm>> -> memref<1x16x1024xf32, #tpu.memory_space<hbm>>
    %dma_wait3A_612 = tpu.memref_squeeze %dma_wait3A_611 : memref<1x16x1024xf32, #tpu.memory_space<hbm>> -> memref<16x1024xf32, #tpu.memory_space<hbm>>
    %dma_wait3A_613 = arith.constant 0 : i32
    %dma_wait3A_614 = tpu.memref_slice %arg5[%dma_wait3A_605, %add3A_572, %dma_wait3A_613] : memref<4x2048x1024xf32, #tpu.memory_space<hbm>> -> memref<1x16x1024xf32, #tpu.memory_space<hbm>>
    %dma_wait3A_615 = tpu.memref_squeeze %dma_wait3A_614 : memref<1x16x1024xf32, #tpu.memory_space<hbm>> -> memref<16x1024xf32, #tpu.memory_space<hbm>>
    %dma_wait3A_616 = arith.constant 0 : i32
    %dma_wait3A_617 = arith.constant 0 : i32
    %dma_wait3A_618 = tpu.memref_slice %arg9[%dma_wait3A_604, %dma_wait3A_616, %dma_wait3A_617] : memref<6x16x1024xf32, #tpu.memory_space<vmem>> -> memref<1x16x1024xf32, #tpu.memory_space<vmem>>
    %dma_wait3A_619 = tpu.memref_squeeze %dma_wait3A_618 : memref<1x16x1024xf32, #tpu.memory_space<vmem>> -> memref<16x1024xf32, #tpu.memory_space<vmem>>
    tpu.wait_dma2 semaphore(%arg19 : memref<!tpu.dma_semaphore, #tpu.memory_space<semaphore_mem>>) src(%dma_wait3A_619 : memref<16x1024xf32, #tpu.memory_space<vmem>>) dst(%dma_wait3A_615 : memref<16x1024xf32, #tpu.memory_space<hbm>>)
    %dma_start3A_620 = arith.constant 0 : i32
    %dma_start3A_621 = arith.constant 0 : i32
    %dma_start3A_622 = arith.constant 0 : i32
    %dma_start3A_623 = arith.constant 0 : i32
    %dma_start3A_624 = tpu.memref_slice %arg9[%dma_start3A_621, %dma_start3A_622, %dma_start3A_623] : memref<6x16x1024xf32, #tpu.memory_space<vmem>> -> memref<1x16x1024xf32, #tpu.memory_space<vmem>>
    %dma_start3A_625 = tpu.memref_squeeze %dma_start3A_624 : memref<1x16x1024xf32, #tpu.memory_space<vmem>> -> memref<16x1024xf32, #tpu.memory_space<vmem>>
    %dma_start3A_626 = arith.constant 48 : i32
    %dma_start3A_627 = tpu.memref_slice %arg6[%dma_start3A_620, %dma_start3A_626] : memref<4x64xi32, #tpu.memory_space<vmem>> -> memref<1x16xi32, #tpu.memory_space<vmem>>
    %dma_start3A_628 = tpu.memref_squeeze %dma_start3A_627 : memref<1x16xi32, #tpu.memory_space<vmem>> -> memref<16xi32, #tpu.memory_space<vmem>>
    %dma_start3A_629 = arith.constant 0 : i32
    %dma_start3A_630 = arith.constant 0 : i32
    %dma_start3A_631 = tpu.memref_slice %arg3[%dma_start3A_629, %dma_start3A_630] : memref<32000x1024xf32, #tpu.memory_space<hbm>> -> memref<32000x1024xf32, #tpu.memory_space<hbm>>
    tpu.enqueue_indirect_dma source(%dma_start3A_631 : memref<32000x1024xf32, #tpu.memory_space<hbm>>) target(%dma_start3A_625 : memref<16x1024xf32, #tpu.memory_space<vmem>>) offsets(%dma_start3A_628 : memref<16xi32, #tpu.memory_space<vmem>>) semaphore(%arg13 : memref<!tpu.dma_semaphore, #tpu.memory_space<semaphore_mem>>)
    %add3A_632 = arith.constant 48 : i32
    %add3A_633 = arith.addi %mul3A_2, %add3A_632 : i32
    %mul3A_634 = arith.constant 1024 : i32
    %mul3A_635 = arith.muli %add3A_633, %mul3A_634 : i32
    %dma_start3A_636 = tpu.memref_slice %arg4[%mul3A_635] : memref<2097152xbf16, #tpu.memory_space<hbm>> -> memref<16384xbf16, #tpu.memory_space<hbm>>
    %dma_start3A_637 = tpu.memref_slice %arg4[%mul3A_635] : memref<2097152xbf16, #tpu.memory_space<hbm>> -> memref<16384xbf16, #tpu.memory_space<hbm>>
    tpu.enqueue_dma source(%dma_start3A_637 : memref<16384xbf16, #tpu.memory_space<hbm>>) target(%arg8 : memref<16384xbf16, #tpu.memory_space<vmem>>) target_semaphore(%arg12 : memref<!tpu.dma_semaphore, #tpu.memory_space<semaphore_mem>>)
    %add3A_638 = arith.constant 16 : i32
    %add3A_639 = arith.addi %mul3A_2, %add3A_638 : i32
    %dma_start3A_640 = arith.constant 1 : i32
    %dma_start3A_641 = arith.constant 3 : i32
    %dma_start3A_642 = arith.constant 0 : i32
    %dma_start3A_643 = arith.constant 0 : i32
    %dma_start3A_644 = tpu.memref_slice %arg9[%dma_start3A_640, %dma_start3A_642, %dma_start3A_643] : memref<6x16x1024xf32, #tpu.memory_space<vmem>> -> memref<1x16x1024xf32, #tpu.memory_space<vmem>>
    %dma_start3A_645 = tpu.memref_squeeze %dma_start3A_644 : memref<1x16x1024xf32, #tpu.memory_space<vmem>> -> memref<16x1024xf32, #tpu.memory_space<vmem>>
    %dma_start3A_646 = arith.constant 0 : i32
    %dma_start3A_647 = tpu.memref_slice %arg5[%dma_start3A_641, %add3A_639, %dma_start3A_646] : memref<4x2048x1024xf32, #tpu.memory_space<hbm>> -> memref<1x16x1024xf32, #tpu.memory_space<hbm>>
    %dma_start3A_648 = tpu.memref_squeeze %dma_start3A_647 : memref<1x16x1024xf32, #tpu.memory_space<hbm>> -> memref<16x1024xf32, #tpu.memory_space<hbm>>
    %dma_start3A_649 = arith.constant 0 : i32
    %dma_start3A_650 = tpu.memref_slice %arg5[%dma_start3A_641, %add3A_639, %dma_start3A_649] : memref<4x2048x1024xf32, #tpu.memory_space<hbm>> -> memref<1x16x1024xf32, #tpu.memory_space<hbm>>
    %dma_start3A_651 = tpu.memref_squeeze %dma_start3A_650 : memref<1x16x1024xf32, #tpu.memory_space<hbm>> -> memref<16x1024xf32, #tpu.memory_space<hbm>>
    %dma_start3A_652 = arith.constant 0 : i32
    %dma_start3A_653 = arith.constant 0 : i32
    %dma_start3A_654 = tpu.memref_slice %arg9[%dma_start3A_640, %dma_start3A_652, %dma_start3A_653] : memref<6x16x1024xf32, #tpu.memory_space<vmem>> -> memref<1x16x1024xf32, #tpu.memory_space<vmem>>
    %dma_start3A_655 = tpu.memref_squeeze %dma_start3A_654 : memref<1x16x1024xf32, #tpu.memory_space<vmem>> -> memref<16x1024xf32, #tpu.memory_space<vmem>>
    tpu.enqueue_dma source(%dma_start3A_655 : memref<16x1024xf32, #tpu.memory_space<vmem>>) target(%dma_start3A_651 : memref<16x1024xf32, #tpu.memory_space<hbm>>) target_semaphore(%arg20 : memref<!tpu.dma_semaphore, #tpu.memory_space<semaphore_mem>>)
    %dma_wait3A_656 = tpu.memref_slice %arg4[%mul3A_383] : memref<2097152xbf16, #tpu.memory_space<hbm>> -> memref<16384xbf16, #tpu.memory_space<hbm>>
    %dma_wait3A_657 = tpu.memref_slice %arg4[%mul3A_383] : memref<2097152xbf16, #tpu.memory_space<hbm>> -> memref<16384xbf16, #tpu.memory_space<hbm>>
    tpu.wait_dma2 semaphore(%arg11 : memref<!tpu.dma_semaphore, #tpu.memory_space<semaphore_mem>>) src(%dma_wait3A_657 : memref<16384xbf16, #tpu.memory_space<hbm>>) dst(%arg7 : memref<16384xbf16, #tpu.memory_space<vmem>>)
    %dma_wait3A_658 = arith.constant 0 : i32
    %dma_wait3A_659 = arith.constant 2 : i32
    %dma_wait3A_660 = arith.constant 0 : i32
    %dma_wait3A_661 = arith.constant 0 : i32
    %dma_wait3A_662 = tpu.memref_slice %arg9[%dma_wait3A_659, %dma_wait3A_660, %dma_wait3A_661] : memref<6x16x1024xf32, #tpu.memory_space<vmem>> -> memref<1x16x1024xf32, #tpu.memory_space<vmem>>
    %dma_wait3A_663 = tpu.memref_squeeze %dma_wait3A_662 : memref<1x16x1024xf32, #tpu.memory_space<vmem>> -> memref<16x1024xf32, #tpu.memory_space<vmem>>
    %dma_wait3A_664 = arith.constant 32 : i32
    %dma_wait3A_665 = tpu.memref_slice %arg6[%dma_wait3A_658, %dma_wait3A_664] : memref<4x64xi32, #tpu.memory_space<vmem>> -> memref<1x16xi32, #tpu.memory_space<vmem>>
    %dma_wait3A_666 = tpu.memref_squeeze %dma_wait3A_665 : memref<1x16xi32, #tpu.memory_space<vmem>> -> memref<16xi32, #tpu.memory_space<vmem>>
    %dma_wait3A_667 = arith.constant 0 : i32
    %dma_wait3A_668 = arith.constant 0 : i32
    %dma_wait3A_669 = tpu.memref_slice %arg3[%dma_wait3A_667, %dma_wait3A_668] : memref<32000x1024xf32, #tpu.memory_space<hbm>> -> memref<32000x1024xf32, #tpu.memory_space<hbm>>
    tpu.wait_indirect_dma semaphore(%arg15 : memref<!tpu.dma_semaphore, #tpu.memory_space<semaphore_mem>>) src(%dma_wait3A_669 : memref<32000x1024xf32, #tpu.memory_space<hbm>>) dst(%dma_wait3A_663 : memref<16x1024xf32, #tpu.memory_space<vmem>>)
    %parallel_loop3A_670 = arith.constant 0 : i32
    %parallel_loop3A_671 = arith.constant 1024 : i32
    %parallel_loop3A_672 = arith.constant 1 : i32
    scf.for %parallel_loop3A_1104 = %parallel_loop3A_670 to %parallel_loop3A_671 step %parallel_loop3A_672  : i32 {
      %parallel_loop3A_1105 = arith.constant 6 : i32
      %parallel_loop3A_1106 = arith.shrsi %parallel_loop3A_1104, %parallel_loop3A_1105 : i32
      %parallel_loop3A_1107 = arith.constant 63 : i32
      %parallel_loop3A_1108 = arith.andi %parallel_loop3A_1104, %parallel_loop3A_1107 : i32
      %parallel_loop3A_1109 = arith.constant 16 : i32
      %parallel_loop3A_1110 = arith.muli %parallel_loop3A_1108, %parallel_loop3A_1109 : i32
      %parallel_loop3A_1111 = arith.constant 16 : i32
      %parallel_loop3A_1112 = arith.muli %parallel_loop3A_1104, %parallel_loop3A_1111 : i32
      %parallel_loop3A_1113 = arith.index_cast %parallel_loop3A_1112 : i32 to index
      %parallel_loop3A_1114 = tpu.vector_load %arg7[%parallel_loop3A_1113] {strides = array<i32>} : memref<16384xbf16, #tpu.memory_space<vmem>>, vector<16xbf16>,
      %parallel_loop3A_1115 = vector.shape_cast %parallel_loop3A_1114 : vector<16xbf16> to vector<16xbf16>
      %parallel_loop3A_1116 = arith.extf %parallel_loop3A_1115 : vector<16xbf16> to vector<16xf32>
      %parallel_loop3A_1117 = arith.constant 2 : i32
      %parallel_loop3A_1118 = arith.index_cast %parallel_loop3A_1117 : i32 to index
      %parallel_loop3A_1119 = arith.index_cast %parallel_loop3A_1106 : i32 to index
      %parallel_loop3A_1120 = arith.index_cast %parallel_loop3A_1110 : i32 to index
      %parallel_loop3A_1121 = tpu.vector_load %arg9[%parallel_loop3A_1118, %parallel_loop3A_1119, %parallel_loop3A_1120] {strides = array<i32>} : memref<6x16x1024xf32, #tpu.memory_space<vmem>>, vector<1x1x16xf32>,
      %parallel_loop3A_1122 = vector.shape_cast %parallel_loop3A_1121 : vector<1x1x16xf32> to vector<16xf32>
      %parallel_loop3A_1123 = vector.shape_cast %parallel_loop3A_1116 : vector<16xf32> to vector<1x1x16xf32>
      tpu.vector_store %arg9[%parallel_loop3A_1118, %parallel_loop3A_1119, %parallel_loop3A_1120], %parallel_loop3A_1123 {add = true, strides = array<i32>} : memref<6x16x1024xf32, #tpu.memory_space<vmem>>, vector<1x1x16xf32>,
    } {sc.loop_unroll_factor = 8 : i64, sc.parallel_access}
    %dma_wait3A_673 = arith.constant 1 : i32
    %dma_wait3A_674 = arith.constant 3 : i32
    %dma_wait3A_675 = arith.constant 0 : i32
    %dma_wait3A_676 = arith.constant 0 : i32
    %dma_wait3A_677 = tpu.memref_slice %arg9[%dma_wait3A_673, %dma_wait3A_675, %dma_wait3A_676] : memref<6x16x1024xf32, #tpu.memory_space<vmem>> -> memref<1x16x1024xf32, #tpu.memory_space<vmem>>
    %dma_wait3A_678 = tpu.memref_squeeze %dma_wait3A_677 : memref<1x16x1024xf32, #tpu.memory_space<vmem>> -> memref<16x1024xf32, #tpu.memory_space<vmem>>
    %dma_wait3A_679 = arith.constant 0 : i32
    %dma_wait3A_680 = tpu.memref_slice %arg5[%dma_wait3A_674, %add3A_639, %dma_wait3A_679] : memref<4x2048x1024xf32, #tpu.memory_space<hbm>> -> memref<1x16x1024xf32, #tpu.memory_space<hbm>>
    %dma_wait3A_681 = tpu.memref_squeeze %dma_wait3A_680 : memref<1x16x1024xf32, #tpu.memory_space<hbm>> -> memref<16x1024xf32, #tpu.memory_space<hbm>>
    %dma_wait3A_682 = arith.constant 0 : i32
    %dma_wait3A_683 = tpu.memref_slice %arg5[%dma_wait3A_674, %add3A_639, %dma_wait3A_682] : memref<4x2048x1024xf32, #tpu.memory_space<hbm>> -> memref<1x16x1024xf32, #tpu.memory_space<hbm>>
    %dma_wait3A_684 = tpu.memref_squeeze %dma_wait3A_683 : memref<1x16x1024xf32, #tpu.memory_space<hbm>> -> memref<16x1024xf32, #tpu.memory_space<hbm>>
    %dma_wait3A_685 = arith.constant 0 : i32
    %dma_wait3A_686 = arith.constant 0 : i32
    %dma_wait3A_687 = tpu.memref_slice %arg9[%dma_wait3A_673, %dma_wait3A_685, %dma_wait3A_686] : memref<6x16x1024xf32, #tpu.memory_space<vmem>> -> memref<1x16x1024xf32, #tpu.memory_space<vmem>>
    %dma_wait3A_688 = tpu.memref_squeeze %dma_wait3A_687 : memref<1x16x1024xf32, #tpu.memory_space<vmem>> -> memref<16x1024xf32, #tpu.memory_space<vmem>>
    tpu.wait_dma2 semaphore(%arg20 : memref<!tpu.dma_semaphore, #tpu.memory_space<semaphore_mem>>) src(%dma_wait3A_688 : memref<16x1024xf32, #tpu.memory_space<vmem>>) dst(%dma_wait3A_684 : memref<16x1024xf32, #tpu.memory_space<hbm>>)
    %dma_start3A_689 = arith.constant 1 : i32
    %dma_start3A_690 = arith.constant 1 : i32
    %dma_start3A_691 = arith.constant 0 : i32
    %dma_start3A_692 = arith.constant 0 : i32
    %dma_start3A_693 = tpu.memref_slice %arg9[%dma_start3A_690, %dma_start3A_691, %dma_start3A_692] : memref<6x16x1024xf32, #tpu.memory_space<vmem>> -> memref<1x16x1024xf32, #tpu.memory_space<vmem>>
    %dma_start3A_694 = tpu.memref_squeeze %dma_start3A_693 : memref<1x16x1024xf32, #tpu.memory_space<vmem>> -> memref<16x1024xf32, #tpu.memory_space<vmem>>
    %dma_start3A_695 = arith.constant 48 : i32
    %dma_start3A_696 = tpu.memref_slice %arg6[%dma_start3A_689, %dma_start3A_695] : memref<4x64xi32, #tpu.memory_space<vmem>> -> memref<1x16xi32, #tpu.memory_space<vmem>>
    %dma_start3A_697 = tpu.memref_squeeze %dma_start3A_696 : memref<1x16xi32, #tpu.memory_space<vmem>> -> memref<16xi32, #tpu.memory_space<vmem>>
    %dma_start3A_698 = arith.constant 0 : i32
    %dma_start3A_699 = arith.constant 0 : i32
    %dma_start3A_700 = tpu.memref_slice %arg3[%dma_start3A_698, %dma_start3A_699] : memref<32000x1024xf32, #tpu.memory_space<hbm>> -> memref<32000x1024xf32, #tpu.memory_space<hbm>>
    tpu.enqueue_indirect_dma source(%dma_start3A_700 : memref<32000x1024xf32, #tpu.memory_space<hbm>>) target(%dma_start3A_694 : memref<16x1024xf32, #tpu.memory_space<vmem>>) offsets(%dma_start3A_697 : memref<16xi32, #tpu.memory_space<vmem>>) semaphore(%arg14 : memref<!tpu.dma_semaphore, #tpu.memory_space<semaphore_mem>>)
    %add3A_701 = arith.constant 32 : i32
    %add3A_702 = arith.addi %mul3A_2, %add3A_701 : i32
    %dma_start3A_703 = arith.constant 2 : i32
    %dma_start3A_704 = arith.constant 0 : i32
    %dma_start3A_705 = arith.constant 0 : i32
    %dma_start3A_706 = arith.constant 0 : i32
    %dma_start3A_707 = tpu.memref_slice %arg9[%dma_start3A_703, %dma_start3A_705, %dma_start3A_706] : memref<6x16x1024xf32, #tpu.memory_space<vmem>> -> memref<1x16x1024xf32, #tpu.memory_space<vmem>>
    %dma_start3A_708 = tpu.memref_squeeze %dma_start3A_707 : memref<1x16x1024xf32, #tpu.memory_space<vmem>> -> memref<16x1024xf32, #tpu.memory_space<vmem>>
    %dma_start3A_709 = arith.constant 0 : i32
    %dma_start3A_710 = tpu.memref_slice %arg5[%dma_start3A_704, %add3A_702, %dma_start3A_709] : memref<4x2048x1024xf32, #tpu.memory_space<hbm>> -> memref<1x16x1024xf32, #tpu.memory_space<hbm>>
    %dma_start3A_711 = tpu.memref_squeeze %dma_start3A_710 : memref<1x16x1024xf32, #tpu.memory_space<hbm>> -> memref<16x1024xf32, #tpu.memory_space<hbm>>
    %dma_start3A_712 = arith.constant 0 : i32
    %dma_start3A_713 = tpu.memref_slice %arg5[%dma_start3A_704, %add3A_702, %dma_start3A_712] : memref<4x2048x1024xf32, #tpu.memory_space<hbm>> -> memref<1x16x1024xf32, #tpu.memory_space<hbm>>
    %dma_start3A_714 = tpu.memref_squeeze %dma_start3A_713 : memref<1x16x1024xf32, #tpu.memory_space<hbm>> -> memref<16x1024xf32, #tpu.memory_space<hbm>>
    %dma_start3A_715 = arith.constant 0 : i32
    %dma_start3A_716 = arith.constant 0 : i32
    %dma_start3A_717 = tpu.memref_slice %arg9[%dma_start3A_703, %dma_start3A_715, %dma_start3A_716] : memref<6x16x1024xf32, #tpu.memory_space<vmem>> -> memref<1x16x1024xf32, #tpu.memory_space<vmem>>
    %dma_start3A_718 = tpu.memref_squeeze %dma_start3A_717 : memref<1x16x1024xf32, #tpu.memory_space<vmem>> -> memref<16x1024xf32, #tpu.memory_space<vmem>>
    tpu.enqueue_dma source(%dma_start3A_718 : memref<16x1024xf32, #tpu.memory_space<vmem>>) target(%dma_start3A_714 : memref<16x1024xf32, #tpu.memory_space<hbm>>) target_semaphore(%arg21 : memref<!tpu.dma_semaphore, #tpu.memory_space<semaphore_mem>>)
    %dma_wait3A_719 = arith.constant 1 : i32
    %dma_wait3A_720 = arith.constant 3 : i32
    %dma_wait3A_721 = arith.constant 0 : i32
    %dma_wait3A_722 = arith.constant 0 : i32
    %dma_wait3A_723 = tpu.memref_slice %arg9[%dma_wait3A_720, %dma_wait3A_721, %dma_wait3A_722] : memref<6x16x1024xf32, #tpu.memory_space<vmem>> -> memref<1x16x1024xf32, #tpu.memory_space<vmem>>
    %dma_wait3A_724 = tpu.memref_squeeze %dma_wait3A_723 : memref<1x16x1024xf32, #tpu.memory_space<vmem>> -> memref<16x1024xf32, #tpu.memory_space<vmem>>
    %dma_wait3A_725 = arith.constant 32 : i32
    %dma_wait3A_726 = tpu.memref_slice %arg6[%dma_wait3A_719, %dma_wait3A_725] : memref<4x64xi32, #tpu.memory_space<vmem>> -> memref<1x16xi32, #tpu.memory_space<vmem>>
    %dma_wait3A_727 = tpu.memref_squeeze %dma_wait3A_726 : memref<1x16xi32, #tpu.memory_space<vmem>> -> memref<16xi32, #tpu.memory_space<vmem>>
    %dma_wait3A_728 = arith.constant 0 : i32
    %dma_wait3A_729 = arith.constant 0 : i32
    %dma_wait3A_730 = tpu.memref_slice %arg3[%dma_wait3A_728, %dma_wait3A_729] : memref<32000x1024xf32, #tpu.memory_space<hbm>> -> memref<32000x1024xf32, #tpu.memory_space<hbm>>
    tpu.wait_indirect_dma semaphore(%arg16 : memref<!tpu.dma_semaphore, #tpu.memory_space<semaphore_mem>>) src(%dma_wait3A_730 : memref<32000x1024xf32, #tpu.memory_space<hbm>>) dst(%dma_wait3A_724 : memref<16x1024xf32, #tpu.memory_space<vmem>>)
    %parallel_loop3A_731 = arith.constant 0 : i32
    %parallel_loop3A_732 = arith.constant 1024 : i32
    %parallel_loop3A_733 = arith.constant 1 : i32
    scf.for %parallel_loop3A_1104 = %parallel_loop3A_731 to %parallel_loop3A_732 step %parallel_loop3A_733  : i32 {
      %parallel_loop3A_1105 = arith.constant 6 : i32
      %parallel_loop3A_1106 = arith.shrsi %parallel_loop3A_1104, %parallel_loop3A_1105 : i32
      %parallel_loop3A_1107 = arith.constant 63 : i32
      %parallel_loop3A_1108 = arith.andi %parallel_loop3A_1104, %parallel_loop3A_1107 : i32
      %parallel_loop3A_1109 = arith.constant 16 : i32
      %parallel_loop3A_1110 = arith.muli %parallel_loop3A_1108, %parallel_loop3A_1109 : i32
      %parallel_loop3A_1111 = arith.constant 16 : i32
      %parallel_loop3A_1112 = arith.muli %parallel_loop3A_1104, %parallel_loop3A_1111 : i32
      %parallel_loop3A_1113 = arith.index_cast %parallel_loop3A_1112 : i32 to index
      %parallel_loop3A_1114 = tpu.vector_load %arg7[%parallel_loop3A_1113] {strides = array<i32>} : memref<16384xbf16, #tpu.memory_space<vmem>>, vector<16xbf16>,
      %parallel_loop3A_1115 = vector.shape_cast %parallel_loop3A_1114 : vector<16xbf16> to vector<16xbf16>
      %parallel_loop3A_1116 = arith.extf %parallel_loop3A_1115 : vector<16xbf16> to vector<16xf32>
      %parallel_loop3A_1117 = arith.constant 3 : i32
      %parallel_loop3A_1118 = arith.index_cast %parallel_loop3A_1117 : i32 to index
      %parallel_loop3A_1119 = arith.index_cast %parallel_loop3A_1106 : i32 to index
      %parallel_loop3A_1120 = arith.index_cast %parallel_loop3A_1110 : i32 to index
      %parallel_loop3A_1121 = tpu.vector_load %arg9[%parallel_loop3A_1118, %parallel_loop3A_1119, %parallel_loop3A_1120] {strides = array<i32>} : memref<6x16x1024xf32, #tpu.memory_space<vmem>>, vector<1x1x16xf32>,
      %parallel_loop3A_1122 = vector.shape_cast %parallel_loop3A_1121 : vector<1x1x16xf32> to vector<16xf32>
      %parallel_loop3A_1123 = vector.shape_cast %parallel_loop3A_1116 : vector<16xf32> to vector<1x1x16xf32>
      tpu.vector_store %arg9[%parallel_loop3A_1118, %parallel_loop3A_1119, %parallel_loop3A_1120], %parallel_loop3A_1123 {add = true, strides = array<i32>} : memref<6x16x1024xf32, #tpu.memory_space<vmem>>, vector<1x1x16xf32>,
    } {sc.loop_unroll_factor = 8 : i64, sc.parallel_access}
    %dma_wait3A_734 = arith.constant 2 : i32
    %dma_wait3A_735 = arith.constant 0 : i32
    %dma_wait3A_736 = arith.constant 0 : i32
    %dma_wait3A_737 = arith.constant 0 : i32
    %dma_wait3A_738 = tpu.memref_slice %arg9[%dma_wait3A_734, %dma_wait3A_736, %dma_wait3A_737] : memref<6x16x1024xf32, #tpu.memory_space<vmem>> -> memref<1x16x1024xf32, #tpu.memory_space<vmem>>
    %dma_wait3A_739 = tpu.memref_squeeze %dma_wait3A_738 : memref<1x16x1024xf32, #tpu.memory_space<vmem>> -> memref<16x1024xf32, #tpu.memory_space<vmem>>
    %dma_wait3A_740 = arith.constant 0 : i32
    %dma_wait3A_741 = tpu.memref_slice %arg5[%dma_wait3A_735, %add3A_702, %dma_wait3A_740] : memref<4x2048x1024xf32, #tpu.memory_space<hbm>> -> memref<1x16x1024xf32, #tpu.memory_space<hbm>>
    %dma_wait3A_742 = tpu.memref_squeeze %dma_wait3A_741 : memref<1x16x1024xf32, #tpu.memory_space<hbm>> -> memref<16x1024xf32, #tpu.memory_space<hbm>>
    %dma_wait3A_743 = arith.constant 0 : i32
    %dma_wait3A_744 = tpu.memref_slice %arg5[%dma_wait3A_735, %add3A_702, %dma_wait3A_743] : memref<4x2048x1024xf32, #tpu.memory_space<hbm>> -> memref<1x16x1024xf32, #tpu.memory_space<hbm>>
    %dma_wait3A_745 = tpu.memref_squeeze %dma_wait3A_744 : memref<1x16x1024xf32, #tpu.memory_space<hbm>> -> memref<16x1024xf32, #tpu.memory_space<hbm>>
    %dma_wait3A_746 = arith.constant 0 : i32
    %dma_wait3A_747 = arith.constant 0 : i32
    %dma_wait3A_748 = tpu.memref_slice %arg9[%dma_wait3A_734, %dma_wait3A_746, %dma_wait3A_747] : memref<6x16x1024xf32, #tpu.memory_space<vmem>> -> memref<1x16x1024xf32, #tpu.memory_space<vmem>>
    %dma_wait3A_749 = tpu.memref_squeeze %dma_wait3A_748 : memref<1x16x1024xf32, #tpu.memory_space<vmem>> -> memref<16x1024xf32, #tpu.memory_space<vmem>>
    tpu.wait_dma2 semaphore(%arg21 : memref<!tpu.dma_semaphore, #tpu.memory_space<semaphore_mem>>) src(%dma_wait3A_749 : memref<16x1024xf32, #tpu.memory_space<vmem>>) dst(%dma_wait3A_745 : memref<16x1024xf32, #tpu.memory_space<hbm>>)
    %dma_start3A_750 = arith.constant 2 : i32
    %dma_start3A_751 = arith.constant 2 : i32
    %dma_start3A_752 = arith.constant 0 : i32
    %dma_start3A_753 = arith.constant 0 : i32
    %dma_start3A_754 = tpu.memref_slice %arg9[%dma_start3A_751, %dma_start3A_752, %dma_start3A_753] : memref<6x16x1024xf32, #tpu.memory_space<vmem>> -> memref<1x16x1024xf32, #tpu.memory_space<vmem>>
    %dma_start3A_755 = tpu.memref_squeeze %dma_start3A_754 : memref<1x16x1024xf32, #tpu.memory_space<vmem>> -> memref<16x1024xf32, #tpu.memory_space<vmem>>
    %dma_start3A_756 = arith.constant 48 : i32
    %dma_start3A_757 = tpu.memref_slice %arg6[%dma_start3A_750, %dma_start3A_756] : memref<4x64xi32, #tpu.memory_space<vmem>> -> memref<1x16xi32, #tpu.memory_space<vmem>>
    %dma_start3A_758 = tpu.memref_squeeze %dma_start3A_757 : memref<1x16xi32, #tpu.memory_space<vmem>> -> memref<16xi32, #tpu.memory_space<vmem>>
    %dma_start3A_759 = arith.constant 0 : i32
    %dma_start3A_760 = arith.constant 0 : i32
    %dma_start3A_761 = tpu.memref_slice %arg3[%dma_start3A_759, %dma_start3A_760] : memref<32000x1024xf32, #tpu.memory_space<hbm>> -> memref<32000x1024xf32, #tpu.memory_space<hbm>>
    tpu.enqueue_indirect_dma source(%dma_start3A_761 : memref<32000x1024xf32, #tpu.memory_space<hbm>>) target(%dma_start3A_755 : memref<16x1024xf32, #tpu.memory_space<vmem>>) offsets(%dma_start3A_758 : memref<16xi32, #tpu.memory_space<vmem>>) semaphore(%arg15 : memref<!tpu.dma_semaphore, #tpu.memory_space<semaphore_mem>>)
    %add3A_762 = arith.constant 32 : i32
    %add3A_763 = arith.addi %mul3A_2, %add3A_762 : i32
    %dma_start3A_764 = arith.constant 3 : i32
    %dma_start3A_765 = arith.constant 1 : i32
    %dma_start3A_766 = arith.constant 0 : i32
    %dma_start3A_767 = arith.constant 0 : i32
    %dma_start3A_768 = tpu.memref_slice %arg9[%dma_start3A_764, %dma_start3A_766, %dma_start3A_767] : memref<6x16x1024xf32, #tpu.memory_space<vmem>> -> memref<1x16x1024xf32, #tpu.memory_space<vmem>>
    %dma_start3A_769 = tpu.memref_squeeze %dma_start3A_768 : memref<1x16x1024xf32, #tpu.memory_space<vmem>> -> memref<16x1024xf32, #tpu.memory_space<vmem>>
    %dma_start3A_770 = arith.constant 0 : i32
    %dma_start3A_771 = tpu.memref_slice %arg5[%dma_start3A_765, %add3A_763, %dma_start3A_770] : memref<4x2048x1024xf32, #tpu.memory_space<hbm>> -> memref<1x16x1024xf32, #tpu.memory_space<hbm>>
    %dma_start3A_772 = tpu.memref_squeeze %dma_start3A_771 : memref<1x16x1024xf32, #tpu.memory_space<hbm>> -> memref<16x1024xf32, #tpu.memory_space<hbm>>
    %dma_start3A_773 = arith.constant 0 : i32
    %dma_start3A_774 = tpu.memref_slice %arg5[%dma_start3A_765, %add3A_763, %dma_start3A_773] : memref<4x2048x1024xf32, #tpu.memory_space<hbm>> -> memref<1x16x1024xf32, #tpu.memory_space<hbm>>
    %dma_start3A_775 = tpu.memref_squeeze %dma_start3A_774 : memref<1x16x1024xf32, #tpu.memory_space<hbm>> -> memref<16x1024xf32, #tpu.memory_space<hbm>>
    %dma_start3A_776 = arith.constant 0 : i32
    %dma_start3A_777 = arith.constant 0 : i32
    %dma_start3A_778 = tpu.memref_slice %arg9[%dma_start3A_764, %dma_start3A_776, %dma_start3A_777] : memref<6x16x1024xf32, #tpu.memory_space<vmem>> -> memref<1x16x1024xf32, #tpu.memory_space<vmem>>
    %dma_start3A_779 = tpu.memref_squeeze %dma_start3A_778 : memref<1x16x1024xf32, #tpu.memory_space<vmem>> -> memref<16x1024xf32, #tpu.memory_space<vmem>>
    tpu.enqueue_dma source(%dma_start3A_779 : memref<16x1024xf32, #tpu.memory_space<vmem>>) target(%dma_start3A_775 : memref<16x1024xf32, #tpu.memory_space<hbm>>) target_semaphore(%arg22 : memref<!tpu.dma_semaphore, #tpu.memory_space<semaphore_mem>>)
    %dma_wait3A_780 = arith.constant 2 : i32
    %dma_wait3A_781 = arith.constant 4 : i32
    %dma_wait3A_782 = arith.constant 0 : i32
    %dma_wait3A_783 = arith.constant 0 : i32
    %dma_wait3A_784 = tpu.memref_slice %arg9[%dma_wait3A_781, %dma_wait3A_782, %dma_wait3A_783] : memref<6x16x1024xf32, #tpu.memory_space<vmem>> -> memref<1x16x1024xf32, #tpu.memory_space<vmem>>
    %dma_wait3A_785 = tpu.memref_squeeze %dma_wait3A_784 : memref<1x16x1024xf32, #tpu.memory_space<vmem>> -> memref<16x1024xf32, #tpu.memory_space<vmem>>
    %dma_wait3A_786 = arith.constant 32 : i32
    %dma_wait3A_787 = tpu.memref_slice %arg6[%dma_wait3A_780, %dma_wait3A_786] : memref<4x64xi32, #tpu.memory_space<vmem>> -> memref<1x16xi32, #tpu.memory_space<vmem>>
    %dma_wait3A_788 = tpu.memref_squeeze %dma_wait3A_787 : memref<1x16xi32, #tpu.memory_space<vmem>> -> memref<16xi32, #tpu.memory_space<vmem>>
    %dma_wait3A_789 = arith.constant 0 : i32
    %dma_wait3A_790 = arith.constant 0 : i32
    %dma_wait3A_791 = tpu.memref_slice %arg3[%dma_wait3A_789, %dma_wait3A_790] : memref<32000x1024xf32, #tpu.memory_space<hbm>> -> memref<32000x1024xf32, #tpu.memory_space<hbm>>
    tpu.wait_indirect_dma semaphore(%arg17 : memref<!tpu.dma_semaphore, #tpu.memory_space<semaphore_mem>>) src(%dma_wait3A_791 : memref<32000x1024xf32, #tpu.memory_space<hbm>>) dst(%dma_wait3A_785 : memref<16x1024xf32, #tpu.memory_space<vmem>>)
    %parallel_loop3A_792 = arith.constant 0 : i32
    %parallel_loop3A_793 = arith.constant 1024 : i32
    %parallel_loop3A_794 = arith.constant 1 : i32
    scf.for %parallel_loop3A_1104 = %parallel_loop3A_792 to %parallel_loop3A_793 step %parallel_loop3A_794  : i32 {
      %parallel_loop3A_1105 = arith.constant 6 : i32
      %parallel_loop3A_1106 = arith.shrsi %parallel_loop3A_1104, %parallel_loop3A_1105 : i32
      %parallel_loop3A_1107 = arith.constant 63 : i32
      %parallel_loop3A_1108 = arith.andi %parallel_loop3A_1104, %parallel_loop3A_1107 : i32
      %parallel_loop3A_1109 = arith.constant 16 : i32
      %parallel_loop3A_1110 = arith.muli %parallel_loop3A_1108, %parallel_loop3A_1109 : i32
      %parallel_loop3A_1111 = arith.constant 16 : i32
      %parallel_loop3A_1112 = arith.muli %parallel_loop3A_1104, %parallel_loop3A_1111 : i32
      %parallel_loop3A_1113 = arith.index_cast %parallel_loop3A_1112 : i32 to index
      %parallel_loop3A_1114 = tpu.vector_load %arg7[%parallel_loop3A_1113] {strides = array<i32>} : memref<16384xbf16, #tpu.memory_space<vmem>>, vector<16xbf16>,
      %parallel_loop3A_1115 = vector.shape_cast %parallel_loop3A_1114 : vector<16xbf16> to vector<16xbf16>
      %parallel_loop3A_1116 = arith.extf %parallel_loop3A_1115 : vector<16xbf16> to vector<16xf32>
      %parallel_loop3A_1117 = arith.constant 4 : i32
      %parallel_loop3A_1118 = arith.index_cast %parallel_loop3A_1117 : i32 to index
      %parallel_loop3A_1119 = arith.index_cast %parallel_loop3A_1106 : i32 to index
      %parallel_loop3A_1120 = arith.index_cast %parallel_loop3A_1110 : i32 to index
      %parallel_loop3A_1121 = tpu.vector_load %arg9[%parallel_loop3A_1118, %parallel_loop3A_1119, %parallel_loop3A_1120] {strides = array<i32>} : memref<6x16x1024xf32, #tpu.memory_space<vmem>>, vector<1x1x16xf32>,
      %parallel_loop3A_1122 = vector.shape_cast %parallel_loop3A_1121 : vector<1x1x16xf32> to vector<16xf32>
      %parallel_loop3A_1123 = vector.shape_cast %parallel_loop3A_1116 : vector<16xf32> to vector<1x1x16xf32>
      tpu.vector_store %arg9[%parallel_loop3A_1118, %parallel_loop3A_1119, %parallel_loop3A_1120], %parallel_loop3A_1123 {add = true, strides = array<i32>} : memref<6x16x1024xf32, #tpu.memory_space<vmem>>, vector<1x1x16xf32>,
    } {sc.loop_unroll_factor = 8 : i64, sc.parallel_access}
    %dma_wait3A_795 = arith.constant 3 : i32
    %dma_wait3A_796 = arith.constant 1 : i32
    %dma_wait3A_797 = arith.constant 0 : i32
    %dma_wait3A_798 = arith.constant 0 : i32
    %dma_wait3A_799 = tpu.memref_slice %arg9[%dma_wait3A_795, %dma_wait3A_797, %dma_wait3A_798] : memref<6x16x1024xf32, #tpu.memory_space<vmem>> -> memref<1x16x1024xf32, #tpu.memory_space<vmem>>
    %dma_wait3A_800 = tpu.memref_squeeze %dma_wait3A_799 : memref<1x16x1024xf32, #tpu.memory_space<vmem>> -> memref<16x1024xf32, #tpu.memory_space<vmem>>
    %dma_wait3A_801 = arith.constant 0 : i32
    %dma_wait3A_802 = tpu.memref_slice %arg5[%dma_wait3A_796, %add3A_763, %dma_wait3A_801] : memref<4x2048x1024xf32, #tpu.memory_space<hbm>> -> memref<1x16x1024xf32, #tpu.memory_space<hbm>>
    %dma_wait3A_803 = tpu.memref_squeeze %dma_wait3A_802 : memref<1x16x1024xf32, #tpu.memory_space<hbm>> -> memref<16x1024xf32, #tpu.memory_space<hbm>>
    %dma_wait3A_804 = arith.constant 0 : i32
    %dma_wait3A_805 = tpu.memref_slice %arg5[%dma_wait3A_796, %add3A_763, %dma_wait3A_804] : memref<4x2048x1024xf32, #tpu.memory_space<hbm>> -> memref<1x16x1024xf32, #tpu.memory_space<hbm>>
    %dma_wait3A_806 = tpu.memref_squeeze %dma_wait3A_805 : memref<1x16x1024xf32, #tpu.memory_space<hbm>> -> memref<16x1024xf32, #tpu.memory_space<hbm>>
    %dma_wait3A_807 = arith.constant 0 : i32
    %dma_wait3A_808 = arith.constant 0 : i32
    %dma_wait3A_809 = tpu.memref_slice %arg9[%dma_wait3A_795, %dma_wait3A_807, %dma_wait3A_808] : memref<6x16x1024xf32, #tpu.memory_space<vmem>> -> memref<1x16x1024xf32, #tpu.memory_space<vmem>>
    %dma_wait3A_810 = tpu.memref_squeeze %dma_wait3A_809 : memref<1x16x1024xf32, #tpu.memory_space<vmem>> -> memref<16x1024xf32, #tpu.memory_space<vmem>>
    tpu.wait_dma2 semaphore(%arg22 : memref<!tpu.dma_semaphore, #tpu.memory_space<semaphore_mem>>) src(%dma_wait3A_810 : memref<16x1024xf32, #tpu.memory_space<vmem>>) dst(%dma_wait3A_806 : memref<16x1024xf32, #tpu.memory_space<hbm>>)
    %dma_start3A_811 = arith.constant 3 : i32
    %dma_start3A_812 = arith.constant 3 : i32
    %dma_start3A_813 = arith.constant 0 : i32
    %dma_start3A_814 = arith.constant 0 : i32
    %dma_start3A_815 = tpu.memref_slice %arg9[%dma_start3A_812, %dma_start3A_813, %dma_start3A_814] : memref<6x16x1024xf32, #tpu.memory_space<vmem>> -> memref<1x16x1024xf32, #tpu.memory_space<vmem>>
    %dma_start3A_816 = tpu.memref_squeeze %dma_start3A_815 : memref<1x16x1024xf32, #tpu.memory_space<vmem>> -> memref<16x1024xf32, #tpu.memory_space<vmem>>
    %dma_start3A_817 = arith.constant 48 : i32
    %dma_start3A_818 = tpu.memref_slice %arg6[%dma_start3A_811, %dma_start3A_817] : memref<4x64xi32, #tpu.memory_space<vmem>> -> memref<1x16xi32, #tpu.memory_space<vmem>>
    %dma_start3A_819 = tpu.memref_squeeze %dma_start3A_818 : memref<1x16xi32, #tpu.memory_space<vmem>> -> memref<16xi32, #tpu.memory_space<vmem>>
    %dma_start3A_820 = arith.constant 0 : i32
    %dma_start3A_821 = arith.constant 0 : i32
    %dma_start3A_822 = tpu.memref_slice %arg3[%dma_start3A_820, %dma_start3A_821] : memref<32000x1024xf32, #tpu.memory_space<hbm>> -> memref<32000x1024xf32, #tpu.memory_space<hbm>>
    tpu.enqueue_indirect_dma source(%dma_start3A_822 : memref<32000x1024xf32, #tpu.memory_space<hbm>>) target(%dma_start3A_816 : memref<16x1024xf32, #tpu.memory_space<vmem>>) offsets(%dma_start3A_819 : memref<16xi32, #tpu.memory_space<vmem>>) semaphore(%arg16 : memref<!tpu.dma_semaphore, #tpu.memory_space<semaphore_mem>>)
    %add3A_823 = arith.constant 32 : i32
    %add3A_824 = arith.addi %mul3A_2, %add3A_823 : i32
    %dma_start3A_825 = arith.constant 4 : i32
    %dma_start3A_826 = arith.constant 2 : i32
    %dma_start3A_827 = arith.constant 0 : i32
    %dma_start3A_828 = arith.constant 0 : i32
    %dma_start3A_829 = tpu.memref_slice %arg9[%dma_start3A_825, %dma_start3A_827, %dma_start3A_828] : memref<6x16x1024xf32, #tpu.memory_space<vmem>> -> memref<1x16x1024xf32, #tpu.memory_space<vmem>>
    %dma_start3A_830 = tpu.memref_squeeze %dma_start3A_829 : memref<1x16x1024xf32, #tpu.memory_space<vmem>> -> memref<16x1024xf32, #tpu.memory_space<vmem>>
    %dma_start3A_831 = arith.constant 0 : i32
    %dma_start3A_832 = tpu.memref_slice %arg5[%dma_start3A_826, %add3A_824, %dma_start3A_831] : memref<4x2048x1024xf32, #tpu.memory_space<hbm>> -> memref<1x16x1024xf32, #tpu.memory_space<hbm>>
    %dma_start3A_833 = tpu.memref_squeeze %dma_start3A_832 : memref<1x16x1024xf32, #tpu.memory_space<hbm>> -> memref<16x1024xf32, #tpu.memory_space<hbm>>
    %dma_start3A_834 = arith.constant 0 : i32
    %dma_start3A_835 = tpu.memref_slice %arg5[%dma_start3A_826, %add3A_824, %dma_start3A_834] : memref<4x2048x1024xf32, #tpu.memory_space<hbm>> -> memref<1x16x1024xf32, #tpu.memory_space<hbm>>
    %dma_start3A_836 = tpu.memref_squeeze %dma_start3A_835 : memref<1x16x1024xf32, #tpu.memory_space<hbm>> -> memref<16x1024xf32, #tpu.memory_space<hbm>>
    %dma_start3A_837 = arith.constant 0 : i32
    %dma_start3A_838 = arith.constant 0 : i32
    %dma_start3A_839 = tpu.memref_slice %arg9[%dma_start3A_825, %dma_start3A_837, %dma_start3A_838] : memref<6x16x1024xf32, #tpu.memory_space<vmem>> -> memref<1x16x1024xf32, #tpu.memory_space<vmem>>
    %dma_start3A_840 = tpu.memref_squeeze %dma_start3A_839 : memref<1x16x1024xf32, #tpu.memory_space<vmem>> -> memref<16x1024xf32, #tpu.memory_space<vmem>>
    tpu.enqueue_dma source(%dma_start3A_840 : memref<16x1024xf32, #tpu.memory_space<vmem>>) target(%dma_start3A_836 : memref<16x1024xf32, #tpu.memory_space<hbm>>) target_semaphore(%arg23 : memref<!tpu.dma_semaphore, #tpu.memory_space<semaphore_mem>>)
    %dma_wait3A_841 = arith.constant 3 : i32
    %dma_wait3A_842 = arith.constant 5 : i32
    %dma_wait3A_843 = arith.constant 0 : i32
    %dma_wait3A_844 = arith.constant 0 : i32
    %dma_wait3A_845 = tpu.memref_slice %arg9[%dma_wait3A_842, %dma_wait3A_843, %dma_wait3A_844] : memref<6x16x1024xf32, #tpu.memory_space<vmem>> -> memref<1x16x1024xf32, #tpu.memory_space<vmem>>
    %dma_wait3A_846 = tpu.memref_squeeze %dma_wait3A_845 : memref<1x16x1024xf32, #tpu.memory_space<vmem>> -> memref<16x1024xf32, #tpu.memory_space<vmem>>
    %dma_wait3A_847 = arith.constant 32 : i32
    %dma_wait3A_848 = tpu.memref_slice %arg6[%dma_wait3A_841, %dma_wait3A_847] : memref<4x64xi32, #tpu.memory_space<vmem>> -> memref<1x16xi32, #tpu.memory_space<vmem>>
    %dma_wait3A_849 = tpu.memref_squeeze %dma_wait3A_848 : memref<1x16xi32, #tpu.memory_space<vmem>> -> memref<16xi32, #tpu.memory_space<vmem>>
    %dma_wait3A_850 = arith.constant 0 : i32
    %dma_wait3A_851 = arith.constant 0 : i32
    %dma_wait3A_852 = tpu.memref_slice %arg3[%dma_wait3A_850, %dma_wait3A_851] : memref<32000x1024xf32, #tpu.memory_space<hbm>> -> memref<32000x1024xf32, #tpu.memory_space<hbm>>
    tpu.wait_indirect_dma semaphore(%arg18 : memref<!tpu.dma_semaphore, #tpu.memory_space<semaphore_mem>>) src(%dma_wait3A_852 : memref<32000x1024xf32, #tpu.memory_space<hbm>>) dst(%dma_wait3A_846 : memref<16x1024xf32, #tpu.memory_space<vmem>>)
    %parallel_loop3A_853 = arith.constant 0 : i32
    %parallel_loop3A_854 = arith.constant 1024 : i32
    %parallel_loop3A_855 = arith.constant 1 : i32
    scf.for %parallel_loop3A_1104 = %parallel_loop3A_853 to %parallel_loop3A_854 step %parallel_loop3A_855  : i32 {
      %parallel_loop3A_1105 = arith.constant 6 : i32
      %parallel_loop3A_1106 = arith.shrsi %parallel_loop3A_1104, %parallel_loop3A_1105 : i32
      %parallel_loop3A_1107 = arith.constant 63 : i32
      %parallel_loop3A_1108 = arith.andi %parallel_loop3A_1104, %parallel_loop3A_1107 : i32
      %parallel_loop3A_1109 = arith.constant 16 : i32
      %parallel_loop3A_1110 = arith.muli %parallel_loop3A_1108, %parallel_loop3A_1109 : i32
      %parallel_loop3A_1111 = arith.constant 16 : i32
      %parallel_loop3A_1112 = arith.muli %parallel_loop3A_1104, %parallel_loop3A_1111 : i32
      %parallel_loop3A_1113 = arith.index_cast %parallel_loop3A_1112 : i32 to index
      %parallel_loop3A_1114 = tpu.vector_load %arg7[%parallel_loop3A_1113] {strides = array<i32>} : memref<16384xbf16, #tpu.memory_space<vmem>>, vector<16xbf16>,
      %parallel_loop3A_1115 = vector.shape_cast %parallel_loop3A_1114 : vector<16xbf16> to vector<16xbf16>
      %parallel_loop3A_1116 = arith.extf %parallel_loop3A_1115 : vector<16xbf16> to vector<16xf32>
      %parallel_loop3A_1117 = arith.constant 5 : i32
      %parallel_loop3A_1118 = arith.index_cast %parallel_loop3A_1117 : i32 to index
      %parallel_loop3A_1119 = arith.index_cast %parallel_loop3A_1106 : i32 to index
      %parallel_loop3A_1120 = arith.index_cast %parallel_loop3A_1110 : i32 to index
      %parallel_loop3A_1121 = tpu.vector_load %arg9[%parallel_loop3A_1118, %parallel_loop3A_1119, %parallel_loop3A_1120] {strides = array<i32>} : memref<6x16x1024xf32, #tpu.memory_space<vmem>>, vector<1x1x16xf32>,
      %parallel_loop3A_1122 = vector.shape_cast %parallel_loop3A_1121 : vector<1x1x16xf32> to vector<16xf32>
      %parallel_loop3A_1123 = vector.shape_cast %parallel_loop3A_1116 : vector<16xf32> to vector<1x1x16xf32>
      tpu.vector_store %arg9[%parallel_loop3A_1118, %parallel_loop3A_1119, %parallel_loop3A_1120], %parallel_loop3A_1123 {add = true, strides = array<i32>} : memref<6x16x1024xf32, #tpu.memory_space<vmem>>, vector<1x1x16xf32>,
    } {sc.loop_unroll_factor = 8 : i64, sc.parallel_access}
    %add3A_856 = arith.constant 32 : i32
    %add3A_857 = arith.addi %mul3A_2, %add3A_856 : i32
    %dma_start3A_858 = arith.constant 5 : i32
    %dma_start3A_859 = arith.constant 3 : i32
    %dma_start3A_860 = arith.constant 0 : i32
    %dma_start3A_861 = arith.constant 0 : i32
    %dma_start3A_862 = tpu.memref_slice %arg9[%dma_start3A_858, %dma_start3A_860, %dma_start3A_861] : memref<6x16x1024xf32, #tpu.memory_space<vmem>> -> memref<1x16x1024xf32, #tpu.memory_space<vmem>>
    %dma_start3A_863 = tpu.memref_squeeze %dma_start3A_862 : memref<1x16x1024xf32, #tpu.memory_space<vmem>> -> memref<16x1024xf32, #tpu.memory_space<vmem>>
    %dma_start3A_864 = arith.constant 0 : i32
    %dma_start3A_865 = tpu.memref_slice %arg5[%dma_start3A_859, %add3A_857, %dma_start3A_864] : memref<4x2048x1024xf32, #tpu.memory_space<hbm>> -> memref<1x16x1024xf32, #tpu.memory_space<hbm>>
    %dma_start3A_866 = tpu.memref_squeeze %dma_start3A_865 : memref<1x16x1024xf32, #tpu.memory_space<hbm>> -> memref<16x1024xf32, #tpu.memory_space<hbm>>
    %dma_start3A_867 = arith.constant 0 : i32
    %dma_start3A_868 = tpu.memref_slice %arg5[%dma_start3A_859, %add3A_857, %dma_start3A_867] : memref<4x2048x1024xf32, #tpu.memory_space<hbm>> -> memref<1x16x1024xf32, #tpu.memory_space<hbm>>
    %dma_start3A_869 = tpu.memref_squeeze %dma_start3A_868 : memref<1x16x1024xf32, #tpu.memory_space<hbm>> -> memref<16x1024xf32, #tpu.memory_space<hbm>>
    %dma_start3A_870 = arith.constant 0 : i32
    %dma_start3A_871 = arith.constant 0 : i32
    %dma_start3A_872 = tpu.memref_slice %arg9[%dma_start3A_858, %dma_start3A_870, %dma_start3A_871] : memref<6x16x1024xf32, #tpu.memory_space<vmem>> -> memref<1x16x1024xf32, #tpu.memory_space<vmem>>
    %dma_start3A_873 = tpu.memref_squeeze %dma_start3A_872 : memref<1x16x1024xf32, #tpu.memory_space<vmem>> -> memref<16x1024xf32, #tpu.memory_space<vmem>>
    tpu.enqueue_dma source(%dma_start3A_873 : memref<16x1024xf32, #tpu.memory_space<vmem>>) target(%dma_start3A_869 : memref<16x1024xf32, #tpu.memory_space<hbm>>) target_semaphore(%arg24 : memref<!tpu.dma_semaphore, #tpu.memory_space<semaphore_mem>>)
    %dma_wait3A_874 = tpu.memref_slice %arg4[%mul3A_635] : memref<2097152xbf16, #tpu.memory_space<hbm>> -> memref<16384xbf16, #tpu.memory_space<hbm>>
    %dma_wait3A_875 = tpu.memref_slice %arg4[%mul3A_635] : memref<2097152xbf16, #tpu.memory_space<hbm>> -> memref<16384xbf16, #tpu.memory_space<hbm>>
    tpu.wait_dma2 semaphore(%arg12 : memref<!tpu.dma_semaphore, #tpu.memory_space<semaphore_mem>>) src(%dma_wait3A_875 : memref<16384xbf16, #tpu.memory_space<hbm>>) dst(%arg8 : memref<16384xbf16, #tpu.memory_space<vmem>>)
    %dma_wait3A_876 = arith.constant 0 : i32
    %dma_wait3A_877 = arith.constant 0 : i32
    %dma_wait3A_878 = arith.constant 0 : i32
    %dma_wait3A_879 = arith.constant 0 : i32
    %dma_wait3A_880 = tpu.memref_slice %arg9[%dma_wait3A_877, %dma_wait3A_878, %dma_wait3A_879] : memref<6x16x1024xf32, #tpu.memory_space<vmem>> -> memref<1x16x1024xf32, #tpu.memory_space<vmem>>
    %dma_wait3A_881 = tpu.memref_squeeze %dma_wait3A_880 : memref<1x16x1024xf32, #tpu.memory_space<vmem>> -> memref<16x1024xf32, #tpu.memory_space<vmem>>
    %dma_wait3A_882 = arith.constant 48 : i32
    %dma_wait3A_883 = tpu.memref_slice %arg6[%dma_wait3A_876, %dma_wait3A_882] : memref<4x64xi32, #tpu.memory_space<vmem>> -> memref<1x16xi32, #tpu.memory_space<vmem>>
    %dma_wait3A_884 = tpu.memref_squeeze %dma_wait3A_883 : memref<1x16xi32, #tpu.memory_space<vmem>> -> memref<16xi32, #tpu.memory_space<vmem>>
    %dma_wait3A_885 = arith.constant 0 : i32
    %dma_wait3A_886 = arith.constant 0 : i32
    %dma_wait3A_887 = tpu.memref_slice %arg3[%dma_wait3A_885, %dma_wait3A_886] : memref<32000x1024xf32, #tpu.memory_space<hbm>> -> memref<32000x1024xf32, #tpu.memory_space<hbm>>
    tpu.wait_indirect_dma semaphore(%arg13 : memref<!tpu.dma_semaphore, #tpu.memory_space<semaphore_mem>>) src(%dma_wait3A_887 : memref<32000x1024xf32, #tpu.memory_space<hbm>>) dst(%dma_wait3A_881 : memref<16x1024xf32, #tpu.memory_space<vmem>>)
    %parallel_loop3A_888 = arith.constant 0 : i32
    %parallel_loop3A_889 = arith.constant 1024 : i32
    %parallel_loop3A_890 = arith.constant 1 : i32
    scf.for %parallel_loop3A_1104 = %parallel_loop3A_888 to %parallel_loop3A_889 step %parallel_loop3A_890  : i32 {
      %parallel_loop3A_1105 = arith.constant 6 : i32
      %parallel_loop3A_1106 = arith.shrsi %parallel_loop3A_1104, %parallel_loop3A_1105 : i32
      %parallel_loop3A_1107 = arith.constant 63 : i32
      %parallel_loop3A_1108 = arith.andi %parallel_loop3A_1104, %parallel_loop3A_1107 : i32
      %parallel_loop3A_1109 = arith.constant 16 : i32
      %parallel_loop3A_1110 = arith.muli %parallel_loop3A_1108, %parallel_loop3A_1109 : i32
      %parallel_loop3A_1111 = arith.constant 16 : i32
      %parallel_loop3A_1112 = arith.muli %parallel_loop3A_1104, %parallel_loop3A_1111 : i32
      %parallel_loop3A_1113 = arith.index_cast %parallel_loop3A_1112 : i32 to index
      %parallel_loop3A_1114 = tpu.vector_load %arg8[%parallel_loop3A_1113] {strides = array<i32>} : memref<16384xbf16, #tpu.memory_space<vmem>>, vector<16xbf16>,
      %parallel_loop3A_1115 = vector.shape_cast %parallel_loop3A_1114 : vector<16xbf16> to vector<16xbf16>
      %parallel_loop3A_1116 = arith.extf %parallel_loop3A_1115 : vector<16xbf16> to vector<16xf32>
      %parallel_loop3A_1117 = arith.constant 0 : i32
      %parallel_loop3A_1118 = arith.index_cast %parallel_loop3A_1117 : i32 to index
      %parallel_loop3A_1119 = arith.index_cast %parallel_loop3A_1106 : i32 to index
      %parallel_loop3A_1120 = arith.index_cast %parallel_loop3A_1110 : i32 to index
      %parallel_loop3A_1121 = tpu.vector_load %arg9[%parallel_loop3A_1118, %parallel_loop3A_1119, %parallel_loop3A_1120] {strides = array<i32>} : memref<6x16x1024xf32, #tpu.memory_space<vmem>>, vector<1x1x16xf32>,
      %parallel_loop3A_1122 = vector.shape_cast %parallel_loop3A_1121 : vector<1x1x16xf32> to vector<16xf32>
      %parallel_loop3A_1123 = vector.shape_cast %parallel_loop3A_1116 : vector<16xf32> to vector<1x1x16xf32>
      tpu.vector_store %arg9[%parallel_loop3A_1118, %parallel_loop3A_1119, %parallel_loop3A_1120], %parallel_loop3A_1123 {add = true, strides = array<i32>} : memref<6x16x1024xf32, #tpu.memory_space<vmem>>, vector<1x1x16xf32>,
    } {sc.loop_unroll_factor = 8 : i64, sc.parallel_access}
    %add3A_891 = arith.constant 48 : i32
    %add3A_892 = arith.addi %mul3A_2, %add3A_891 : i32
    %dma_start3A_893 = arith.constant 0 : i32
    %dma_start3A_894 = arith.constant 0 : i32
    %dma_start3A_895 = arith.constant 0 : i32
    %dma_start3A_896 = arith.constant 0 : i32
    %dma_start3A_897 = tpu.memref_slice %arg9[%dma_start3A_893, %dma_start3A_895, %dma_start3A_896] : memref<6x16x1024xf32, #tpu.memory_space<vmem>> -> memref<1x16x1024xf32, #tpu.memory_space<vmem>>
    %dma_start3A_898 = tpu.memref_squeeze %dma_start3A_897 : memref<1x16x1024xf32, #tpu.memory_space<vmem>> -> memref<16x1024xf32, #tpu.memory_space<vmem>>
    %dma_start3A_899 = arith.constant 0 : i32
    %dma_start3A_900 = tpu.memref_slice %arg5[%dma_start3A_894, %add3A_892, %dma_start3A_899] : memref<4x2048x1024xf32, #tpu.memory_space<hbm>> -> memref<1x16x1024xf32, #tpu.memory_space<hbm>>
    %dma_start3A_901 = tpu.memref_squeeze %dma_start3A_900 : memref<1x16x1024xf32, #tpu.memory_space<hbm>> -> memref<16x1024xf32, #tpu.memory_space<hbm>>
    %dma_start3A_902 = arith.constant 0 : i32
    %dma_start3A_903 = tpu.memref_slice %arg5[%dma_start3A_894, %add3A_892, %dma_start3A_902] : memref<4x2048x1024xf32, #tpu.memory_space<hbm>> -> memref<1x16x1024xf32, #tpu.memory_space<hbm>>
    %dma_start3A_904 = tpu.memref_squeeze %dma_start3A_903 : memref<1x16x1024xf32, #tpu.memory_space<hbm>> -> memref<16x1024xf32, #tpu.memory_space<hbm>>
    %dma_start3A_905 = arith.constant 0 : i32
    %dma_start3A_906 = arith.constant 0 : i32
    %dma_start3A_907 = tpu.memref_slice %arg9[%dma_start3A_893, %dma_start3A_905, %dma_start3A_906] : memref<6x16x1024xf32, #tpu.memory_space<vmem>> -> memref<1x16x1024xf32, #tpu.memory_space<vmem>>
    %dma_start3A_908 = tpu.memref_squeeze %dma_start3A_907 : memref<1x16x1024xf32, #tpu.memory_space<vmem>> -> memref<16x1024xf32, #tpu.memory_space<vmem>>
    tpu.enqueue_dma source(%dma_start3A_908 : memref<16x1024xf32, #tpu.memory_space<vmem>>) target(%dma_start3A_904 : memref<16x1024xf32, #tpu.memory_space<hbm>>) target_semaphore(%arg19 : memref<!tpu.dma_semaphore, #tpu.memory_space<semaphore_mem>>)
    %dma_wait3A_909 = arith.constant 1 : i32
    %dma_wait3A_910 = arith.constant 1 : i32
    %dma_wait3A_911 = arith.constant 0 : i32
    %dma_wait3A_912 = arith.constant 0 : i32
    %dma_wait3A_913 = tpu.memref_slice %arg9[%dma_wait3A_910, %dma_wait3A_911, %dma_wait3A_912] : memref<6x16x1024xf32, #tpu.memory_space<vmem>> -> memref<1x16x1024xf32, #tpu.memory_space<vmem>>
    %dma_wait3A_914 = tpu.memref_squeeze %dma_wait3A_913 : memref<1x16x1024xf32, #tpu.memory_space<vmem>> -> memref<16x1024xf32, #tpu.memory_space<vmem>>
    %dma_wait3A_915 = arith.constant 48 : i32
    %dma_wait3A_916 = tpu.memref_slice %arg6[%dma_wait3A_909, %dma_wait3A_915] : memref<4x64xi32, #tpu.memory_space<vmem>> -> memref<1x16xi32, #tpu.memory_space<vmem>>
    %dma_wait3A_917 = tpu.memref_squeeze %dma_wait3A_916 : memref<1x16xi32, #tpu.memory_space<vmem>> -> memref<16xi32, #tpu.memory_space<vmem>>
    %dma_wait3A_918 = arith.constant 0 : i32
    %dma_wait3A_919 = arith.constant 0 : i32
    %dma_wait3A_920 = tpu.memref_slice %arg3[%dma_wait3A_918, %dma_wait3A_919] : memref<32000x1024xf32, #tpu.memory_space<hbm>> -> memref<32000x1024xf32, #tpu.memory_space<hbm>>
    tpu.wait_indirect_dma semaphore(%arg14 : memref<!tpu.dma_semaphore, #tpu.memory_space<semaphore_mem>>) src(%dma_wait3A_920 : memref<32000x1024xf32, #tpu.memory_space<hbm>>) dst(%dma_wait3A_914 : memref<16x1024xf32, #tpu.memory_space<vmem>>)
    %parallel_loop3A_921 = arith.constant 0 : i32
    %parallel_loop3A_922 = arith.constant 1024 : i32
    %parallel_loop3A_923 = arith.constant 1 : i32
    scf.for %parallel_loop3A_1104 = %parallel_loop3A_921 to %parallel_loop3A_922 step %parallel_loop3A_923  : i32 {
      %parallel_loop3A_1105 = arith.constant 6 : i32
      %parallel_loop3A_1106 = arith.shrsi %parallel_loop3A_1104, %parallel_loop3A_1105 : i32
      %parallel_loop3A_1107 = arith.constant 63 : i32
      %parallel_loop3A_1108 = arith.andi %parallel_loop3A_1104, %parallel_loop3A_1107 : i32
      %parallel_loop3A_1109 = arith.constant 16 : i32
      %parallel_loop3A_1110 = arith.muli %parallel_loop3A_1108, %parallel_loop3A_1109 : i32
      %parallel_loop3A_1111 = arith.constant 16 : i32
      %parallel_loop3A_1112 = arith.muli %parallel_loop3A_1104, %parallel_loop3A_1111 : i32
      %parallel_loop3A_1113 = arith.index_cast %parallel_loop3A_1112 : i32 to index
      %parallel_loop3A_1114 = tpu.vector_load %arg8[%parallel_loop3A_1113] {strides = array<i32>} : memref<16384xbf16, #tpu.memory_space<vmem>>, vector<16xbf16>,
      %parallel_loop3A_1115 = vector.shape_cast %parallel_loop3A_1114 : vector<16xbf16> to vector<16xbf16>
      %parallel_loop3A_1116 = arith.extf %parallel_loop3A_1115 : vector<16xbf16> to vector<16xf32>
      %parallel_loop3A_1117 = arith.constant 1 : i32
      %parallel_loop3A_1118 = arith.index_cast %parallel_loop3A_1117 : i32 to index
      %parallel_loop3A_1119 = arith.index_cast %parallel_loop3A_1106 : i32 to index
      %parallel_loop3A_1120 = arith.index_cast %parallel_loop3A_1110 : i32 to index
      %parallel_loop3A_1121 = tpu.vector_load %arg9[%parallel_loop3A_1118, %parallel_loop3A_1119, %parallel_loop3A_1120] {strides = array<i32>} : memref<6x16x1024xf32, #tpu.memory_space<vmem>>, vector<1x1x16xf32>,
      %parallel_loop3A_1122 = vector.shape_cast %parallel_loop3A_1121 : vector<1x1x16xf32> to vector<16xf32>
      %parallel_loop3A_1123 = vector.shape_cast %parallel_loop3A_1116 : vector<16xf32> to vector<1x1x16xf32>
      tpu.vector_store %arg9[%parallel_loop3A_1118, %parallel_loop3A_1119, %parallel_loop3A_1120], %parallel_loop3A_1123 {add = true, strides = array<i32>} : memref<6x16x1024xf32, #tpu.memory_space<vmem>>, vector<1x1x16xf32>,
    } {sc.loop_unroll_factor = 8 : i64, sc.parallel_access}
    %add3A_924 = arith.constant 48 : i32
    %add3A_925 = arith.addi %mul3A_2, %add3A_924 : i32
    %dma_start3A_926 = arith.constant 1 : i32
    %dma_start3A_927 = arith.constant 1 : i32
    %dma_start3A_928 = arith.constant 0 : i32
    %dma_start3A_929 = arith.constant 0 : i32
    %dma_start3A_930 = tpu.memref_slice %arg9[%dma_start3A_926, %dma_start3A_928, %dma_start3A_929] : memref<6x16x1024xf32, #tpu.memory_space<vmem>> -> memref<1x16x1024xf32, #tpu.memory_space<vmem>>
    %dma_start3A_931 = tpu.memref_squeeze %dma_start3A_930 : memref<1x16x1024xf32, #tpu.memory_space<vmem>> -> memref<16x1024xf32, #tpu.memory_space<vmem>>
    %dma_start3A_932 = arith.constant 0 : i32
    %dma_start3A_933 = tpu.memref_slice %arg5[%dma_start3A_927, %add3A_925, %dma_start3A_932] : memref<4x2048x1024xf32, #tpu.memory_space<hbm>> -> memref<1x16x1024xf32, #tpu.memory_space<hbm>>
    %dma_start3A_934 = tpu.memref_squeeze %dma_start3A_933 : memref<1x16x1024xf32, #tpu.memory_space<hbm>> -> memref<16x1024xf32, #tpu.memory_space<hbm>>
    %dma_start3A_935 = arith.constant 0 : i32
    %dma_start3A_936 = tpu.memref_slice %arg5[%dma_start3A_927, %add3A_925, %dma_start3A_935] : memref<4x2048x1024xf32, #tpu.memory_space<hbm>> -> memref<1x16x1024xf32, #tpu.memory_space<hbm>>
    %dma_start3A_937 = tpu.memref_squeeze %dma_start3A_936 : memref<1x16x1024xf32, #tpu.memory_space<hbm>> -> memref<16x1024xf32, #tpu.memory_space<hbm>>
    %dma_start3A_938 = arith.constant 0 : i32
    %dma_start3A_939 = arith.constant 0 : i32
    %dma_start3A_940 = tpu.memref_slice %arg9[%dma_start3A_926, %dma_start3A_938, %dma_start3A_939] : memref<6x16x1024xf32, #tpu.memory_space<vmem>> -> memref<1x16x1024xf32, #tpu.memory_space<vmem>>
    %dma_start3A_941 = tpu.memref_squeeze %dma_start3A_940 : memref<1x16x1024xf32, #tpu.memory_space<vmem>> -> memref<16x1024xf32, #tpu.memory_space<vmem>>
    tpu.enqueue_dma source(%dma_start3A_941 : memref<16x1024xf32, #tpu.memory_space<vmem>>) target(%dma_start3A_937 : memref<16x1024xf32, #tpu.memory_space<hbm>>) target_semaphore(%arg20 : memref<!tpu.dma_semaphore, #tpu.memory_space<semaphore_mem>>)
    %dma_wait3A_942 = arith.constant 2 : i32
    %dma_wait3A_943 = arith.constant 2 : i32
    %dma_wait3A_944 = arith.constant 0 : i32
    %dma_wait3A_945 = arith.constant 0 : i32
    %dma_wait3A_946 = tpu.memref_slice %arg9[%dma_wait3A_943, %dma_wait3A_944, %dma_wait3A_945] : memref<6x16x1024xf32, #tpu.memory_space<vmem>> -> memref<1x16x1024xf32, #tpu.memory_space<vmem>>
    %dma_wait3A_947 = tpu.memref_squeeze %dma_wait3A_946 : memref<1x16x1024xf32, #tpu.memory_space<vmem>> -> memref<16x1024xf32, #tpu.memory_space<vmem>>
    %dma_wait3A_948 = arith.constant 48 : i32
    %dma_wait3A_949 = tpu.memref_slice %arg6[%dma_wait3A_942, %dma_wait3A_948] : memref<4x64xi32, #tpu.memory_space<vmem>> -> memref<1x16xi32, #tpu.memory_space<vmem>>
    %dma_wait3A_950 = tpu.memref_squeeze %dma_wait3A_949 : memref<1x16xi32, #tpu.memory_space<vmem>> -> memref<16xi32, #tpu.memory_space<vmem>>
    %dma_wait3A_951 = arith.constant 0 : i32
    %dma_wait3A_952 = arith.constant 0 : i32
    %dma_wait3A_953 = tpu.memref_slice %arg3[%dma_wait3A_951, %dma_wait3A_952] : memref<32000x1024xf32, #tpu.memory_space<hbm>> -> memref<32000x1024xf32, #tpu.memory_space<hbm>>
    tpu.wait_indirect_dma semaphore(%arg15 : memref<!tpu.dma_semaphore, #tpu.memory_space<semaphore_mem>>) src(%dma_wait3A_953 : memref<32000x1024xf32, #tpu.memory_space<hbm>>) dst(%dma_wait3A_947 : memref<16x1024xf32, #tpu.memory_space<vmem>>)
    %parallel_loop3A_954 = arith.constant 0 : i32
    %parallel_loop3A_955 = arith.constant 1024 : i32
    %parallel_loop3A_956 = arith.constant 1 : i32
    scf.for %parallel_loop3A_1104 = %parallel_loop3A_954 to %parallel_loop3A_955 step %parallel_loop3A_956  : i32 {
      %parallel_loop3A_1105 = arith.constant 6 : i32
      %parallel_loop3A_1106 = arith.shrsi %parallel_loop3A_1104, %parallel_loop3A_1105 : i32
      %parallel_loop3A_1107 = arith.constant 63 : i32
      %parallel_loop3A_1108 = arith.andi %parallel_loop3A_1104, %parallel_loop3A_1107 : i32
      %parallel_loop3A_1109 = arith.constant 16 : i32
      %parallel_loop3A_1110 = arith.muli %parallel_loop3A_1108, %parallel_loop3A_1109 : i32
      %parallel_loop3A_1111 = arith.constant 16 : i32
      %parallel_loop3A_1112 = arith.muli %parallel_loop3A_1104, %parallel_loop3A_1111 : i32
      %parallel_loop3A_1113 = arith.index_cast %parallel_loop3A_1112 : i32 to index
      %parallel_loop3A_1114 = tpu.vector_load %arg8[%parallel_loop3A_1113] {strides = array<i32>} : memref<16384xbf16, #tpu.memory_space<vmem>>, vector<16xbf16>,
      %parallel_loop3A_1115 = vector.shape_cast %parallel_loop3A_1114 : vector<16xbf16> to vector<16xbf16>
      %parallel_loop3A_1116 = arith.extf %parallel_loop3A_1115 : vector<16xbf16> to vector<16xf32>
      %parallel_loop3A_1117 = arith.constant 2 : i32
      %parallel_loop3A_1118 = arith.index_cast %parallel_loop3A_1117 : i32 to index
      %parallel_loop3A_1119 = arith.index_cast %parallel_loop3A_1106 : i32 to index
      %parallel_loop3A_1120 = arith.index_cast %parallel_loop3A_1110 : i32 to index
      %parallel_loop3A_1121 = tpu.vector_load %arg9[%parallel_loop3A_1118, %parallel_loop3A_1119, %parallel_loop3A_1120] {strides = array<i32>} : memref<6x16x1024xf32, #tpu.memory_space<vmem>>, vector<1x1x16xf32>,
      %parallel_loop3A_1122 = vector.shape_cast %parallel_loop3A_1121 : vector<1x1x16xf32> to vector<16xf32>
      %parallel_loop3A_1123 = vector.shape_cast %parallel_loop3A_1116 : vector<16xf32> to vector<1x1x16xf32>
      tpu.vector_store %arg9[%parallel_loop3A_1118, %parallel_loop3A_1119, %parallel_loop3A_1120], %parallel_loop3A_1123 {add = true, strides = array<i32>} : memref<6x16x1024xf32, #tpu.memory_space<vmem>>, vector<1x1x16xf32>,
    } {sc.loop_unroll_factor = 8 : i64, sc.parallel_access}
    %add3A_957 = arith.constant 48 : i32
    %add3A_958 = arith.addi %mul3A_2, %add3A_957 : i32
    %dma_start3A_959 = arith.constant 2 : i32
    %dma_start3A_960 = arith.constant 2 : i32
    %dma_start3A_961 = arith.constant 0 : i32
    %dma_start3A_962 = arith.constant 0 : i32
    %dma_start3A_963 = tpu.memref_slice %arg9[%dma_start3A_959, %dma_start3A_961, %dma_start3A_962] : memref<6x16x1024xf32, #tpu.memory_space<vmem>> -> memref<1x16x1024xf32, #tpu.memory_space<vmem>>
    %dma_start3A_964 = tpu.memref_squeeze %dma_start3A_963 : memref<1x16x1024xf32, #tpu.memory_space<vmem>> -> memref<16x1024xf32, #tpu.memory_space<vmem>>
    %dma_start3A_965 = arith.constant 0 : i32
    %dma_start3A_966 = tpu.memref_slice %arg5[%dma_start3A_960, %add3A_958, %dma_start3A_965] : memref<4x2048x1024xf32, #tpu.memory_space<hbm>> -> memref<1x16x1024xf32, #tpu.memory_space<hbm>>
    %dma_start3A_967 = tpu.memref_squeeze %dma_start3A_966 : memref<1x16x1024xf32, #tpu.memory_space<hbm>> -> memref<16x1024xf32, #tpu.memory_space<hbm>>
    %dma_start3A_968 = arith.constant 0 : i32
    %dma_start3A_969 = tpu.memref_slice %arg5[%dma_start3A_960, %add3A_958, %dma_start3A_968] : memref<4x2048x1024xf32, #tpu.memory_space<hbm>> -> memref<1x16x1024xf32, #tpu.memory_space<hbm>>
    %dma_start3A_970 = tpu.memref_squeeze %dma_start3A_969 : memref<1x16x1024xf32, #tpu.memory_space<hbm>> -> memref<16x1024xf32, #tpu.memory_space<hbm>>
    %dma_start3A_971 = arith.constant 0 : i32
    %dma_start3A_972 = arith.constant 0 : i32
    %dma_start3A_973 = tpu.memref_slice %arg9[%dma_start3A_959, %dma_start3A_971, %dma_start3A_972] : memref<6x16x1024xf32, #tpu.memory_space<vmem>> -> memref<1x16x1024xf32, #tpu.memory_space<vmem>>
    %dma_start3A_974 = tpu.memref_squeeze %dma_start3A_973 : memref<1x16x1024xf32, #tpu.memory_space<vmem>> -> memref<16x1024xf32, #tpu.memory_space<vmem>>
    tpu.enqueue_dma source(%dma_start3A_974 : memref<16x1024xf32, #tpu.memory_space<vmem>>) target(%dma_start3A_970 : memref<16x1024xf32, #tpu.memory_space<hbm>>) target_semaphore(%arg21 : memref<!tpu.dma_semaphore, #tpu.memory_space<semaphore_mem>>)
    %dma_wait3A_975 = arith.constant 3 : i32
    %dma_wait3A_976 = arith.constant 3 : i32
    %dma_wait3A_977 = arith.constant 0 : i32
    %dma_wait3A_978 = arith.constant 0 : i32
    %dma_wait3A_979 = tpu.memref_slice %arg9[%dma_wait3A_976, %dma_wait3A_977, %dma_wait3A_978] : memref<6x16x1024xf32, #tpu.memory_space<vmem>> -> memref<1x16x1024xf32, #tpu.memory_space<vmem>>
    %dma_wait3A_980 = tpu.memref_squeeze %dma_wait3A_979 : memref<1x16x1024xf32, #tpu.memory_space<vmem>> -> memref<16x1024xf32, #tpu.memory_space<vmem>>
    %dma_wait3A_981 = arith.constant 48 : i32
    %dma_wait3A_982 = tpu.memref_slice %arg6[%dma_wait3A_975, %dma_wait3A_981] : memref<4x64xi32, #tpu.memory_space<vmem>> -> memref<1x16xi32, #tpu.memory_space<vmem>>
    %dma_wait3A_983 = tpu.memref_squeeze %dma_wait3A_982 : memref<1x16xi32, #tpu.memory_space<vmem>> -> memref<16xi32, #tpu.memory_space<vmem>>
    %dma_wait3A_984 = arith.constant 0 : i32
    %dma_wait3A_985 = arith.constant 0 : i32
    %dma_wait3A_986 = tpu.memref_slice %arg3[%dma_wait3A_984, %dma_wait3A_985] : memref<32000x1024xf32, #tpu.memory_space<hbm>> -> memref<32000x1024xf32, #tpu.memory_space<hbm>>
    tpu.wait_indirect_dma semaphore(%arg16 : memref<!tpu.dma_semaphore, #tpu.memory_space<semaphore_mem>>) src(%dma_wait3A_986 : memref<32000x1024xf32, #tpu.memory_space<hbm>>) dst(%dma_wait3A_980 : memref<16x1024xf32, #tpu.memory_space<vmem>>)
    %parallel_loop3A_987 = arith.constant 0 : i32
    %parallel_loop3A_988 = arith.constant 1024 : i32
    %parallel_loop3A_989 = arith.constant 1 : i32
    scf.for %parallel_loop3A_1104 = %parallel_loop3A_987 to %parallel_loop3A_988 step %parallel_loop3A_989  : i32 {
      %parallel_loop3A_1105 = arith.constant 6 : i32
      %parallel_loop3A_1106 = arith.shrsi %parallel_loop3A_1104, %parallel_loop3A_1105 : i32
      %parallel_loop3A_1107 = arith.constant 63 : i32
      %parallel_loop3A_1108 = arith.andi %parallel_loop3A_1104, %parallel_loop3A_1107 : i32
      %parallel_loop3A_1109 = arith.constant 16 : i32
      %parallel_loop3A_1110 = arith.muli %parallel_loop3A_1108, %parallel_loop3A_1109 : i32
      %parallel_loop3A_1111 = arith.constant 16 : i32
      %parallel_loop3A_1112 = arith.muli %parallel_loop3A_1104, %parallel_loop3A_1111 : i32
      %parallel_loop3A_1113 = arith.index_cast %parallel_loop3A_1112 : i32 to index
      %parallel_loop3A_1114 = tpu.vector_load %arg8[%parallel_loop3A_1113] {strides = array<i32>} : memref<16384xbf16, #tpu.memory_space<vmem>>, vector<16xbf16>,
      %parallel_loop3A_1115 = vector.shape_cast %parallel_loop3A_1114 : vector<16xbf16> to vector<16xbf16>
      %parallel_loop3A_1116 = arith.extf %parallel_loop3A_1115 : vector<16xbf16> to vector<16xf32>
      %parallel_loop3A_1117 = arith.constant 3 : i32
      %parallel_loop3A_1118 = arith.index_cast %parallel_loop3A_1117 : i32 to index
      %parallel_loop3A_1119 = arith.index_cast %parallel_loop3A_1106 : i32 to index
      %parallel_loop3A_1120 = arith.index_cast %parallel_loop3A_1110 : i32 to index
      %parallel_loop3A_1121 = tpu.vector_load %arg9[%parallel_loop3A_1118, %parallel_loop3A_1119, %parallel_loop3A_1120] {strides = array<i32>} : memref<6x16x1024xf32, #tpu.memory_space<vmem>>, vector<1x1x16xf32>,
      %parallel_loop3A_1122 = vector.shape_cast %parallel_loop3A_1121 : vector<1x1x16xf32> to vector<16xf32>
      %parallel_loop3A_1123 = vector.shape_cast %parallel_loop3A_1116 : vector<16xf32> to vector<1x1x16xf32>
      tpu.vector_store %arg9[%parallel_loop3A_1118, %parallel_loop3A_1119, %parallel_loop3A_1120], %parallel_loop3A_1123 {add = true, strides = array<i32>} : memref<6x16x1024xf32, #tpu.memory_space<vmem>>, vector<1x1x16xf32>,
    } {sc.loop_unroll_factor = 8 : i64, sc.parallel_access}
    %add3A_990 = arith.constant 48 : i32
    %add3A_991 = arith.addi %mul3A_2, %add3A_990 : i32
    %dma_start3A_992 = arith.constant 3 : i32
    %dma_start3A_993 = arith.constant 3 : i32
    %dma_start3A_994 = arith.constant 0 : i32
    %dma_start3A_995 = arith.constant 0 : i32
    %dma_start3A_996 = tpu.memref_slice %arg9[%dma_start3A_992, %dma_start3A_994, %dma_start3A_995] : memref<6x16x1024xf32, #tpu.memory_space<vmem>> -> memref<1x16x1024xf32, #tpu.memory_space<vmem>>
    %dma_start3A_997 = tpu.memref_squeeze %dma_start3A_996 : memref<1x16x1024xf32, #tpu.memory_space<vmem>> -> memref<16x1024xf32, #tpu.memory_space<vmem>>
    %dma_start3A_998 = arith.constant 0 : i32
    %dma_start3A_999 = tpu.memref_slice %arg5[%dma_start3A_993, %add3A_991, %dma_start3A_998] : memref<4x2048x1024xf32, #tpu.memory_space<hbm>> -> memref<1x16x1024xf32, #tpu.memory_space<hbm>>
    %dma_start3A_1000 = tpu.memref_squeeze %dma_start3A_999 : memref<1x16x1024xf32, #tpu.memory_space<hbm>> -> memref<16x1024xf32, #tpu.memory_space<hbm>>
    %dma_start3A_1001 = arith.constant 0 : i32
    %dma_start3A_1002 = tpu.memref_slice %arg5[%dma_start3A_993, %add3A_991, %dma_start3A_1001] : memref<4x2048x1024xf32, #tpu.memory_space<hbm>> -> memref<1x16x1024xf32, #tpu.memory_space<hbm>>
    %dma_start3A_1003 = tpu.memref_squeeze %dma_start3A_1002 : memref<1x16x1024xf32, #tpu.memory_space<hbm>> -> memref<16x1024xf32, #tpu.memory_space<hbm>>
    %dma_start3A_1004 = arith.constant 0 : i32
    %dma_start3A_1005 = arith.constant 0 : i32
    %dma_start3A_1006 = tpu.memref_slice %arg9[%dma_start3A_992, %dma_start3A_1004, %dma_start3A_1005] : memref<6x16x1024xf32, #tpu.memory_space<vmem>> -> memref<1x16x1024xf32, #tpu.memory_space<vmem>>
    %dma_start3A_1007 = tpu.memref_squeeze %dma_start3A_1006 : memref<1x16x1024xf32, #tpu.memory_space<vmem>> -> memref<16x1024xf32, #tpu.memory_space<vmem>>
    tpu.enqueue_dma source(%dma_start3A_1007 : memref<16x1024xf32, #tpu.memory_space<vmem>>) target(%dma_start3A_1003 : memref<16x1024xf32, #tpu.memory_space<hbm>>) target_semaphore(%arg22 : memref<!tpu.dma_semaphore, #tpu.memory_space<semaphore_mem>>)
    %dma_wait3A_1008 = arith.constant 4 : i32
    %dma_wait3A_1009 = arith.constant 2 : i32
    %dma_wait3A_1010 = arith.constant 0 : i32
    %dma_wait3A_1011 = arith.constant 0 : i32
    %dma_wait3A_1012 = tpu.memref_slice %arg9[%dma_wait3A_1008, %dma_wait3A_1010, %dma_wait3A_1011] : memref<6x16x1024xf32, #tpu.memory_space<vmem>> -> memref<1x16x1024xf32, #tpu.memory_space<vmem>>
    %dma_wait3A_1013 = tpu.memref_squeeze %dma_wait3A_1012 : memref<1x16x1024xf32, #tpu.memory_space<vmem>> -> memref<16x1024xf32, #tpu.memory_space<vmem>>
    %dma_wait3A_1014 = arith.constant 0 : i32
    %dma_wait3A_1015 = tpu.memref_slice %arg5[%dma_wait3A_1009, %add3A_824, %dma_wait3A_1014] : memref<4x2048x1024xf32, #tpu.memory_space<hbm>> -> memref<1x16x1024xf32, #tpu.memory_space<hbm>>
    %dma_wait3A_1016 = tpu.memref_squeeze %dma_wait3A_1015 : memref<1x16x1024xf32, #tpu.memory_space<hbm>> -> memref<16x1024xf32, #tpu.memory_space<hbm>>
    %dma_wait3A_1017 = arith.constant 0 : i32
    %dma_wait3A_1018 = tpu.memref_slice %arg5[%dma_wait3A_1009, %add3A_824, %dma_wait3A_1017] : memref<4x2048x1024xf32, #tpu.memory_space<hbm>> -> memref<1x16x1024xf32, #tpu.memory_space<hbm>>
    %dma_wait3A_1019 = tpu.memref_squeeze %dma_wait3A_1018 : memref<1x16x1024xf32, #tpu.memory_space<hbm>> -> memref<16x1024xf32, #tpu.memory_space<hbm>>
    %dma_wait3A_1020 = arith.constant 0 : i32
    %dma_wait3A_1021 = arith.constant 0 : i32
    %dma_wait3A_1022 = tpu.memref_slice %arg9[%dma_wait3A_1008, %dma_wait3A_1020, %dma_wait3A_1021] : memref<6x16x1024xf32, #tpu.memory_space<vmem>> -> memref<1x16x1024xf32, #tpu.memory_space<vmem>>
    %dma_wait3A_1023 = tpu.memref_squeeze %dma_wait3A_1022 : memref<1x16x1024xf32, #tpu.memory_space<vmem>> -> memref<16x1024xf32, #tpu.memory_space<vmem>>
    tpu.wait_dma2 semaphore(%arg23 : memref<!tpu.dma_semaphore, #tpu.memory_space<semaphore_mem>>) src(%dma_wait3A_1023 : memref<16x1024xf32, #tpu.memory_space<vmem>>) dst(%dma_wait3A_1019 : memref<16x1024xf32, #tpu.memory_space<hbm>>)
    %dma_wait3A_1024 = arith.constant 5 : i32
    %dma_wait3A_1025 = arith.constant 3 : i32
    %dma_wait3A_1026 = arith.constant 0 : i32
    %dma_wait3A_1027 = arith.constant 0 : i32
    %dma_wait3A_1028 = tpu.memref_slice %arg9[%dma_wait3A_1024, %dma_wait3A_1026, %dma_wait3A_1027] : memref<6x16x1024xf32, #tpu.memory_space<vmem>> -> memref<1x16x1024xf32, #tpu.memory_space<vmem>>
    %dma_wait3A_1029 = tpu.memref_squeeze %dma_wait3A_1028 : memref<1x16x1024xf32, #tpu.memory_space<vmem>> -> memref<16x1024xf32, #tpu.memory_space<vmem>>
    %dma_wait3A_1030 = arith.constant 0 : i32
    %dma_wait3A_1031 = tpu.memref_slice %arg5[%dma_wait3A_1025, %add3A_857, %dma_wait3A_1030] : memref<4x2048x1024xf32, #tpu.memory_space<hbm>> -> memref<1x16x1024xf32, #tpu.memory_space<hbm>>
    %dma_wait3A_1032 = tpu.memref_squeeze %dma_wait3A_1031 : memref<1x16x1024xf32, #tpu.memory_space<hbm>> -> memref<16x1024xf32, #tpu.memory_space<hbm>>
    %dma_wait3A_1033 = arith.constant 0 : i32
    %dma_wait3A_1034 = tpu.memref_slice %arg5[%dma_wait3A_1025, %add3A_857, %dma_wait3A_1033] : memref<4x2048x1024xf32, #tpu.memory_space<hbm>> -> memref<1x16x1024xf32, #tpu.memory_space<hbm>>
    %dma_wait3A_1035 = tpu.memref_squeeze %dma_wait3A_1034 : memref<1x16x1024xf32, #tpu.memory_space<hbm>> -> memref<16x1024xf32, #tpu.memory_space<hbm>>
    %dma_wait3A_1036 = arith.constant 0 : i32
    %dma_wait3A_1037 = arith.constant 0 : i32
    %dma_wait3A_1038 = tpu.memref_slice %arg9[%dma_wait3A_1024, %dma_wait3A_1036, %dma_wait3A_1037] : memref<6x16x1024xf32, #tpu.memory_space<vmem>> -> memref<1x16x1024xf32, #tpu.memory_space<vmem>>
    %dma_wait3A_1039 = tpu.memref_squeeze %dma_wait3A_1038 : memref<1x16x1024xf32, #tpu.memory_space<vmem>> -> memref<16x1024xf32, #tpu.memory_space<vmem>>
    tpu.wait_dma2 semaphore(%arg24 : memref<!tpu.dma_semaphore, #tpu.memory_space<semaphore_mem>>) src(%dma_wait3A_1039 : memref<16x1024xf32, #tpu.memory_space<vmem>>) dst(%dma_wait3A_1035 : memref<16x1024xf32, #tpu.memory_space<hbm>>)
    %dma_wait3A_1040 = arith.constant 0 : i32
    %dma_wait3A_1041 = arith.constant 0 : i32
    %dma_wait3A_1042 = arith.constant 0 : i32
    %dma_wait3A_1043 = arith.constant 0 : i32
    %dma_wait3A_1044 = tpu.memref_slice %arg9[%dma_wait3A_1040, %dma_wait3A_1042, %dma_wait3A_1043] : memref<6x16x1024xf32, #tpu.memory_space<vmem>> -> memref<1x16x1024xf32, #tpu.memory_space<vmem>>
    %dma_wait3A_1045 = tpu.memref_squeeze %dma_wait3A_1044 : memref<1x16x1024xf32, #tpu.memory_space<vmem>> -> memref<16x1024xf32, #tpu.memory_space<vmem>>
    %dma_wait3A_1046 = arith.constant 0 : i32
    %dma_wait3A_1047 = tpu.memref_slice %arg5[%dma_wait3A_1041, %add3A_892, %dma_wait3A_1046] : memref<4x2048x1024xf32, #tpu.memory_space<hbm>> -> memref<1x16x1024xf32, #tpu.memory_space<hbm>>
    %dma_wait3A_1048 = tpu.memref_squeeze %dma_wait3A_1047 : memref<1x16x1024xf32, #tpu.memory_space<hbm>> -> memref<16x1024xf32, #tpu.memory_space<hbm>>
    %dma_wait3A_1049 = arith.constant 0 : i32
    %dma_wait3A_1050 = tpu.memref_slice %arg5[%dma_wait3A_1041, %add3A_892, %dma_wait3A_1049] : memref<4x2048x1024xf32, #tpu.memory_space<hbm>> -> memref<1x16x1024xf32, #tpu.memory_space<hbm>>
    %dma_wait3A_1051 = tpu.memref_squeeze %dma_wait3A_1050 : memref<1x16x1024xf32, #tpu.memory_space<hbm>> -> memref<16x1024xf32, #tpu.memory_space<hbm>>
    %dma_wait3A_1052 = arith.constant 0 : i32
    %dma_wait3A_1053 = arith.constant 0 : i32
    %dma_wait3A_1054 = tpu.memref_slice %arg9[%dma_wait3A_1040, %dma_wait3A_1052, %dma_wait3A_1053] : memref<6x16x1024xf32, #tpu.memory_space<vmem>> -> memref<1x16x1024xf32, #tpu.memory_space<vmem>>
    %dma_wait3A_1055 = tpu.memref_squeeze %dma_wait3A_1054 : memref<1x16x1024xf32, #tpu.memory_space<vmem>> -> memref<16x1024xf32, #tpu.memory_space<vmem>>
    tpu.wait_dma2 semaphore(%arg19 : memref<!tpu.dma_semaphore, #tpu.memory_space<semaphore_mem>>) src(%dma_wait3A_1055 : memref<16x1024xf32, #tpu.memory_space<vmem>>) dst(%dma_wait3A_1051 : memref<16x1024xf32, #tpu.memory_space<hbm>>)
    %dma_wait3A_1056 = arith.constant 1 : i32
    %dma_wait3A_1057 = arith.constant 1 : i32
    %dma_wait3A_1058 = arith.constant 0 : i32
    %dma_wait3A_1059 = arith.constant 0 : i32
    %dma_wait3A_1060 = tpu.memref_slice %arg9[%dma_wait3A_1056, %dma_wait3A_1058, %dma_wait3A_1059] : memref<6x16x1024xf32, #tpu.memory_space<vmem>> -> memref<1x16x1024xf32, #tpu.memory_space<vmem>>
    %dma_wait3A_1061 = tpu.memref_squeeze %dma_wait3A_1060 : memref<1x16x1024xf32, #tpu.memory_space<vmem>> -> memref<16x1024xf32, #tpu.memory_space<vmem>>
    %dma_wait3A_1062 = arith.constant 0 : i32
    %dma_wait3A_1063 = tpu.memref_slice %arg5[%dma_wait3A_1057, %add3A_925, %dma_wait3A_1062] : memref<4x2048x1024xf32, #tpu.memory_space<hbm>> -> memref<1x16x1024xf32, #tpu.memory_space<hbm>>
    %dma_wait3A_1064 = tpu.memref_squeeze %dma_wait3A_1063 : memref<1x16x1024xf32, #tpu.memory_space<hbm>> -> memref<16x1024xf32, #tpu.memory_space<hbm>>
    %dma_wait3A_1065 = arith.constant 0 : i32
    %dma_wait3A_1066 = tpu.memref_slice %arg5[%dma_wait3A_1057, %add3A_925, %dma_wait3A_1065] : memref<4x2048x1024xf32, #tpu.memory_space<hbm>> -> memref<1x16x1024xf32, #tpu.memory_space<hbm>>
    %dma_wait3A_1067 = tpu.memref_squeeze %dma_wait3A_1066 : memref<1x16x1024xf32, #tpu.memory_space<hbm>> -> memref<16x1024xf32, #tpu.memory_space<hbm>>
    %dma_wait3A_1068 = arith.constant 0 : i32
    %dma_wait3A_1069 = arith.constant 0 : i32
    %dma_wait3A_1070 = tpu.memref_slice %arg9[%dma_wait3A_1056, %dma_wait3A_1068, %dma_wait3A_1069] : memref<6x16x1024xf32, #tpu.memory_space<vmem>> -> memref<1x16x1024xf32, #tpu.memory_space<vmem>>
    %dma_wait3A_1071 = tpu.memref_squeeze %dma_wait3A_1070 : memref<1x16x1024xf32, #tpu.memory_space<vmem>> -> memref<16x1024xf32, #tpu.memory_space<vmem>>
    tpu.wait_dma2 semaphore(%arg20 : memref<!tpu.dma_semaphore, #tpu.memory_space<semaphore_mem>>) src(%dma_wait3A_1071 : memref<16x1024xf32, #tpu.memory_space<vmem>>) dst(%dma_wait3A_1067 : memref<16x1024xf32, #tpu.memory_space<hbm>>)
    %dma_wait3A_1072 = arith.constant 2 : i32
    %dma_wait3A_1073 = arith.constant 2 : i32
    %dma_wait3A_1074 = arith.constant 0 : i32
    %dma_wait3A_1075 = arith.constant 0 : i32
    %dma_wait3A_1076 = tpu.memref_slice %arg9[%dma_wait3A_1072, %dma_wait3A_1074, %dma_wait3A_1075] : memref<6x16x1024xf32, #tpu.memory_space<vmem>> -> memref<1x16x1024xf32, #tpu.memory_space<vmem>>
    %dma_wait3A_1077 = tpu.memref_squeeze %dma_wait3A_1076 : memref<1x16x1024xf32, #tpu.memory_space<vmem>> -> memref<16x1024xf32, #tpu.memory_space<vmem>>
    %dma_wait3A_1078 = arith.constant 0 : i32
    %dma_wait3A_1079 = tpu.memref_slice %arg5[%dma_wait3A_1073, %add3A_958, %dma_wait3A_1078] : memref<4x2048x1024xf32, #tpu.memory_space<hbm>> -> memref<1x16x1024xf32, #tpu.memory_space<hbm>>
    %dma_wait3A_1080 = tpu.memref_squeeze %dma_wait3A_1079 : memref<1x16x1024xf32, #tpu.memory_space<hbm>> -> memref<16x1024xf32, #tpu.memory_space<hbm>>
    %dma_wait3A_1081 = arith.constant 0 : i32
    %dma_wait3A_1082 = tpu.memref_slice %arg5[%dma_wait3A_1073, %add3A_958, %dma_wait3A_1081] : memref<4x2048x1024xf32, #tpu.memory_space<hbm>> -> memref<1x16x1024xf32, #tpu.memory_space<hbm>>
    %dma_wait3A_1083 = tpu.memref_squeeze %dma_wait3A_1082 : memref<1x16x1024xf32, #tpu.memory_space<hbm>> -> memref<16x1024xf32, #tpu.memory_space<hbm>>
    %dma_wait3A_1084 = arith.constant 0 : i32
    %dma_wait3A_1085 = arith.constant 0 : i32
    %dma_wait3A_1086 = tpu.memref_slice %arg9[%dma_wait3A_1072, %dma_wait3A_1084, %dma_wait3A_1085] : memref<6x16x1024xf32, #tpu.memory_space<vmem>> -> memref<1x16x1024xf32, #tpu.memory_space<vmem>>
    %dma_wait3A_1087 = tpu.memref_squeeze %dma_wait3A_1086 : memref<1x16x1024xf32, #tpu.memory_space<vmem>> -> memref<16x1024xf32, #tpu.memory_space<vmem>>
    tpu.wait_dma2 semaphore(%arg21 : memref<!tpu.dma_semaphore, #tpu.memory_space<semaphore_mem>>) src(%dma_wait3A_1087 : memref<16x1024xf32, #tpu.memory_space<vmem>>) dst(%dma_wait3A_1083 : memref<16x1024xf32, #tpu.memory_space<hbm>>)
    %dma_wait3A_1088 = arith.constant 3 : i32
    %dma_wait3A_1089 = arith.constant 3 : i32
    %dma_wait3A_1090 = arith.constant 0 : i32
    %dma_wait3A_1091 = arith.constant 0 : i32
    %dma_wait3A_1092 = tpu.memref_slice %arg9[%dma_wait3A_1088, %dma_wait3A_1090, %dma_wait3A_1091] : memref<6x16x1024xf32, #tpu.memory_space<vmem>> -> memref<1x16x1024xf32, #tpu.memory_space<vmem>>
    %dma_wait3A_1093 = tpu.memref_squeeze %dma_wait3A_1092 : memref<1x16x1024xf32, #tpu.memory_space<vmem>> -> memref<16x1024xf32, #tpu.memory_space<vmem>>
    %dma_wait3A_1094 = arith.constant 0 : i32
    %dma_wait3A_1095 = tpu.memref_slice %arg5[%dma_wait3A_1089, %add3A_991, %dma_wait3A_1094] : memref<4x2048x1024xf32, #tpu.memory_space<hbm>> -> memref<1x16x1024xf32, #tpu.memory_space<hbm>>
    %dma_wait3A_1096 = tpu.memref_squeeze %dma_wait3A_1095 : memref<1x16x1024xf32, #tpu.memory_space<hbm>> -> memref<16x1024xf32, #tpu.memory_space<hbm>>
    %dma_wait3A_1097 = arith.constant 0 : i32
    %dma_wait3A_1098 = tpu.memref_slice %arg5[%dma_wait3A_1089, %add3A_991, %dma_wait3A_1097] : memref<4x2048x1024xf32, #tpu.memory_space<hbm>> -> memref<1x16x1024xf32, #tpu.memory_space<hbm>>
    %dma_wait3A_1099 = tpu.memref_squeeze %dma_wait3A_1098 : memref<1x16x1024xf32, #tpu.memory_space<hbm>> -> memref<16x1024xf32, #tpu.memory_space<hbm>>
    %dma_wait3A_1100 = arith.constant 0 : i32
    %dma_wait3A_1101 = arith.constant 0 : i32
    %dma_wait3A_1102 = tpu.memref_slice %arg9[%dma_wait3A_1088, %dma_wait3A_1100, %dma_wait3A_1101] : memref<6x16x1024xf32, #tpu.memory_space<vmem>> -> memref<1x16x1024xf32, #tpu.memory_space<vmem>>
    %dma_wait3A_1103 = tpu.memref_squeeze %dma_wait3A_1102 : memref<1x16x1024xf32, #tpu.memory_space<vmem>> -> memref<16x1024xf32, #tpu.memory_space<vmem>>
    tpu.wait_dma2 semaphore(%arg22 : memref<!tpu.dma_semaphore, #tpu.memory_space<semaphore_mem>>) src(%dma_wait3A_1103 : memref<16x1024xf32, #tpu.memory_space<vmem>>) dst(%dma_wait3A_1099 : memref<16x1024xf32, #tpu.memory_space<hbm>>)
    return
  }
}

</mosaic_0001>

<sc_bundles>
// kernel: kernel.3.cloned.1.call-start
scs
__scs_entry_jumppad:
0x0: {  	(pc) =	sbr.rel $0x88, $3  }
0x1: {  	(tag) =	ssettag $0x0;
	lr =	simm.s32 $0x1  }
0x2: {  	[smem:$0x3F9F] =	sst lr;
	_ =	strace $0xD0000000  }
0x3: {  	_ = 	snop  }
0x4: {  	_ = 	snop  }
0x5: {  	_ = 	snop  }
0x6: {  	_ = 	snop  }
0x7: {  	_ = 	snop  }
__scs_overlays_trampoline_lowered:
0x8: {  	[smem:$0x3FAE] =	sst s0  }
0x9: {  	[smem:$0x3FAF] =	sst s1  }
0xa: {  	[smem:$0x3FB0] =	sst s2  }
0xb: {  	[smem:$0x3FB1] =	sst s3  }
0xc: {  	[smem:$0x3FB2] =	sst s4  }
0xd: {  	[smem:$0x3FB3] =	sst s5  }
0xe: {  	[smem:$0x3FB4] =	sst s6  }
0xf: {  	[smem:$0x3FB5] =	sst s7  }
0x10: {  	[smem:$0x3FB6] =	sst s8  }
0x11: {  	[smem:$0x3FB7] =	sst s9;
	s0 =	simm.s32 @!p0 $0x0  }
0x12: {  	s1 =	sld [smem:$0x3F9D];
	s0 =	simm.s32 @p0 $0x1  }
0x13: {  	[smem:$0x3FB8] =	sst s0;
	s0 =	simm.s32 @!p1 $0x0  }
0x14: {  	s2 =	sld [smem:$0x3F9C];
	s0 =	simm.s32 @p1 $0x1  }
0x15: {  	[smem:$0x3FB9] =	sst s0;
	s0 =	simm.s32 @!p2 $0x0  }
0x16: {  	s3 =	sld [smem:$0x3FDB];
	s0 =	simm.s32 @p2 $0x1  }
0x17: {  	s4 =	simm.s32 $0x1BF5;
	[smem:$0x3FBB] =	sst s0  }
0x18: {  	s0 =	sld [smem:$0x3F9E];
	_ =	swait.ge [sflag:s4], $0x0  }
0x19: {  	s7 =	sld [smem:$0x3F9F]  }
0x1a: {  	s8 =	sadd.s32 $0xFFFFE003, lr  }
0x1b: {  	s9 =	sadd.s32 $0xFFFFFEF7, lr;
	s5 =	simm.s32 $0xFFFFFFFF;
	p2 =	slt.u32 s8, $0xFFFFF086  }
0x1c: {  	p1 =	slt.u32 s9, $0xF7A;
	s5 =	simm.s32 @!p2 $0x0  }
0x1d: {  	s5 =	simm.s32 @p1 $0x1;
	p0 =	seq.s32 s7, s2  }
0x1e: {  	s7 =	smul.u32 @!p0 $0xF7A, s2;
	p2 =	seq.s32 @!p0 s5, $0x0  }
0x1f: {  	s9 =	smul.u32 $0xF7A, s1;
	s8 =	simm.s32 @!p0 $0x1BF5;
	p2 =	por !p2, p0  }
0x20: {  	[sflag:s8] =	ssyncset.s32 @!p0 $0xFFFFF086;
	s6 =	sadd.s32 @!p0 s3, s7;
	s7 =	simm.s32 @!p0 $0x108  }
0x21: {  	s3 =	sadd.s32 s3, s9;
	s6 =	sadd.s32 @!p0 $0x88, s6;
	s7 =	simm.s32 @p2 $0x1082  }
0x22: {  	[simem:s7], [sflag:s8] =	dma.local @!p0 [hbm:s6], $0xF7A  }
0x23: {  	s9 =	sor.u32 $0xD0000000, s2;
	s6 =	simm.s32 $0x108;
	_ =	swait.ge @!p0 [sflag:s8], $0x0  }
0x24: {  	s3 =	sadd.s32 $0x88, s3;
	s6 =	simm.s32 @!p1 $0x1082;
	[sflag:s4] =	ssyncset.s32 $0xFFFFF086  }
0x25: {  	[simem:s6], [sflag:s4] =	dma.local [hbm:s3], $0xF7A  }
0x26: {  	[smem:$0x3F9F] =	sst s1;
	(tag) =	ssettag s2;
	_ =	strace s9  }
0x27: {  	s1 =	sld [smem:$0x3FAF]  }
0x28: {  	s2 =	sld [smem:$0x3FB0]  }
0x29: {  	s4 =	sld [smem:$0x3FB2]  }
0x2a: {  	p0 =	seq.s32 s5, $0x0;
	s5 =	sld [smem:$0x3FB3]  }
0x2b: {  	s6 =	sld [smem:$0x3FB4]  }
0x2c: {  	s7 =	sld [smem:$0x3FB5]  }
0x2d: {  	s3 =	simm.s32 $0x108;
	s8 =	sld [smem:$0x3FB6]  }
0x2e: {  	s3 =	simm.s32 @!p0 $0x1082;
	s9 =	sld [smem:$0x3FB7]  }
0x2f: {  	lr =	sadd.s32 s0, s3;
	s0 =	sld [smem:$0x3FAE]  }
0x30: {  	s3 =	sld [smem:$0x3FB1]  }
0x31: {  	[smem:$0x3FBA] =	sst s10  }
0x32: {  	s10 =	sld [smem:$0x3FB8];
	_ =	sdelay $0x3  }
0x33: {  	p0 =	seq.s32 s10, $0x1;
	s10 =	sld [smem:$0x3FBA];
	_ =	sdelay $0x3  }
0x34: {  	[smem:$0x3FBA] =	sst s10  }
0x35: {  	s10 =	sld [smem:$0x3FB9];
	_ =	sdelay $0x3  }
0x36: {  	p1 =	seq.s32 s10, $0x1;
	s10 =	sld [smem:$0x3FBA];
	_ =	sdelay $0x3  }
0x37: {  	[smem:$0x3FBA] =	sst s10  }
0x38: {  	s10 =	sld [smem:$0x3FBB]  }
0x39: {  	_ = 	snop;
	(pc) =	sbr.ind lr, $3  }
0x3a: {  	_ = 	snop  }
0x3b: {  	_ = 	snop  }
0x3c: {  	p2 =	seq.s32 s10, $0x1;
	s10 =	sld [smem:$0x3FBA]  }
0x3d: {  	_ =	shalt  }
0x3e: {  	_ =	shalt  }
0x3f: {  	_ =	shalt  }
0x40: {  	_ =	shalt  }
0x41: {  	_ =	shalt  }
0x42: {  	_ =	shalt  }
0x43: {  	_ =	shalt  }
0x44: {  	_ =	shalt  }
0x45: {  	_ =	shalt  }
0x46: {  	_ =	shalt  }
0x47: {  	_ =	shalt  }
0x48: {  	_ =	shalt  }
0x49: {  	_ =	shalt  }
0x4a: {  	_ =	shalt  }
0x4b: {  	_ =	shalt  }
0x4c: {  	_ =	shalt  }
0x4d: {  	_ =	shalt  }
0x4e: {  	_ =	shalt  }
0x4f: {  	_ =	shalt  }
0x50: {  	_ =	shalt  }
0x51: {  	_ =	shalt  }
0x52: {  	_ =	shalt  }
0x53: {  	_ =	shalt  }
0x54: {  	_ =	shalt  }
0x55: {  	_ =	shalt  }
0x56: {  	_ =	shalt  }
0x57: {  	_ =	shalt  }
0x58: {  	_ =	shalt  }
0x59: {  	_ =	shalt  }
0x5a: {  	_ =	shalt  }
0x5b: {  	_ =	shalt  }
0x5c: {  	_ =	shalt  }
0x5d: {  	_ =	shalt  }
0x5e: {  	_ =	shalt  }
0x5f: {  	_ =	shalt  }
0x60: {  	_ =	shalt  }
0x61: {  	_ =	shalt  }
0x62: {  	_ =	shalt  }
0x63: {  	_ =	shalt  }
0x64: {  	_ =	shalt  }
0x65: {  	_ =	shalt  }
0x66: {  	_ =	shalt  }
0x67: {  	_ =	shalt  }
0x68: {  	_ =	shalt  }
0x69: {  	_ =	shalt  }
0x6a: {  	_ =	shalt  }
0x6b: {  	_ =	shalt  }
0x6c: {  	_ =	shalt  }
0x6d: {  	_ =	shalt  }
0x6e: {  	_ =	shalt  }
0x6f: {  	_ =	shalt  }
0x70: {  	_ =	shalt  }
0x71: {  	_ =	shalt  }
0x72: {  	_ =	shalt  }
0x73: {  	_ =	shalt  }
0x74: {  	_ =	shalt  }
0x75: {  	_ =	shalt  }
0x76: {  	_ =	shalt  }
0x77: {  	_ =	shalt  }
0x78: {  	_ =	shalt  }
0x79: {  	_ =	shalt  }
0x7a: {  	_ =	shalt  }
0x7b: {  	_ =	shalt  }
0x7c: {  	_ =	shalt  }
0x7d: {  	_ =	shalt  }
0x7e: {  	_ =	shalt  }
0x7f: {  	_ =	shalt  }
0x80: {  	_ =	shalt  }
0x81: {  	_ =	shalt  }
0x82: {  	_ =	shalt  }
0x83: {  	_ =	shalt  }
0x84: {  	_ =	shalt  }
0x85: {  	_ =	shalt  }
0x86: {  	_ =	shalt  }
0x87: {  	_ =	shalt  }
.Lfunc_end0:
.L_simem_size_0:
called_computation_lowered:
.L_overlay_start_0:
0x88: {  	s2 =	sld [smem:$0x3FD9]  }
0x89: {  	s3 =	sld [smem:$0x3FFE];
	_ =	sdelay $0x1  }
0x8a: {  	s1 =	srdreg.scid  }
0x8b: {  	s0 =	sand.u32 $0x1, s1  }
0x8c: {  	s17 =	sshll.u32 s0, $0xA;
	s2 =	sadd.s32 s3, s2  }
0x8d: {  	s2 =	sadd.s32 s2, s17  }
0x8e: {  	[smem:$0x3FC6] =	sst s2  }
0x8f: {  	_ = 	snop  }
0x90: {  	s2 =	sld [smem:$0x3FC9]  }
0x91: {  	s18 =	sld [smem:$0x3FC8]  }
0x92: {  	s4 =	sld [smem:$0x3FD0];
	(tm) =	ssettm $0x1  }
0x93: {  	s5 =	sld [smem:$0x3FFB];
	_ =	sdelay $0x3  }
0x94: {  	_ =	strace s5  }
0x95: {  	s5 =	sld [smem:$0x3FFC];
	_ =	sdelay $0x3  }
0x96: {  	_ =	strace s5  }
0x97: {  	s5 =	sld [smem:$0x3FFD];
	_ =	sdelay $0x3  }
0x98: {  	_ =	strace s5  }
0x99: {  	_ =	strace $0x8FFFFFFF  }
0x9a: {  	s19 =	sld [smem:$0x3FDB];
	_ =	sdelay $0x1  }
0x9b: {  	s6 =	simm.s32 $_scs_section_size  }
0x9c: {  	s7 =	simm.s32 $_size__tile_overlayer_lowered;
	s8 =	simm.s32 $_tile_overlayer_lowered  }
0x9d: {  	s22 =	simm.s32 $0x1BFF;
	s21 =	sshll.u32 s8, $0x1;
	s5 =	sadd.s32 s6, s19  }
0x9e: {  	s9 =	simm.s32 $0x0;
	s20 =	sshll.u32 s7, $0x1;
	s7 =	sadd.s32 s21, s5  }
0x9f: {  	[timem:s9], [sflag:s22] =	dma.local [hbm:s7], s20  }
0xa0: {  	_ =	swait.ge [sflag:s22], s20  }
0xa1: {  	s6 =	ssub.s32 $0x0, s20;
	[sflag:s22] =	ssyncset.done $0x0  }
0xa2: {  	[sflag:s22] =	ssyncadd.s32 s6;
	_ =	sdelay $0x1  }
0xa3: {  	s23 =	simm.s32 $0x1B8B  }
0xa4: {  	_ =	swait.ge [sflag:s23], $0x1  }
0xa5: {  	[sflag:s23] =	ssyncset.done $0x0  }
0xa6: {  	s25 =	simm.s32 $0x1B8E;
	s24 =	sld [smem:$0x3FFE];
	[sflag:s23] =	ssyncadd.s32 $0xFFFFFFFF  }
0xa7: {  	s26 =	simm.s32 $execute0_lowered;
	[smem:$0x3FD2] =	sst s25  }
0xa8: {  	s7 =	sshll.u32 s26, $0x1;
	_ =	strace $0x80000046;
	[dreg:$0x1] =	wrdreg $0xFFFFFFFF  }
0xa9: {  	s28 =	simm.s32 $_size_execute0_lowered;
	s5 =	sadd.s32 s5, s7;
	[dreg:$0x0] =	wrdreg $0x0  }
0xaa: {  	s7 =	sshll.u32 s28, $0x1;
	[dreg:$0x2] =	wrdreg s5  }
0xab: {  	[dreg:$0x3] =	wrdreg s7  }
0xac: {  	[dreg:$0x4] =	wrdreg $0xC0  }
0xad: {  	_ =	task [dreg:s9], $0x5FFFF  }
0xae: {  	[dreg:$0x1] =	wrdreg $0xFFFFFFFF  }
0xaf: {  	[dreg:$0x0] =	wrdreg $0x60  }
0xb0: {  	[dreg:$0x2] =	wrdreg s2  }
0xb1: {  	[dreg:$0x3] =	wrdreg s18  }
0xb2: {  	[dreg:$0x4] =	wrdreg s24  }
0xb3: {  	[dreg:$0x5] =	wrdreg s4  }
0xb4: {  	[dreg:$0x6] =	wrdreg $0x9  }
0xb5: {  	_ =	task.clear_ibuf [dreg:s9], $0x7FFFF;
	_ =	strace $0x90000046  }
0xb6: {  	s29 =	simm.s32 $0x9;
	_ =	strace $0x80000048  }
0xb7: {  	_ =	swait.ge [sflag:s29], $0x1  }
0xb8: {  	[sflag:s29] =	ssyncadd.s32 $0xFFFFFFFF  }
0xb9: {  	_ =	strace $0x90000048  }
0xba: {  	_ =	sfence  }
0xbb: {  	s30 =	sld [smem:$0x0];
	_ =	sdelay $0x2  }
0xbc: {  	s31 =	sshll.u32 s1, $0xD;
	s1 =	sshrl.u32 s1, $0x2  }
0xbd: {  	s3 =	sand.u32 $0x4000, s31;
	s1 =	sadd.s32 s1, s30  }
0xbe: {  	s0 =	sor.u32 s3, s0;
	s1 =	sshll.u32 s1, $0x11  }
0xbf: {  	s0 =	sor.u32 s1, s0  }
0xc0: {  	s0 =	sadd.s32 $0x8F2B, s0  }
0xc1: {  	[sflag:s0] =	ssyncadd.remote.s32 $0x1  }
0xc2: {  	_ =	sfence.sel $0xFFFF  }
0xc3: {  	[dreg:$0x0] =	wrdreg $0xFFFFFFFF;
	(pc) =	sbr.abs _section_cstart, $3  }
0xc4: {  	[dreg:$0x1] =	wrdreg $0xFFFFFFFF  }
0xc5: {  	_ =	task.clear_ibuf [dreg:s9], $0x2FFFF;
	_ =	strace $0x9FFFFFFF  }
0xc6: {  	(tm) =	ssettm $0x7FFFFFFF  }
0xc7: {  	_ =	shalt  }
tec
execute0_lowered:
.L_overlay_start_1:
0x0: {  	(tag) =	ssettag $0x1  }
0x1: {  	s0 =	rddreg [dreg:$0x0]  }
0x2: {  	s1 =	srdreg.scid;
	s2 =	rddreg [dreg:$0x2]  }
0x3: {  	s4 =	stileid.u32;
	s5 =	rddreg [dreg:$0x3]  }
0x4: {  	s28 =	simm.s32 $0xD;
	s29 =	simm.s32 $0x9;
	s3 =	sand.u32 $0x1, s1  }
0x5: {  	s4 =	sshll.u32 s4, $0x1;
	s1 =	simm.s32 $0x0;
	s2 =	sadd.s32 $0x400, s2  }
0x6: {  	s24 =	sadd.s32 $0x40000, s5;
	s23 =	sadd.s32 $0x80000, s5;
	s4 =	sor.u32 s3, s4  }
0x7: {  	[smem:$0x7FF] =	sst s1;
	s3 =	ssub.s32 $0x2, s3;
	s6 =	sshll.u32 s4, $0x6  }
0x8: {  	s7 =	sshll.u32 s4, $0x8;
	s14 =	sshrl.u32 s3, $0x1;
	s17 =	sshll.u32 s4, $0xC  }
0x9: {  	s20 =	sshll.u32 s4, $0xD;
	s8 =	sand.u32 $0x40, s6;
	s9 =	sand.u32 $0x1E00, s7  }
0xa: {  	s3 =	ssub.s32 s3, s14;
	s16 =	sor.u32 $0x10, s6;
	s4 =	sadd.s32 s5, s20  }
0xb: {  	s21 =	sor.u32 $0x20, s6;
	s22 =	sadd.s32 s20, s24;
	s12 =	sadd.s32 s20, s23  }
0xc: {  	s9 =	sor.u32 s8, s9;
	s7 =	sor.u32 s7, s8;
	[dreg:$0xa] =	wrdreg s4  }
0xd: {  	s18 =	sshll.u32 s16, $0x6;
	[dreg:$0xb] =	wrdreg s22;
	s10 =	sshll.u32 s21, $0x6  }
0xe: {  	[dreg:$0xc] =	wrdreg s12;
	s26 =	sshll.u32 s16, $0x7;
	s19 =	sadd.s32 s2, s18  }
0xf: {  	s9 =	sshrl.u32 s9, $0x3;
	s10 =	sadd.s32 s2, s10;
	[dreg:$0x9] =	wrdreg s19  }
0x10: {  	s7 =	sshrl.u32 s7, $0x3;
	s12 =	sadd.s32 s26, s24;
	[dreg:$0xd] =	wrdreg s10  }
0x11: {  	s14 =	sadd.s32 s26, s23;
	s15 =	sor.u32 $0x20, s7;
	[dreg:$0x10] =	wrdreg s12  }
0x12: {  	s7 =	sor.u32 $0x30, s7;
	[dreg:$0x11] =	wrdreg s14;
	s8 =	sadd.s32 s0, s15  }
0x13: {  	s11 =	sadd.s32 s0, s9;
	s0 =	sadd.s32 s0, s7;
	[dreg:$0x6] =	wrdreg s8  }
0x14: {  	s6 =	sor.u32 $0x30, s6;
	[dreg:$0x7] =	wrdreg s0;
	s0 =	sadd.s32 s2, s17  }
0x15: {  	s13 =	sshll.u32 s6, $0x6;
	s8 =	sadd.s32 s5, s26;
	[dreg:$0x8] =	wrdreg s0  }
0x16: {  	s15 =	sshll.u32 s21, $0x7;
	s2 =	sadd.s32 s2, s13;
	[dreg:$0xf] =	wrdreg s8  }
0x17: {  	s25 =	sadd.s32 $0xC0000, s5;
	s16 =	sadd.s32 s5, s15;
	[dreg:$0x12] =	wrdreg s2  }
0x18: {  	s4 =	simm.s32 $0x1;
	s17 =	sadd.s32 s15, s24;
	[dreg:$0x14] =	wrdreg s16  }
0x19: {  	s14 =	simm.s32 $0x4;
	s18 =	sadd.s32 s15, s23;
	[dreg:$0x15] =	wrdreg s17  }
0x1a: {  	s7 =	simm.s32 $0xF;
	s19 =	sadd.s32 s15, s25;
	[dreg:$0x16] =	wrdreg s18  }
0x1b: {  	s13 =	simm.s32 $0x10200;
	s0 =	sadd.s32 s20, s25;
	[dreg:$0x17] =	wrdreg s19  }
0x1c: {  	s20 =	sshll.u32 s6, $0x7;
	s16 =	simm.s32 $0x5;
	[dreg:$0xe] =	wrdreg s0  }
0x1d: {  	s0 =	sadd.s32 s26, s25;
	s22 =	sadd.s32 s20, s24;
	s24 =	rddreg [dreg:$0x1]  }
0x1e: {  	s17 =	simm.s32 $0xA;
	s21 =	sadd.s32 s5, s20;
	[dreg:$0x13] =	wrdreg s0  }
0x1f: {  	s18 =	simm.s32 $0x6;
	s6 =	simm.s32 $0xE;
	[dreg:$0x18] =	wrdreg s21  }
0x20: {  	s23 =	sadd.s32 s20, s23;
	s26 =	sadd.s32 $0x10, s11;
	[dreg:$0x19] =	wrdreg s22  }
0x21: {  	s5 =	simm.s32 $0x10200;
	[dreg:$0x1a] =	wrdreg s23;
	s0 =	sadd.s32 s20, s25  }
0x22: {  	s25 =	smax.u32 s3, $0x1;
	s30 =	sadd.s32 $0x100, s24;
	s31 =	sadd.s32 $0x200, s24  }
0x23: {  	s21 =	sadd.s32 $0x300, s24;
	s20 =	simm.s32 $0xB;
	[dreg:$0x1b] =	wrdreg s0  }
0x24: {  	v2 =	vlaneseq.u32;
	s22 =	simm.s32 $0x7;
	_ =	strace $0x80000047;
	[dreg:$0x1c] =	wrdreg s25  }
0x25: {  	vm0 =	vmmov $0xffff;
	v1 =	vshrl.u32 v2, $0x3;
	s23 =	simm.s32 $0xC;
	s0 =	simm.s32 $0x0;
	[dreg:$0x5] =	wrdreg s11  }
0x26: {  	v0 =	vand.u32 $0x7, v2;
	v2 =	vor.u32 $0x8, v2;
	v1 =	vmul.u32 $0x8, v1;
	[dreg:$0x1d] =	wrdreg s26;
	s25 =	simm.s32 $0x3;
	s26 =	simm.s32 $0x8  }
.LBB2_1:
0x27: {  	s2 =	rddreg [dreg:$0x5]  }
0x28: {  	[tilespmem:s1], [sflag:$0x1] =	stream.linear.gather [hbm4b:s2+s1], $0x40, $0x38;
	[tilespmem:$0x1C200] =	vst v63  }
0x29: {  	s19 =	rddreg [dreg:$0x1d];
	s3 =	simm.s32 $0x80  }
0x2a: {  	[tilespmem:s3], [sflag:$0x1] =	stream.linear.gather [hbm4b:s19+s1], $0x40, $0x38;
	[tilespmem:$0x1C200] =	vst v63  }
0x2b: {  	s8 =	simm.s32 $0x100;
	s3 =	rddreg [dreg:$0x6]  }
0x2c: {  	[tilespmem:s8], [sflag:$0x1] =	stream.linear.gather [hbm4b:s3+s1], $0x40, $0x38;
	[tilespmem:$0x1C200] =	vst v63  }
0x2d: {  	s9 =	rddreg [dreg:$0x7];
	s10 =	simm.s32 $0x180  }
0x2e: {  	[tilespmem:s10], [sflag:$0x1] =	stream.linear.gather [hbm4b:s9+s1], $0x40, $0x38;
	[tilespmem:$0x1C200] =	vst v63  }
0x2f: {  	s11 =	rddreg [dreg:$0x8];
	s12 =	simm.s32 $0x200  }
0x30: {  	[tilespmem:s12], [sflag:$0x2] =	stream.linear.gather [hbm4b:s11+s1], $0x2000, $0x38;
	[tilespmem:$0x1C200] =	vst v63  }
0x31: {  	s15 =	rddreg [dreg:$0x9];
	s19 =	simm.s32 $0x2200  }
0x32: {  	[tilespmem:s19], [sflag:$0x3] =	stream.linear.gather [hbm4b:s15+s1], $0x2000, $0x38;
	[tilespmem:$0x1C200] =	vst v63  }
0x33: {  	_ =	swait.ge [sflag:s4], $0x40  }
0x34: {  	[sflag:s4] =	ssyncset.done $0x0  }
0x35: {  	[sflag:s4] =	ssyncadd.s32 $0xFFFFFFC0  }
0x36: {  	_ =	swait.ge [sflag:s4], $0x40  }
0x37: {  	[sflag:s4] =	ssyncset.done $0x0  }
0x38: {  	[sflag:s4] =	ssyncadd.s32 $0xFFFFFFC0  }
0x39: {  	_ =	swait.ge [sflag:s4], $0x40  }
0x3a: {  	[sflag:s4] =	ssyncset.done $0x0  }
0x3b: {  	[sflag:s4] =	ssyncadd.s32 $0xFFFFFFC0  }
0x3c: {  	_ =	swait.ge [sflag:s4], $0x40  }
0x3d: {  	[sflag:s4] =	ssyncset.done $0x0  }
0x3e: {  	[sflag:s4] =	ssyncadd.s32 $0xFFFFFFC0  }
0x3f: {  	v3 =	vld [tilespmem:$0x0];
	_ =	sdelay $0x4  }
0x40: {  	v4 =	vshll.u32 v3, $0x3  }
0x41: {  	v3 =	vand.u32 $0x7, v3;
	v4 =	vand.u32 $0xFFFFFFC0, v4  }
0x42: {  	v3 =	vor.u32 v3, v4  }
0x43: {  	v4 =	vperm.xlane v3, v0;
	_ =	sdelay $0x1  }
0x44: {  	v4 =	vadd.s32 v1, v4;
	_ =	sdelay $0x3  }
0x45: {  	s8 =	simm.s32 $0x4200  }
0x46: {  	[tilespmem:s8], [sflag:$0x4] =	stream.indirect_vreg.gather [hbm4b:s24+s1], $0x80, v4, vm0, $0xb8;
	[tilespmem:$0x1C200] =	vst v63  }
0x47: {  	s9 =	simm.s32 $0x4A00;
	v3 =	vperm.xlane v3, v2  }
0x48: {  	[tilespmem:s9], [sflag:$0x4] =	stream.indirect_vreg.gather [hbm4b:s30+s1], $0x80, v4, vm0, $0xb8;
	[tilespmem:$0x1C200] =	vst v63  }
0x49: {  	s10 =	simm.s32 $0x5200;
	v3 =	vadd.s32 v1, v3  }
0x4a: {  	[tilespmem:s10], [sflag:$0x4] =	stream.indirect_vreg.gather [hbm4b:s31+s1], $0x80, v4, vm0, $0xb8;
	[tilespmem:$0x1C200] =	vst v63  }
0x4b: {  	s11 =	simm.s32 $0x5A00  }
0x4c: {  	[tilespmem:s11], [sflag:$0x4] =	stream.indirect_vreg.gather [hbm4b:s21+s1], $0x80, v4, vm0, $0xb8;
	[tilespmem:$0x1C200] =	vst v63  }
0x4d: {  	s12 =	simm.s32 $0x6200  }
0x4e: {  	[tilespmem:s12], [sflag:$0x4] =	stream.indirect_vreg.gather [hbm4b:s24+s1], $0x80, v3, vm0, $0xb8;
	[tilespmem:$0x1C200] =	vst v63  }
0x4f: {  	s15 =	simm.s32 $0x6A00  }
0x50: {  	[tilespmem:s15], [sflag:$0x4] =	stream.indirect_vreg.gather [hbm4b:s30+s1], $0x80, v3, vm0, $0xb8;
	[tilespmem:$0x1C200] =	vst v63  }
0x51: {  	s19 =	simm.s32 $0x7200  }
0x52: {  	[tilespmem:s19], [sflag:$0x4] =	stream.indirect_vreg.gather [hbm4b:s31+s1], $0x80, v3, vm0, $0xb8;
	[tilespmem:$0x1C200] =	vst v63  }
0x53: {  	s3 =	simm.s32 $0x7A00  }
0x54: {  	[tilespmem:s3], [sflag:$0x4] =	stream.indirect_vreg.gather [hbm4b:s21+s1], $0x80, v3, vm0, $0xb8;
	[tilespmem:$0x1C200] =	vst v63  }
0x55: {  	v3 =	vld [tilespmem:$0x80];
	_ =	sdelay $0x4  }
0x56: {  	v4 =	vshll.u32 v3, $0x3  }
0x57: {  	v3 =	vand.u32 $0x7, v3;
	v4 =	vand.u32 $0xFFFFFFC0, v4  }
0x58: {  	v3 =	vor.u32 v3, v4  }
0x59: {  	v4 =	vperm.xlane v3, v0;
	_ =	sdelay $0x1  }
0x5a: {  	v4 =	vadd.s32 v1, v4;
	_ =	sdelay $0x3  }
0x5b: {  	s8 =	simm.s32 $0x8200  }
0x5c: {  	[tilespmem:s8], [sflag:$0x5] =	stream.indirect_vreg.gather [hbm4b:s24+s1], $0x80, v4, vm0, $0xb8;
	[tilespmem:$0x1C200] =	vst v63  }
0x5d: {  	s9 =	simm.s32 $0x8A00;
	v3 =	vperm.xlane v3, v2  }
0x5e: {  	[tilespmem:s9], [sflag:$0x5] =	stream.indirect_vreg.gather [hbm4b:s30+s1], $0x80, v4, vm0, $0xb8;
	[tilespmem:$0x1C200] =	vst v63  }
0x5f: {  	s10 =	simm.s32 $0x9200;
	v3 =	vadd.s32 v1, v3  }
0x60: {  	[tilespmem:s10], [sflag:$0x5] =	stream.indirect_vreg.gather [hbm4b:s31+s1], $0x80, v4, vm0, $0xb8;
	[tilespmem:$0x1C200] =	vst v63  }
0x61: {  	s11 =	simm.s32 $0x9A00  }
0x62: {  	[tilespmem:s11], [sflag:$0x5] =	stream.indirect_vreg.gather [hbm4b:s21+s1], $0x80, v4, vm0, $0xb8;
	[tilespmem:$0x1C200] =	vst v63  }
0x63: {  	s12 =	simm.s32 $0xA200  }
0x64: {  	[tilespmem:s12], [sflag:$0x5] =	stream.indirect_vreg.gather [hbm4b:s24+s1], $0x80, v3, vm0, $0xb8;
	[tilespmem:$0x1C200] =	vst v63  }
0x65: {  	s15 =	simm.s32 $0xAA00  }
0x66: {  	[tilespmem:s15], [sflag:$0x5] =	stream.indirect_vreg.gather [hbm4b:s30+s1], $0x80, v3, vm0, $0xb8;
	[tilespmem:$0x1C200] =	vst v63  }
0x67: {  	s19 =	simm.s32 $0xB200  }
0x68: {  	[tilespmem:s19], [sflag:$0x5] =	stream.indirect_vreg.gather [hbm4b:s31+s1], $0x80, v3, vm0, $0xb8;
	[tilespmem:$0x1C200] =	vst v63  }
0x69: {  	s3 =	simm.s32 $0xBA00  }
0x6a: {  	[tilespmem:s3], [sflag:$0x5] =	stream.indirect_vreg.gather [hbm4b:s21+s1], $0x80, v3, vm0, $0xb8;
	[tilespmem:$0x1C200] =	vst v63  }
0x6b: {  	v3 =	vld [tilespmem:$0x100];
	_ =	sdelay $0x4  }
0x6c: {  	v4 =	vshll.u32 v3, $0x3  }
0x6d: {  	v3 =	vand.u32 $0x7, v3;
	v4 =	vand.u32 $0xFFFFFFC0, v4  }
0x6e: {  	v3 =	vor.u32 v3, v4  }
0x6f: {  	v4 =	vperm.xlane v3, v0;
	_ =	sdelay $0x1  }
0x70: {  	v4 =	vadd.s32 v1, v4;
	_ =	sdelay $0x3  }
0x71: {  	s8 =	simm.s32 $0xC200  }
0x72: {  	[tilespmem:s8], [sflag:$0x6] =	stream.indirect_vreg.gather [hbm4b:s24+s1], $0x80, v4, vm0, $0xb8;
	[tilespmem:$0x1C200] =	vst v63  }
0x73: {  	s9 =	simm.s32 $0xCA00;
	v3 =	vperm.xlane v3, v2  }
0x74: {  	[tilespmem:s9], [sflag:$0x6] =	stream.indirect_vreg.gather [hbm4b:s30+s1], $0x80, v4, vm0, $0xb8;
	[tilespmem:$0x1C200] =	vst v63  }
0x75: {  	s10 =	simm.s32 $0xD200;
	v3 =	vadd.s32 v1, v3  }
0x76: {  	[tilespmem:s10], [sflag:$0x6] =	stream.indirect_vreg.gather [hbm4b:s31+s1], $0x80, v4, vm0, $0xb8;
	[tilespmem:$0x1C200] =	vst v63  }
0x77: {  	s11 =	simm.s32 $0xDA00  }
0x78: {  	[tilespmem:s11], [sflag:$0x6] =	stream.indirect_vreg.gather [hbm4b:s21+s1], $0x80, v4, vm0, $0xb8;
	[tilespmem:$0x1C200] =	vst v63  }
0x79: {  	s12 =	simm.s32 $0xE200  }
0x7a: {  	[tilespmem:s12], [sflag:$0x6] =	stream.indirect_vreg.gather [hbm4b:s24+s1], $0x80, v3, vm0, $0xb8;
	[tilespmem:$0x1C200] =	vst v63  }
0x7b: {  	s15 =	simm.s32 $0xEA00  }
0x7c: {  	[tilespmem:s15], [sflag:$0x6] =	stream.indirect_vreg.gather [hbm4b:s30+s1], $0x80, v3, vm0, $0xb8;
	[tilespmem:$0x1C200] =	vst v63  }
0x7d: {  	s19 =	simm.s32 $0xF200  }
0x7e: {  	[tilespmem:s19], [sflag:$0x6] =	stream.indirect_vreg.gather [hbm4b:s31+s1], $0x80, v3, vm0, $0xb8;
	[tilespmem:$0x1C200] =	vst v63  }
0x7f: {  	s3 =	simm.s32 $0xFA00  }
0x80: {  	[tilespmem:s3], [sflag:$0x6] =	stream.indirect_vreg.gather [hbm4b:s21+s1], $0x80, v3, vm0, $0xb8;
	[tilespmem:$0x1C200] =	vst v63  }
0x81: {  	v3 =	vld [tilespmem:$0x180];
	_ =	sdelay $0x4  }
0x82: {  	v4 =	vshll.u32 v3, $0x3  }
0x83: {  	v3 =	vand.u32 $0x7, v3;
	v4 =	vand.u32 $0xFFFFFFC0, v4  }
0x84: {  	v3 =	vor.u32 v3, v4  }
0x85: {  	v4 =	vperm.xlane v3, v0;
	_ =	sdelay $0x1  }
0x86: {  	v4 =	vadd.s32 v1, v4;
	_ =	sdelay $0x4  }
0x87: {  	[tilespmem:s5], [sflag:$0x7] =	stream.indirect_vreg.gather [hbm4b:s24+s1], $0x80, v4, vm0, $0xb8;
	[tilespmem:$0x1C200] =	vst v63  }
0x88: {  	v3 =	vperm.xlane v3, v2;
	s5 =	simm.s32 $0x10A00  }
0x89: {  	[tilespmem:s5], [sflag:$0x7] =	stream.indirect_vreg.gather [hbm4b:s30+s1], $0x80, v4, vm0, $0xb8;
	[tilespmem:$0x1C200] =	vst v63  }
0x8a: {  	s8 =	simm.s32 $0x11200;
	v3 =	vadd.s32 v1, v3  }
0x8b: {  	[tilespmem:s8], [sflag:$0x7] =	stream.indirect_vreg.gather [hbm4b:s31+s1], $0x80, v4, vm0, $0xb8;
	[tilespmem:$0x1C200] =	vst v63  }
0x8c: {  	s9 =	simm.s32 $0x11A00  }
0x8d: {  	[tilespmem:s9], [sflag:$0x7] =	stream.indirect_vreg.gather [hbm4b:s21+s1], $0x80, v4, vm0, $0xb8;
	[tilespmem:$0x1C200] =	vst v63  }
0x8e: {  	s10 =	simm.s32 $0x12200  }
0x8f: {  	[tilespmem:s10], [sflag:$0x7] =	stream.indirect_vreg.gather [hbm4b:s24+s1], $0x80, v3, vm0, $0xb8;
	[tilespmem:$0x1C200] =	vst v63  }
0x90: {  	s11 =	simm.s32 $0x12A00  }
0x91: {  	[tilespmem:s11], [sflag:$0x7] =	stream.indirect_vreg.gather [hbm4b:s30+s1], $0x80, v3, vm0, $0xb8;
	[tilespmem:$0x1C200] =	vst v63  }
0x92: {  	s12 =	simm.s32 $0x13200  }
0x93: {  	[tilespmem:s12], [sflag:$0x7] =	stream.indirect_vreg.gather [hbm4b:s31+s1], $0x80, v3, vm0, $0xb8;
	[tilespmem:$0x1C200] =	vst v63  }
0x94: {  	s15 =	simm.s32 $0x13A00  }
0x95: {  	[tilespmem:s15], [sflag:$0x7] =	stream.indirect_vreg.gather [hbm4b:s21+s1], $0x80, v3, vm0, $0xb8;
	[tilespmem:$0x1C200] =	vst v63  }
0x96: {  	v3 =	vld [tilespmem:$0x10];
	_ =	sdelay $0x4  }
0x97: {  	v4 =	vshll.u32 v3, $0x3  }
0x98: {  	v3 =	vand.u32 $0x7, v3;
	v4 =	vand.u32 $0xFFFFFFC0, v4  }
0x99: {  	v3 =	vor.u32 v3, v4  }
0x9a: {  	v4 =	vperm.xlane v3, v0;
	_ =	sdelay $0x1  }
0x9b: {  	v4 =	vadd.s32 v1, v4;
	_ =	sdelay $0x3  }
0x9c: {  	s19 =	simm.s32 $0x14200  }
0x9d: {  	[tilespmem:s19], [sflag:$0x8] =	stream.indirect_vreg.gather [hbm4b:s24+s1], $0x80, v4, vm0, $0xb8;
	[tilespmem:$0x1C200] =	vst v63  }
0x9e: {  	s3 =	simm.s32 $0x14A00;
	v3 =	vperm.xlane v3, v2  }
0x9f: {  	[tilespmem:s3], [sflag:$0x8] =	stream.indirect_vreg.gather [hbm4b:s30+s1], $0x80, v4, vm0, $0xb8;
	[tilespmem:$0x1C200] =	vst v63  }
0xa0: {  	s5 =	simm.s32 $0x15200;
	v3 =	vadd.s32 v1, v3  }
0xa1: {  	[tilespmem:s5], [sflag:$0x8] =	stream.indirect_vreg.gather [hbm4b:s31+s1], $0x80, v4, vm0, $0xb8;
	[tilespmem:$0x1C200] =	vst v63  }
0xa2: {  	s8 =	simm.s32 $0x15A00  }
0xa3: {  	[tilespmem:s8], [sflag:$0x8] =	stream.indirect_vreg.gather [hbm4b:s21+s1], $0x80, v4, vm0, $0xb8;
	[tilespmem:$0x1C200] =	vst v63  }
0xa4: {  	s9 =	simm.s32 $0x16200  }
0xa5: {  	[tilespmem:s9], [sflag:$0x8] =	stream.indirect_vreg.gather [hbm4b:s24+s1], $0x80, v3, vm0, $0xb8;
	[tilespmem:$0x1C200] =	vst v63  }
0xa6: {  	s10 =	simm.s32 $0x16A00  }
0xa7: {  	[tilespmem:s10], [sflag:$0x8] =	stream.indirect_vreg.gather [hbm4b:s30+s1], $0x80, v3, vm0, $0xb8;
	[tilespmem:$0x1C200] =	vst v63  }
0xa8: {  	s11 =	simm.s32 $0x17200  }
0xa9: {  	[tilespmem:s11], [sflag:$0x8] =	stream.indirect_vreg.gather [hbm4b:s31+s1], $0x80, v3, vm0, $0xb8;
	[tilespmem:$0x1C200] =	vst v63  }
0xaa: {  	s12 =	simm.s32 $0x17A00;
	s15 =	simm.s32 $0x2  }
0xab: {  	[tilespmem:s12], [sflag:$0x8] =	stream.indirect_vreg.gather [hbm4b:s21+s1], $0x80, v3, vm0, $0xb8;
	[tilespmem:$0x1C200] =	vst v63  }
0xac: {  	_ =	swait.ge [sflag:s15], $0x2000  }
0xad: {  	[sflag:s15] =	ssyncset.done $0x0  }
0xae: {  	[sflag:s15] =	ssyncadd.s32 $0xFFFFE000  }
0xaf: {  	_ =	swait.ge [sflag:s14], $0x4000  }
0xb0: {  	s19 =	simm.s32 $0x0;
	[sflag:s14] =	ssyncset.done $0x0  }
0xb1: {  	s3 =	sand.u32 $0x1F80, s19;
	[sflag:s14] =	ssyncadd.s32 $0xFFFFC000  }
0xb2: {  	v3 =	vld [tilespmem:s3+$0x270]  }
0xb3: {  	v4 =	vld [tilespmem:s3+$0x200]  }
0xb4: {  	s8 =	simm.s32 $0x0;
	v5 =	vld [tilespmem:s3+$0x210]  }
0xb5: {  	s8 =	sand.u32 $0x2000, s8;
	v6 =	vld [tilespmem:s3+$0x220]  }
0xb6: {  	s9 =	sand.u32 $0x1C00, s1;
	s10 =	sand.u32 $0x10, s1;
	s12 =	simm.s32 $0x0;
	v7 =	vld [tilespmem:s3+$0x230]  }
0xb7: {  	s8 =	sor.u32 s9, s8;
	s12 =	sand.u32 $0x380, s12;
	v8 =	vld [tilespmem:s3+$0x240];
	v3 =	vshra.s32 v3, s10  }
0xb8: {  	s9 =	sor.u32 s8, s12;
	v9 =	vld [tilespmem:s3+$0x250];
	v3 =	vunpack.i.l.bf16.f32 v3  }
0xb9: {  	v4 =	vshra.s32 v4, s10;
	[tilespmem:s9+$0x4270] =	vst.add.f32.msk $0xffff, v3  }
0xba: {  	v3 =	vunpack.i.l.bf16.f32 v4;
	v4 =	vshra.s32 v5, s10;
	v5 =	vld [tilespmem:s3+$0x260]  }
0xbb: {  	v6 =	vshra.s32 v6, s10;
	v4 =	vunpack.i.l.bf16.f32 v4;
	[tilespmem:s9+$0x4200] =	vst.add.f32.msk $0xffff, v3  }
0xbc: {  	v3 =	vunpack.i.l.bf16.f32 v6;
	v6 =	vshra.s32 v7, s10;
	[tilespmem:s9+$0x4210] =	vst.add.f32.msk $0xffff, v4  }
0xbd: {  	v4 =	vunpack.i.l.bf16.f32 v6;
	v6 =	vshra.s32 v8, s10;
	[tilespmem:s9+$0x4220] =	vst.add.f32.msk $0xffff, v3  }
0xbe: {  	s8 =	simm.s32 $0x0;
	s12 =	simm.s32 $0x0;
	v3 =	vshra.s32 v9, s10;
	v6 =	vunpack.i.l.bf16.f32 v6;
	[tilespmem:s9+$0x4230] =	vst.add.f32.msk $0xffff, v4  }
0xbf: {  	s15 =	simm.s32 $0x0;
	s3 =	simm.s32 $0x1;
	v3 =	vunpack.i.l.bf16.f32 v3;
	[tilespmem:s9+$0x4240] =	vst.add.f32.msk $0xffff, v6;
	v4 =	vshra.s32 v5, s10;
	s10 =	simm.s32 $0x80  }
.LBB2_2:
0xc0: {  	s5 =	sshrl.u32 s10, $0x1;
	[tilespmem:s9+$0x4250] =	vst.add.f32.msk $0xffff, v3;
	v3 =	vunpack.i.l.bf16.f32 v4  }
0xc1: {  	s5 =	sand.u32 $0x1F80, s5;
	[tilespmem:s9+$0x4260] =	vst.add.f32.msk $0xffff, v3  }
0xc2: {  	v3 =	vld [tilespmem:s5+$0x270]  }
0xc3: {  	v4 =	vld [tilespmem:s5+$0x200]  }
0xc4: {  	s8 =	sadd.s32 $0x8, s8;
	s12 =	sadd.s32 $0x10, s12;
	v5 =	vld [tilespmem:s5+$0x210]  }
0xc5: {  	s15 =	sadd.s32 $0x400, s15;
	s11 =	sand.u32 $0x10, s12;
	s9 =	sshll.u32 s8, $0x4;
	v6 =	vld [tilespmem:s5+$0x220]  }
0xc6: {  	s19 =	sand.u32 $0x1C00, s15;
	s2 =	sshll.u32 s8, $0x1;
	s9 =	sand.u32 $0x2000, s9;
	v7 =	vld [tilespmem:s5+$0x230]  }
0xc7: {  	p0 =	slt.u32 s8, $0x3F8;
	s2 =	sand.u32 $0x380, s2;
	s9 =	sor.u32 s19, s9;
	v8 =	vld [tilespmem:s5+$0x240];
	v3 =	vshra.s32 v3, s11  }
0xc8: {  	s9 =	sor.u32 s9, s2;
	v4 =	vshra.s32 v4, s11;
	v9 =	vld [tilespmem:s5+$0x250];
	v3 =	vunpack.i.l.bf16.f32 v3  }
0xc9: {  	s3 =	sadd.s32 $0x1, s3;
	v4 =	vunpack.i.l.bf16.f32 v4;
	v5 =	vshra.s32 v5, s11;
	[tilespmem:s9+$0x4270] =	vst.add.f32.msk $0xffff, v3  }
0xca: {  	v3 =	vunpack.i.l.bf16.f32 v5;
	v5 =	vshra.s32 v6, s11;
	v6 =	vld [tilespmem:s5+$0x260]  }
.Ltmp0:
0xcb: {  	[tilespmem:s9+$0x4200] =	vst.add.f32.msk $0xffff, v4;
	v4 =	vunpack.i.l.bf16.f32 v5;
	v5 =	vshra.s32 v7, s11;
	(pc) =	sbr.rel @p0 .LBB2_2-.Ltmp0, $4  }
0xcc: {  	[tilespmem:s9+$0x4210] =	vst.add.f32.msk $0xffff, v3;
	v3 =	vunpack.i.l.bf16.f32 v5;
	v5 =	vshra.s32 v8, s11  }
0xcd: {  	[tilespmem:s9+$0x4220] =	vst.add.f32.msk $0xffff, v4;
	v4 =	vunpack.i.l.bf16.f32 v5;
	v5 =	vshra.s32 v9, s11  }
0xce: {  	[tilespmem:s9+$0x4230] =	vst.add.f32.msk $0xffff, v3;
	v3 =	vunpack.i.l.bf16.f32 v5  }
0xcf: {  	s10 =	sadd.s32 $0x80, s10;
	[tilespmem:s9+$0x4240] =	vst.add.f32.msk $0xffff, v4;
	v4 =	vshra.s32 v6, s11  }
0xd0: {  	[tilespmem:s9+$0x4250] =	vst.add.f32.msk $0xffff, v3;
	v3 =	vunpack.i.l.bf16.f32 v4  }
0xd1: {  	[tilespmem:s9+$0x4260] =	vst.add.f32.msk $0xffff, v3  }
0xd2: {  	v3 =	vld [tilespmem:$0x90];
	_ =	sdelay $0x4  }
0xd3: {  	v4 =	vshll.u32 v3, $0x3  }
0xd4: {  	v3 =	vand.u32 $0x7, v3;
	v4 =	vand.u32 $0xFFFFFFC0, v4  }
0xd5: {  	v3 =	vor.u32 v3, v4  }
0xd6: {  	v4 =	vperm.xlane v3, v0;
	_ =	sdelay $0x1  }
0xd7: {  	v4 =	vadd.s32 v1, v4;
	_ =	sdelay $0x3  }
0xd8: {  	s8 =	simm.s32 $0x0;
	s2 =	simm.s32 $0x18200  }
0xd9: {  	[tilespmem:s2], [sflag:$0x9] =	stream.indirect_vreg.gather [hbm4b:s24+s8], $0x80, v4, vm0, $0xb8;
	[tilespmem:$0x1C200] =	vst v63  }
0xda: {  	s12 =	simm.s32 $0x18A00;
	v3 =	vperm.xlane v3, v2  }
0xdb: {  	[tilespmem:s12], [sflag:$0x9] =	stream.indirect_vreg.gather [hbm4b:s30+s8], $0x80, v4, vm0, $0xb8;
	[tilespmem:$0x1C200] =	vst v63  }
0xdc: {  	s15 =	simm.s32 $0x19200;
	v3 =	vadd.s32 v1, v3  }
0xdd: {  	[tilespmem:s15], [sflag:$0x9] =	stream.indirect_vreg.gather [hbm4b:s31+s8], $0x80, v4, vm0, $0xb8;
	[tilespmem:$0x1C200] =	vst v63  }
0xde: {  	s19 =	simm.s32 $0x19A00  }
0xdf: {  	[tilespmem:s19], [sflag:$0x9] =	stream.indirect_vreg.gather [hbm4b:s21+s8], $0x80, v4, vm0, $0xb8;
	[tilespmem:$0x1C200] =	vst v63  }
0xe0: {  	s3 =	simm.s32 $0x1A200  }
0xe1: {  	[tilespmem:s3], [sflag:$0x9] =	stream.indirect_vreg.gather [hbm4b:s24+s8], $0x80, v3, vm0, $0xb8;
	[tilespmem:$0x1C200] =	vst v63  }
0xe2: {  	s5 =	simm.s32 $0x1AA00  }
0xe3: {  	[tilespmem:s5], [sflag:$0x9] =	stream.indirect_vreg.gather [hbm4b:s30+s8], $0x80, v3, vm0, $0xb8;
	[tilespmem:$0x1C200] =	vst v63  }
0xe4: {  	s9 =	simm.s32 $0x1B200  }
0xe5: {  	[tilespmem:s9], [sflag:$0x9] =	stream.indirect_vreg.gather [hbm4b:s31+s8], $0x80, v3, vm0, $0xb8;
	[tilespmem:$0x1C200] =	vst v63  }
0xe6: {  	s10 =	simm.s32 $0x1BA00  }
0xe7: {  	[tilespmem:s10], [sflag:$0x9] =	stream.indirect_vreg.gather [hbm4b:s21+s8], $0x80, v3, vm0, $0xb8;
	[tilespmem:$0x1C200] =	vst v63  }
0xe8: {  	s11 =	rddreg [dreg:$0xa];
	s3 =	simm.s32 $0x4200  }
0xe9: {  	[hbm4b:s11+s8] =	stream.linear.scatter [tilespmem:s3], [sflag:$0xA], $0x4000, $0x38;
	[tilespmem:$0x1C200] =	vst v63  }
0xea: {  	_ =	swait.ge [sflag:s16], $0x4000  }
0xeb: {  	s12 =	simm.s32 $0x0;
	[sflag:s16] =	ssyncset.done $0x0  }
0xec: {  	s2 =	sand.u32 $0x1F80, s12;
	[sflag:s16] =	ssyncadd.s32 $0xFFFFC000  }
0xed: {  	v3 =	vld [tilespmem:s2+$0x270]  }
0xee: {  	v4 =	vld [tilespmem:s2+$0x200]  }
0xef: {  	v5 =	vld [tilespmem:s2+$0x210]  }
0xf0: {  	s15 =	simm.s32 $0x0;
	s19 =	sand.u32 $0x1C00, s8;
	v6 =	vld [tilespmem:s2+$0x220]  }
0xf1: {  	s5 =	sand.u32 $0x10, s8;
	s10 =	simm.s32 $0x0;
	s3 =	sand.u32 $0x2000, s15;
	v7 =	vld [tilespmem:s2+$0x230]  }
0xf2: {  	s10 =	sand.u32 $0x380, s10;
	s3 =	sor.u32 s19, s3;
	v8 =	vld [tilespmem:s2+$0x240];
	v3 =	vshra.s32 v3, s5  }
0xf3: {  	s10 =	sor.u32 s10, s3;
	v9 =	vld [tilespmem:s2+$0x250];
	v3 =	vunpack.i.l.bf16.f32 v3  }
0xf4: {  	v4 =	vshra.s32 v4, s5;
	[tilespmem:s10+$0x8270] =	vst.add.f32.msk $0xffff, v3  }
0xf5: {  	v3 =	vunpack.i.l.bf16.f32 v4;
	v4 =	vshra.s32 v5, s5;
	v5 =	vld [tilespmem:s2+$0x260]  }
0xf6: {  	v6 =	vshra.s32 v6, s5;
	v4 =	vunpack.i.l.bf16.f32 v4;
	[tilespmem:s10+$0x8200] =	vst.add.f32.msk $0xffff, v3  }
0xf7: {  	v3 =	vunpack.i.l.bf16.f32 v6;
	v6 =	vshra.s32 v7, s5;
	[tilespmem:s10+$0x8210] =	vst.add.f32.msk $0xffff, v4  }
0xf8: {  	v4 =	vunpack.i.l.bf16.f32 v6;
	v6 =	vshra.s32 v8, s5;
	[tilespmem:s10+$0x8220] =	vst.add.f32.msk $0xffff, v3  }
0xf9: {  	s12 =	simm.s32 $0x80;
	v3 =	vshra.s32 v9, s5;
	v6 =	vunpack.i.l.bf16.f32 v6;
	[tilespmem:s10+$0x8230] =	vst.add.f32.msk $0xffff, v4  }
0xfa: {  	s9 =	simm.s32 $0x1;
	s15 =	simm.s32 $0x0;
	s3 =	simm.s32 $0x0;
	v3 =	vunpack.i.l.bf16.f32 v3;
	[tilespmem:s10+$0x8240] =	vst.add.f32.msk $0xffff, v6;
	v4 =	vshra.s32 v5, s5  }
.LBB2_4:
0xfb: {  	s2 =	sshrl.u32 s12, $0x1;
	[tilespmem:s10+$0x8250] =	vst.add.f32.msk $0xffff, v3;
	v3 =	vunpack.i.l.bf16.f32 v4  }
0xfc: {  	s2 =	sand.u32 $0x1F80, s2;
	[tilespmem:s10+$0x8260] =	vst.add.f32.msk $0xffff, v3  }
0xfd: {  	v3 =	vld [tilespmem:s2+$0x270]  }
0xfe: {  	v4 =	vld [tilespmem:s2+$0x200]  }
0xff: {  	s3 =	sadd.s32 $0x8, s3;
	s8 =	sadd.s32 $0x10, s8;
	v5 =	vld [tilespmem:s2+$0x210]  }
0x100: {  	s15 =	sadd.s32 $0x400, s15;
	s5 =	sand.u32 $0x10, s8;
	s10 =	sshll.u32 s3, $0x4;
	v6 =	vld [tilespmem:s2+$0x220]  }
0x101: {  	s11 =	sand.u32 $0x1C00, s15;
	s19 =	sshll.u32 s3, $0x1;
	s10 =	sand.u32 $0x2000, s10;
	v7 =	vld [tilespmem:s2+$0x230]  }
0x102: {  	p0 =	slt.u32 s3, $0x3F8;
	s19 =	sand.u32 $0x380, s19;
	s10 =	sor.u32 s11, s10;
	v8 =	vld [tilespmem:s2+$0x240];
	v3 =	vshra.s32 v3, s5  }
0x103: {  	s10 =	sor.u32 s19, s10;
	v4 =	vshra.s32 v4, s5;
	v9 =	vld [tilespmem:s2+$0x250];
	v3 =	vunpack.i.l.bf16.f32 v3  }
0x104: {  	s9 =	sadd.s32 $0x1, s9;
	v4 =	vunpack.i.l.bf16.f32 v4;
	v5 =	vshra.s32 v5, s5;
	[tilespmem:s10+$0x8270] =	vst.add.f32.msk $0xffff, v3  }
0x105: {  	v3 =	vunpack.i.l.bf16.f32 v5;
	v5 =	vshra.s32 v6, s5;
	v6 =	vld [tilespmem:s2+$0x260]  }
.Ltmp1:
0x106: {  	[tilespmem:s10+$0x8200] =	vst.add.f32.msk $0xffff, v4;
	v4 =	vunpack.i.l.bf16.f32 v5;
	v5 =	vshra.s32 v7, s5;
	(pc) =	sbr.rel @p0 .LBB2_4-.Ltmp1, $4  }
0x107: {  	[tilespmem:s10+$0x8210] =	vst.add.f32.msk $0xffff, v3;
	v3 =	vunpack.i.l.bf16.f32 v5;
	v5 =	vshra.s32 v8, s5  }
0x108: {  	[tilespmem:s10+$0x8220] =	vst.add.f32.msk $0xffff, v4;
	v4 =	vunpack.i.l.bf16.f32 v5;
	v5 =	vshra.s32 v9, s5  }
0x109: {  	[tilespmem:s10+$0x8230] =	vst.add.f32.msk $0xffff, v3;
	v3 =	vunpack.i.l.bf16.f32 v5  }
0x10a: {  	s12 =	sadd.s32 $0x80, s12;
	[tilespmem:s10+$0x8240] =	vst.add.f32.msk $0xffff, v4;
	v4 =	vshra.s32 v6, s5  }
0x10b: {  	[tilespmem:s10+$0x8250] =	vst.add.f32.msk $0xffff, v3;
	v3 =	vunpack.i.l.bf16.f32 v4  }
0x10c: {  	[tilespmem:s10+$0x8260] =	vst.add.f32.msk $0xffff, v3  }
0x10d: {  	_ =	swait.ge [sflag:s17], $0x4000  }
0x10e: {  	[sflag:s17] =	ssyncset.done $0x0  }
0x10f: {  	[sflag:s17] =	ssyncadd.s32 $0xFFFFC000  }
0x110: {  	v3 =	vld [tilespmem:$0x110];
	_ =	sdelay $0x4  }
0x111: {  	v4 =	vshll.u32 v3, $0x3  }
0x112: {  	v3 =	vand.u32 $0x7, v3;
	v4 =	vand.u32 $0xFFFFFFC0, v4  }
0x113: {  	v3 =	vor.u32 v3, v4  }
0x114: {  	v4 =	vperm.xlane v3, v0;
	_ =	sdelay $0x1  }
0x115: {  	v4 =	vadd.s32 v1, v4;
	_ =	sdelay $0x3  }
0x116: {  	s8 =	simm.s32 $0x0;
	s2 =	simm.s32 $0x4200  }
0x117: {  	[tilespmem:s2], [sflag:$0x4] =	stream.indirect_vreg.gather [hbm4b:s24+s8], $0x80, v4, vm0, $0xb8;
	[tilespmem:$0x1C200] =	vst v63  }
0x118: {  	s12 =	simm.s32 $0x4A00;
	v3 =	vperm.xlane v3, v2  }
0x119: {  	[tilespmem:s12], [sflag:$0x4] =	stream.indirect_vreg.gather [hbm4b:s30+s8], $0x80, v4, vm0, $0xb8;
	[tilespmem:$0x1C200] =	vst v63  }
0x11a: {  	s15 =	simm.s32 $0x5200;
	v3 =	vadd.s32 v1, v3  }
0x11b: {  	[tilespmem:s15], [sflag:$0x4] =	stream.indirect_vreg.gather [hbm4b:s31+s8], $0x80, v4, vm0, $0xb8;
	[tilespmem:$0x1C200] =	vst v63  }
0x11c: {  	s19 =	simm.s32 $0x5A00  }
0x11d: {  	[tilespmem:s19], [sflag:$0x4] =	stream.indirect_vreg.gather [hbm4b:s21+s8], $0x80, v4, vm0, $0xb8;
	[tilespmem:$0x1C200] =	vst v63  }
0x11e: {  	s3 =	simm.s32 $0x6200  }
0x11f: {  	[tilespmem:s3], [sflag:$0x4] =	stream.indirect_vreg.gather [hbm4b:s24+s8], $0x80, v3, vm0, $0xb8;
	[tilespmem:$0x1C200] =	vst v63  }
0x120: {  	s5 =	simm.s32 $0x6A00  }
0x121: {  	[tilespmem:s5], [sflag:$0x4] =	stream.indirect_vreg.gather [hbm4b:s30+s8], $0x80, v3, vm0, $0xb8;
	[tilespmem:$0x1C200] =	vst v63  }
0x122: {  	s9 =	simm.s32 $0x7200  }
0x123: {  	[tilespmem:s9], [sflag:$0x4] =	stream.indirect_vreg.gather [hbm4b:s31+s8], $0x80, v3, vm0, $0xb8;
	[tilespmem:$0x1C200] =	vst v63  }
0x124: {  	s10 =	simm.s32 $0x7A00  }
0x125: {  	[tilespmem:s10], [sflag:$0x4] =	stream.indirect_vreg.gather [hbm4b:s21+s8], $0x80, v3, vm0, $0xb8;
	[tilespmem:$0x1C200] =	vst v63  }
0x126: {  	s11 =	rddreg [dreg:$0xb];
	s3 =	simm.s32 $0x8200  }
0x127: {  	[hbm4b:s11+s8] =	stream.linear.scatter [tilespmem:s3], [sflag:$0xB], $0x4000, $0x38;
	[tilespmem:$0x1C200] =	vst v63  }
0x128: {  	_ =	swait.ge [sflag:s18], $0x4000  }
0x129: {  	s12 =	simm.s32 $0x0;
	[sflag:s18] =	ssyncset.done $0x0  }
0x12a: {  	s2 =	sand.u32 $0x1F80, s12;
	[sflag:s18] =	ssyncadd.s32 $0xFFFFC000  }
0x12b: {  	v3 =	vld [tilespmem:s2+$0x270]  }
0x12c: {  	v4 =	vld [tilespmem:s2+$0x200]  }
0x12d: {  	v5 =	vld [tilespmem:s2+$0x210]  }
0x12e: {  	s15 =	simm.s32 $0x0;
	s19 =	simm.s32 $0x0;
	v6 =	vld [tilespmem:s2+$0x220]  }
0x12f: {  	s5 =	sand.u32 $0x10, s8;
	s9 =	sand.u32 $0x1C00, s8;
	s3 =	sand.u32 $0x2000, s15;
	v7 =	vld [tilespmem:s2+$0x230]  }
0x130: {  	s10 =	sand.u32 $0x380, s19;
	s3 =	sor.u32 s9, s3;
	v8 =	vld [tilespmem:s2+$0x240];
	v3 =	vshra.s32 v3, s5  }
0x131: {  	s10 =	sor.u32 s10, s3;
	v9 =	vld [tilespmem:s2+$0x250];
	v3 =	vunpack.i.l.bf16.f32 v3  }
0x132: {  	v4 =	vshra.s32 v4, s5;
	[tilespmem:s10+$0xC270] =	vst.add.f32.msk $0xffff, v3  }
0x133: {  	v3 =	vunpack.i.l.bf16.f32 v4;
	v4 =	vshra.s32 v5, s5;
	v5 =	vld [tilespmem:s2+$0x260]  }
0x134: {  	v6 =	vshra.s32 v6, s5;
	v4 =	vunpack.i.l.bf16.f32 v4;
	[tilespmem:s10+$0xC200] =	vst.add.f32.msk $0xffff, v3  }
0x135: {  	v3 =	vunpack.i.l.bf16.f32 v6;
	v6 =	vshra.s32 v7, s5;
	[tilespmem:s10+$0xC210] =	vst.add.f32.msk $0xffff, v4  }
0x136: {  	v4 =	vunpack.i.l.bf16.f32 v6;
	v6 =	vshra.s32 v8, s5;
	[tilespmem:s10+$0xC220] =	vst.add.f32.msk $0xffff, v3  }
0x137: {  	s12 =	simm.s32 $0x80;
	v3 =	vshra.s32 v9, s5;
	v6 =	vunpack.i.l.bf16.f32 v6;
	[tilespmem:s10+$0xC230] =	vst.add.f32.msk $0xffff, v4  }
0x138: {  	s15 =	simm.s32 $0x0;
	s9 =	simm.s32 $0x1;
	s3 =	simm.s32 $0x0;
	v3 =	vunpack.i.l.bf16.f32 v3;
	[tilespmem:s10+$0xC240] =	vst.add.f32.msk $0xffff, v6;
	v4 =	vshra.s32 v5, s5  }
.LBB2_6:
0x139: {  	s2 =	sshrl.u32 s12, $0x1;
	[tilespmem:s10+$0xC250] =	vst.add.f32.msk $0xffff, v3;
	v3 =	vunpack.i.l.bf16.f32 v4  }
0x13a: {  	s2 =	sand.u32 $0x1F80, s2;
	[tilespmem:s10+$0xC260] =	vst.add.f32.msk $0xffff, v3  }
0x13b: {  	v3 =	vld [tilespmem:s2+$0x270]  }
0x13c: {  	v4 =	vld [tilespmem:s2+$0x200]  }
0x13d: {  	s3 =	sadd.s32 $0x8, s3;
	s8 =	sadd.s32 $0x10, s8;
	v5 =	vld [tilespmem:s2+$0x210]  }
0x13e: {  	s15 =	sadd.s32 $0x400, s15;
	s5 =	sand.u32 $0x10, s8;
	s10 =	sshll.u32 s3, $0x4;
	v6 =	vld [tilespmem:s2+$0x220]  }
0x13f: {  	s11 =	sand.u32 $0x1C00, s15;
	s19 =	sshll.u32 s3, $0x1;
	s10 =	sand.u32 $0x2000, s10;
	v7 =	vld [tilespmem:s2+$0x230]  }
0x140: {  	p0 =	slt.u32 s3, $0x3F8;
	s19 =	sand.u32 $0x380, s19;
	s10 =	sor.u32 s11, s10;
	v8 =	vld [tilespmem:s2+$0x240];
	v3 =	vshra.s32 v3, s5  }
0x141: {  	s10 =	sor.u32 s19, s10;
	v4 =	vshra.s32 v4, s5;
	v9 =	vld [tilespmem:s2+$0x250];
	v3 =	vunpack.i.l.bf16.f32 v3  }
0x142: {  	s9 =	sadd.s32 $0x1, s9;
	v4 =	vunpack.i.l.bf16.f32 v4;
	v5 =	vshra.s32 v5, s5;
	[tilespmem:s10+$0xC270] =	vst.add.f32.msk $0xffff, v3  }
0x143: {  	v3 =	vunpack.i.l.bf16.f32 v5;
	v5 =	vshra.s32 v6, s5;
	v6 =	vld [tilespmem:s2+$0x260]  }
.Ltmp2:
0x144: {  	[tilespmem:s10+$0xC200] =	vst.add.f32.msk $0xffff, v4;
	v4 =	vunpack.i.l.bf16.f32 v5;
	v5 =	vshra.s32 v7, s5;
	(pc) =	sbr.rel @p0 .LBB2_6-.Ltmp2, $4  }
0x145: {  	[tilespmem:s10+$0xC210] =	vst.add.f32.msk $0xffff, v3;
	v3 =	vunpack.i.l.bf16.f32 v5;
	v5 =	vshra.s32 v8, s5  }
0x146: {  	[tilespmem:s10+$0xC220] =	vst.add.f32.msk $0xffff, v4;
	v4 =	vunpack.i.l.bf16.f32 v5;
	v5 =	vshra.s32 v9, s5  }
0x147: {  	[tilespmem:s10+$0xC230] =	vst.add.f32.msk $0xffff, v3;
	v3 =	vunpack.i.l.bf16.f32 v5  }
0x148: {  	s12 =	sadd.s32 $0x80, s12;
	[tilespmem:s10+$0xC240] =	vst.add.f32.msk $0xffff, v4;
	v4 =	vshra.s32 v6, s5  }
0x149: {  	[tilespmem:s10+$0xC250] =	vst.add.f32.msk $0xffff, v3;
	v3 =	vunpack.i.l.bf16.f32 v4  }
0x14a: {  	[tilespmem:s10+$0xC260] =	vst.add.f32.msk $0xffff, v3  }
0x14b: {  	_ =	swait.ge [sflag:s20], $0x4000  }
0x14c: {  	[sflag:s20] =	ssyncset.done $0x0  }
0x14d: {  	[sflag:s20] =	ssyncadd.s32 $0xFFFFC000  }
0x14e: {  	v3 =	vld [tilespmem:$0x190];
	_ =	sdelay $0x4  }
0x14f: {  	v4 =	vshll.u32 v3, $0x3  }
0x150: {  	v3 =	vand.u32 $0x7, v3;
	v4 =	vand.u32 $0xFFFFFFC0, v4  }
0x151: {  	v3 =	vor.u32 v3, v4  }
0x152: {  	v4 =	vperm.xlane v3, v0;
	_ =	sdelay $0x1  }
0x153: {  	v4 =	vadd.s32 v1, v4;
	_ =	sdelay $0x3  }
0x154: {  	s8 =	simm.s32 $0x0;
	s2 =	simm.s32 $0x8200  }
0x155: {  	[tilespmem:s2], [sflag:$0x5] =	stream.indirect_vreg.gather [hbm4b:s24+s8], $0x80, v4, vm0, $0xb8;
	[tilespmem:$0x1C200] =	vst v63  }
0x156: {  	s15 =	simm.s32 $0x8A00;
	v3 =	vperm.xlane v3, v2  }
0x157: {  	[tilespmem:s15], [sflag:$0x5] =	stream.indirect_vreg.gather [hbm4b:s30+s8], $0x80, v4, vm0, $0xb8;
	[tilespmem:$0x1C200] =	vst v63  }
0x158: {  	s19 =	simm.s32 $0x9200;
	v3 =	vadd.s32 v1, v3  }
0x159: {  	[tilespmem:s19], [sflag:$0x5] =	stream.indirect_vreg.gather [hbm4b:s31+s8], $0x80, v4, vm0, $0xb8;
	[tilespmem:$0x1C200] =	vst v63  }
0x15a: {  	s3 =	simm.s32 $0x9A00  }
0x15b: {  	[tilespmem:s3], [sflag:$0x5] =	stream.indirect_vreg.gather [hbm4b:s21+s8], $0x80, v4, vm0, $0xb8;
	[tilespmem:$0x1C200] =	vst v63  }
0x15c: {  	s5 =	simm.s32 $0xA200  }
0x15d: {  	[tilespmem:s5], [sflag:$0x5] =	stream.indirect_vreg.gather [hbm4b:s24+s8], $0x80, v3, vm0, $0xb8;
	[tilespmem:$0x1C200] =	vst v63  }
0x15e: {  	s9 =	simm.s32 $0xAA00  }
0x15f: {  	[tilespmem:s9], [sflag:$0x5] =	stream.indirect_vreg.gather [hbm4b:s30+s8], $0x80, v3, vm0, $0xb8;
	[tilespmem:$0x1C200] =	vst v63  }
0x160: {  	s10 =	simm.s32 $0xB200  }
0x161: {  	[tilespmem:s10], [sflag:$0x5] =	stream.indirect_vreg.gather [hbm4b:s31+s8], $0x80, v3, vm0, $0xb8;
	[tilespmem:$0x1C200] =	vst v63  }
0x162: {  	s11 =	simm.s32 $0xBA00  }
0x163: {  	[tilespmem:s11], [sflag:$0x5] =	stream.indirect_vreg.gather [hbm4b:s21+s8], $0x80, v3, vm0, $0xb8;
	[tilespmem:$0x1C200] =	vst v63  }
0x164: {  	s12 =	rddreg [dreg:$0xc];
	s3 =	simm.s32 $0xC200  }
0x165: {  	[hbm4b:s12+s8] =	stream.linear.scatter [tilespmem:s3], [sflag:$0xC], $0x4000, $0x38;
	[tilespmem:$0x1C200] =	vst v63  }
0x166: {  	_ =	swait.ge [sflag:s22], $0x4000  }
0x167: {  	s15 =	simm.s32 $0x0;
	[sflag:s22] =	ssyncset.done $0x0  }
0x168: {  	s2 =	sand.u32 $0x1F80, s15;
	[sflag:s22] =	ssyncadd.s32 $0xFFFFC000  }
0x169: {  	v3 =	vld [tilespmem:s2+$0x270]  }
0x16a: {  	v4 =	vld [tilespmem:s2+$0x200]  }
0x16b: {  	s19 =	simm.s32 $0x0;
	v5 =	vld [tilespmem:s2+$0x210]  }
0x16c: {  	s5 =	sand.u32 $0x1C00, s8;
	s9 =	simm.s32 $0x0;
	s3 =	sand.u32 $0x2000, s19;
	v6 =	vld [tilespmem:s2+$0x220]  }
0x16d: {  	s9 =	sand.u32 $0x380, s9;
	s11 =	sand.u32 $0x10, s8;
	s3 =	sor.u32 s5, s3;
	v7 =	vld [tilespmem:s2+$0x230]  }
0x16e: {  	s3 =	sor.u32 s9, s3;
	v8 =	vld [tilespmem:s2+$0x240];
	v3 =	vshra.s32 v3, s11  }
0x16f: {  	s10 =	sadd.s32 $0x4200, s3;
	v9 =	vld [tilespmem:s2+$0x250];
	v3 =	vunpack.i.l.bf16.f32 v3  }
0x170: {  	v4 =	vshra.s32 v4, s11;
	[tilespmem:s10+$0xC070] =	vst.add.f32.msk $0xffff, v3  }
0x171: {  	v3 =	vunpack.i.l.bf16.f32 v4;
	v4 =	vshra.s32 v5, s11;
	v5 =	vld [tilespmem:s2+$0x260]  }
0x172: {  	v6 =	vshra.s32 v6, s11;
	v4 =	vunpack.i.l.bf16.f32 v4;
	[tilespmem:s3+$0x10200] =	vst.add.f32.msk $0xffff, v3  }
0x173: {  	v3 =	vunpack.i.l.bf16.f32 v6;
	v6 =	vshra.s32 v7, s11;
	[tilespmem:s10+$0xC010] =	vst.add.f32.msk $0xffff, v4  }
0x174: {  	v4 =	vunpack.i.l.bf16.f32 v6;
	v6 =	vshra.s32 v8, s11;
	[tilespmem:s10+$0xC020] =	vst.add.f32.msk $0xffff, v3  }
0x175: {  	s15 =	simm.s32 $0x0;
	v3 =	vshra.s32 v9, s11;
	v6 =	vunpack.i.l.bf16.f32 v6;
	[tilespmem:s10+$0xC030] =	vst.add.f32.msk $0xffff, v4  }
0x176: {  	s12 =	simm.s32 $0x80;
	s9 =	simm.s32 $0x1;
	s3 =	simm.s32 $0x0;
	v3 =	vunpack.i.l.bf16.f32 v3;
	[tilespmem:s10+$0xC040] =	vst.add.f32.msk $0xffff, v6;
	v4 =	vshra.s32 v5, s11  }
.LBB2_8:
0x177: {  	s2 =	sshrl.u32 s12, $0x1;
	[tilespmem:s10+$0xC050] =	vst.add.f32.msk $0xffff, v3;
	v3 =	vunpack.i.l.bf16.f32 v4  }
0x178: {  	s2 =	sand.u32 $0x1F80, s2;
	[tilespmem:s10+$0xC060] =	vst.add.f32.msk $0xffff, v3  }
0x179: {  	v3 =	vld [tilespmem:s2+$0x270]  }
0x17a: {  	s3 =	sadd.s32 $0x8, s3;
	v4 =	vld [tilespmem:s2+$0x200]  }
0x17b: {  	s8 =	sadd.s32 $0x400, s8;
	s15 =	sadd.s32 $0x10, s15;
	s5 =	sshll.u32 s3, $0x4;
	v5 =	vld [tilespmem:s2+$0x210]  }
0x17c: {  	s10 =	sand.u32 $0x1C00, s8;
	s11 =	sshll.u32 s3, $0x1;
	s5 =	sand.u32 $0x2000, s5;
	v6 =	vld [tilespmem:s2+$0x220]  }
0x17d: {  	s19 =	sand.u32 $0x10, s15;
	s11 =	sand.u32 $0x380, s11;
	s5 =	sor.u32 s10, s5;
	v7 =	vld [tilespmem:s2+$0x230]  }
0x17e: {  	p0 =	slt.u32 s3, $0x3F8;
	s5 =	sor.u32 s11, s5;
	v8 =	vld [tilespmem:s2+$0x240];
	v3 =	vshra.s32 v3, s19  }
0x17f: {  	s10 =	sadd.s32 $0x4200, s5;
	v4 =	vshra.s32 v4, s19;
	v9 =	vld [tilespmem:s2+$0x250];
	v3 =	vunpack.i.l.bf16.f32 v3  }
0x180: {  	s9 =	sadd.s32 $0x1, s9;
	v4 =	vunpack.i.l.bf16.f32 v4;
	v5 =	vshra.s32 v5, s19;
	[tilespmem:s10+$0xC070] =	vst.add.f32.msk $0xffff, v3  }
0x181: {  	v3 =	vunpack.i.l.bf16.f32 v5;
	v5 =	vshra.s32 v6, s19;
	v6 =	vld [tilespmem:s2+$0x260]  }
.Ltmp3:
0x182: {  	[tilespmem:s5+$0x10200] =	vst.add.f32.msk $0xffff, v4;
	v4 =	vunpack.i.l.bf16.f32 v5;
	v5 =	vshra.s32 v7, s19;
	(pc) =	sbr.rel @p0 .LBB2_8-.Ltmp3, $4  }
0x183: {  	[tilespmem:s10+$0xC010] =	vst.add.f32.msk $0xffff, v3;
	v3 =	vunpack.i.l.bf16.f32 v5;
	v5 =	vshra.s32 v8, s19  }
0x184: {  	[tilespmem:s10+$0xC020] =	vst.add.f32.msk $0xffff, v4;
	v4 =	vunpack.i.l.bf16.f32 v5;
	v5 =	vshra.s32 v9, s19  }
0x185: {  	[tilespmem:s10+$0xC030] =	vst.add.f32.msk $0xffff, v3;
	v3 =	vunpack.i.l.bf16.f32 v5  }
0x186: {  	s12 =	sadd.s32 $0x80, s12;
	[tilespmem:s10+$0xC040] =	vst.add.f32.msk $0xffff, v4;
	v4 =	vshra.s32 v6, s19  }
0x187: {  	[tilespmem:s10+$0xC050] =	vst.add.f32.msk $0xffff, v3;
	v3 =	vunpack.i.l.bf16.f32 v4  }
0x188: {  	[tilespmem:s10+$0xC060] =	vst.add.f32.msk $0xffff, v3  }
0x189: {  	_ =	swait.ge [sflag:s23], $0x4000  }
0x18a: {  	[sflag:s23] =	ssyncset.done $0x0  }
0x18b: {  	[sflag:s23] =	ssyncadd.s32 $0xFFFFC000  }
0x18c: {  	v3 =	vld [tilespmem:$0x20];
	_ =	sdelay $0x4  }
0x18d: {  	v4 =	vshll.u32 v3, $0x3  }
0x18e: {  	v3 =	vand.u32 $0x7, v3;
	v4 =	vand.u32 $0xFFFFFFC0, v4  }
0x18f: {  	v3 =	vor.u32 v3, v4  }
0x190: {  	v4 =	vperm.xlane v3, v0;
	_ =	sdelay $0x1  }
0x191: {  	v4 =	vadd.s32 v1, v4;
	_ =	sdelay $0x3  }
0x192: {  	s8 =	simm.s32 $0x0;
	s2 =	simm.s32 $0xC200  }
0x193: {  	[tilespmem:s2], [sflag:$0x6] =	stream.indirect_vreg.gather [hbm4b:s24+s8], $0x80, v4, vm0, $0xb8;
	[tilespmem:$0x1C200] =	vst v63  }
0x194: {  	s11 =	simm.s32 $0xCA00;
	v3 =	vperm.xlane v3, v2  }
0x195: {  	[tilespmem:s11], [sflag:$0x6] =	stream.indirect_vreg.gather [hbm4b:s30+s8], $0x80, v4, vm0, $0xb8;
	[tilespmem:$0x1C200] =	vst v63  }
0x196: {  	s12 =	simm.s32 $0xD200;
	v3 =	vadd.s32 v1, v3  }
0x197: {  	[tilespmem:s12], [sflag:$0x6] =	stream.indirect_vreg.gather [hbm4b:s31+s8], $0x80, v4, vm0, $0xb8;
	[tilespmem:$0x1C200] =	vst v63  }
0x198: {  	s15 =	simm.s32 $0xDA00  }
0x199: {  	[tilespmem:s15], [sflag:$0x6] =	stream.indirect_vreg.gather [hbm4b:s21+s8], $0x80, v4, vm0, $0xb8;
	[tilespmem:$0x1C200] =	vst v63  }
0x19a: {  	s19 =	simm.s32 $0xE200  }
0x19b: {  	[tilespmem:s19], [sflag:$0x6] =	stream.indirect_vreg.gather [hbm4b:s24+s8], $0x80, v3, vm0, $0xb8;
	[tilespmem:$0x1C200] =	vst v63  }
0x19c: {  	s3 =	simm.s32 $0xEA00  }
0x19d: {  	[tilespmem:s3], [sflag:$0x6] =	stream.indirect_vreg.gather [hbm4b:s30+s8], $0x80, v3, vm0, $0xb8;
	[tilespmem:$0x1C200] =	vst v63  }
0x19e: {  	s5 =	simm.s32 $0xF200  }
0x19f: {  	[tilespmem:s5], [sflag:$0x6] =	stream.indirect_vreg.gather [hbm4b:s31+s8], $0x80, v3, vm0, $0xb8;
	[tilespmem:$0x1C200] =	vst v63  }
0x1a0: {  	s9 =	simm.s32 $0xFA00  }
0x1a1: {  	[tilespmem:s9], [sflag:$0x6] =	stream.indirect_vreg.gather [hbm4b:s21+s8], $0x80, v3, vm0, $0xb8;
	[tilespmem:$0x1C200] =	vst v63  }
0x1a2: {  	s10 =	rddreg [dreg:$0xd];
	s3 =	simm.s32 $0x200  }
0x1a3: {  	[tilespmem:s3], [sflag:$0x2] =	stream.linear.gather [hbm4b:s10+s8], $0x2000, $0x38;
	[tilespmem:$0x1C200] =	vst v63  }
0x1a4: {  	s11 =	rddreg [dreg:$0xe]  }
0x1a5: {  	[hbm4b:s11+s8] =	stream.linear.scatter [tilespmem:s13], [sflag:$0xD], $0x4000, $0x38;
	[tilespmem:$0x1C200] =	vst v63  }
0x1a6: {  	_ =	swait.ge [sflag:s25], $0x2000  }
0x1a7: {  	[sflag:s25] =	ssyncset.done $0x0  }
0x1a8: {  	[sflag:s25] =	ssyncadd.s32 $0xFFFFE000  }
0x1a9: {  	_ =	swait.ge [sflag:s26], $0x4000  }
0x1aa: {  	s12 =	simm.s32 $0x0;
	[sflag:s26] =	ssyncset.done $0x0  }
0x1ab: {  	s2 =	sand.u32 $0x1F80, s12;
	[sflag:s26] =	ssyncadd.s32 $0xFFFFC000  }
0x1ac: {  	v3 =	vld [tilespmem:s2+$0x2270]  }
0x1ad: {  	v4 =	vld [tilespmem:s2+$0x2200]  }
0x1ae: {  	v5 =	vld [tilespmem:s2+$0x2210]  }
0x1af: {  	s15 =	simm.s32 $0x0;
	s19 =	simm.s32 $0x0;
	v6 =	vld [tilespmem:s2+$0x2220]  }
0x1b0: {  	s5 =	sand.u32 $0x10, s8;
	s9 =	sand.u32 $0x1C00, s8;
	s3 =	sand.u32 $0x2000, s15;
	v7 =	vld [tilespmem:s2+$0x2230]  }
0x1b1: {  	s10 =	sand.u32 $0x380, s19;
	s3 =	sor.u32 s9, s3;
	v8 =	vld [tilespmem:s2+$0x2240];
	v3 =	vshra.s32 v3, s5  }
0x1b2: {  	s10 =	sor.u32 s10, s3;
	v9 =	vld [tilespmem:s2+$0x2250];
	v3 =	vunpack.i.l.bf16.f32 v3  }
0x1b3: {  	v4 =	vshra.s32 v4, s5;
	[tilespmem:s10+$0x14270] =	vst.add.f32.msk $0xffff, v3  }
0x1b4: {  	v3 =	vunpack.i.l.bf16.f32 v4;
	v4 =	vshra.s32 v5, s5;
	v5 =	vld [tilespmem:s2+$0x2260]  }
0x1b5: {  	v6 =	vshra.s32 v6, s5;
	v4 =	vunpack.i.l.bf16.f32 v4;
	[tilespmem:s10+$0x14200] =	vst.add.f32.msk $0xffff, v3  }
0x1b6: {  	v3 =	vunpack.i.l.bf16.f32 v6;
	v6 =	vshra.s32 v7, s5;
	[tilespmem:s10+$0x14210] =	vst.add.f32.msk $0xffff, v4  }
0x1b7: {  	v4 =	vunpack.i.l.bf16.f32 v6;
	v6 =	vshra.s32 v8, s5;
	[tilespmem:s10+$0x14220] =	vst.add.f32.msk $0xffff, v3  }
0x1b8: {  	s12 =	simm.s32 $0x80;
	v3 =	vshra.s32 v9, s5;
	v6 =	vunpack.i.l.bf16.f32 v6;
	[tilespmem:s10+$0x14230] =	vst.add.f32.msk $0xffff, v4  }
0x1b9: {  	s15 =	simm.s32 $0x0;
	s9 =	simm.s32 $0x1;
	s3 =	simm.s32 $0x0;
	v3 =	vunpack.i.l.bf16.f32 v3;
	[tilespmem:s10+$0x14240] =	vst.add.f32.msk $0xffff, v6;
	v4 =	vshra.s32 v5, s5  }
.LBB2_10:
0x1ba: {  	s2 =	sshrl.u32 s12, $0x1;
	[tilespmem:s10+$0x14250] =	vst.add.f32.msk $0xffff, v3;
	v3 =	vunpack.i.l.bf16.f32 v4  }
0x1bb: {  	s2 =	sand.u32 $0x1F80, s2;
	[tilespmem:s10+$0x14260] =	vst.add.f32.msk $0xffff, v3  }
0x1bc: {  	v3 =	vld [tilespmem:s2+$0x2270]  }
0x1bd: {  	v4 =	vld [tilespmem:s2+$0x2200]  }
0x1be: {  	s3 =	sadd.s32 $0x8, s3;
	s8 =	sadd.s32 $0x10, s8;
	v5 =	vld [tilespmem:s2+$0x2210]  }
0x1bf: {  	s15 =	sadd.s32 $0x400, s15;
	s5 =	sand.u32 $0x10, s8;
	s10 =	sshll.u32 s3, $0x4;
	v6 =	vld [tilespmem:s2+$0x2220]  }
0x1c0: {  	s11 =	sand.u32 $0x1C00, s15;
	s19 =	sshll.u32 s3, $0x1;
	s10 =	sand.u32 $0x2000, s10;
	v7 =	vld [tilespmem:s2+$0x2230]  }
0x1c1: {  	p0 =	slt.u32 s3, $0x3F8;
	s19 =	sand.u32 $0x380, s19;
	s10 =	sor.u32 s11, s10;
	v8 =	vld [tilespmem:s2+$0x2240];
	v3 =	vshra.s32 v3, s5  }
0x1c2: {  	s10 =	sor.u32 s19, s10;
	v4 =	vshra.s32 v4, s5;
	v9 =	vld [tilespmem:s2+$0x2250];
	v3 =	vunpack.i.l.bf16.f32 v3  }
0x1c3: {  	s9 =	sadd.s32 $0x1, s9;
	v4 =	vunpack.i.l.bf16.f32 v4;
	v5 =	vshra.s32 v5, s5;
	[tilespmem:s10+$0x14270] =	vst.add.f32.msk $0xffff, v3  }
0x1c4: {  	v3 =	vunpack.i.l.bf16.f32 v5;
	v5 =	vshra.s32 v6, s5;
	v6 =	vld [tilespmem:s2+$0x2260]  }
.Ltmp4:
0x1c5: {  	[tilespmem:s10+$0x14200] =	vst.add.f32.msk $0xffff, v4;
	v4 =	vunpack.i.l.bf16.f32 v5;
	v5 =	vshra.s32 v7, s5;
	(pc) =	sbr.rel @p0 .LBB2_10-.Ltmp4, $4  }
0x1c6: {  	[tilespmem:s10+$0x14210] =	vst.add.f32.msk $0xffff, v3;
	v3 =	vunpack.i.l.bf16.f32 v5;
	v5 =	vshra.s32 v8, s5  }
0x1c7: {  	[tilespmem:s10+$0x14220] =	vst.add.f32.msk $0xffff, v4;
	v4 =	vunpack.i.l.bf16.f32 v5;
	v5 =	vshra.s32 v9, s5  }
0x1c8: {  	[tilespmem:s10+$0x14230] =	vst.add.f32.msk $0xffff, v3;
	v3 =	vunpack.i.l.bf16.f32 v5  }
0x1c9: {  	s12 =	sadd.s32 $0x80, s12;
	[tilespmem:s10+$0x14240] =	vst.add.f32.msk $0xffff, v4;
	v4 =	vshra.s32 v6, s5  }
0x1ca: {  	[tilespmem:s10+$0x14250] =	vst.add.f32.msk $0xffff, v3;
	v3 =	vunpack.i.l.bf16.f32 v4  }
0x1cb: {  	[tilespmem:s10+$0x14260] =	vst.add.f32.msk $0xffff, v3  }
0x1cc: {  	_ =	swait.ge [sflag:s28], $0x4000  }
0x1cd: {  	[sflag:s28] =	ssyncset.done $0x0  }
0x1ce: {  	[sflag:s28] =	ssyncadd.s32 $0xFFFFC000  }
0x1cf: {  	v3 =	vld [tilespmem:$0xA0];
	_ =	sdelay $0x4  }
0x1d0: {  	v4 =	vshll.u32 v3, $0x3  }
0x1d1: {  	v3 =	vand.u32 $0x7, v3;
	v4 =	vand.u32 $0xFFFFFFC0, v4  }
0x1d2: {  	v3 =	vor.u32 v3, v4  }
0x1d3: {  	v4 =	vperm.xlane v3, v0;
	_ =	sdelay $0x1  }
0x1d4: {  	v4 =	vadd.s32 v1, v4;
	_ =	sdelay $0x3  }
0x1d5: {  	s8 =	simm.s32 $0x0  }
0x1d6: {  	[tilespmem:s13], [sflag:$0x7] =	stream.indirect_vreg.gather [hbm4b:s24+s8], $0x80, v4, vm0, $0xb8;
	[tilespmem:$0x1C200] =	vst v63  }
0x1d7: {  	s2 =	simm.s32 $0x10A00;
	v3 =	vperm.xlane v3, v2  }
0x1d8: {  	[tilespmem:s2], [sflag:$0x7] =	stream.indirect_vreg.gather [hbm4b:s30+s8], $0x80, v4, vm0, $0xb8;
	[tilespmem:$0x1C200] =	vst v63  }
0x1d9: {  	s15 =	simm.s32 $0x11200;
	v3 =	vadd.s32 v1, v3  }
0x1da: {  	[tilespmem:s15], [sflag:$0x7] =	stream.indirect_vreg.gather [hbm4b:s31+s8], $0x80, v4, vm0, $0xb8;
	[tilespmem:$0x1C200] =	vst v63  }
0x1db: {  	s19 =	simm.s32 $0x11A00  }
0x1dc: {  	[tilespmem:s19], [sflag:$0x7] =	stream.indirect_vreg.gather [hbm4b:s21+s8], $0x80, v4, vm0, $0xb8;
	[tilespmem:$0x1C200] =	vst v63  }
0x1dd: {  	s3 =	simm.s32 $0x12200  }
0x1de: {  	[tilespmem:s3], [sflag:$0x7] =	stream.indirect_vreg.gather [hbm4b:s24+s8], $0x80, v3, vm0, $0xb8;
	[tilespmem:$0x1C200] =	vst v63  }
0x1df: {  	s5 =	simm.s32 $0x12A00  }
0x1e0: {  	[tilespmem:s5], [sflag:$0x7] =	stream.indirect_vreg.gather [hbm4b:s30+s8], $0x80, v3, vm0, $0xb8;
	[tilespmem:$0x1C200] =	vst v63  }
0x1e1: {  	s9 =	simm.s32 $0x13200  }
0x1e2: {  	[tilespmem:s9], [sflag:$0x7] =	stream.indirect_vreg.gather [hbm4b:s31+s8], $0x80, v3, vm0, $0xb8;
	[tilespmem:$0x1C200] =	vst v63  }
0x1e3: {  	s10 =	simm.s32 $0x13A00  }
0x1e4: {  	[tilespmem:s10], [sflag:$0x7] =	stream.indirect_vreg.gather [hbm4b:s21+s8], $0x80, v3, vm0, $0xb8;
	[tilespmem:$0x1C200] =	vst v63  }
0x1e5: {  	s11 =	rddreg [dreg:$0xf];
	s3 =	simm.s32 $0x14200  }
0x1e6: {  	[hbm4b:s11+s8] =	stream.linear.scatter [tilespmem:s3], [sflag:$0xE], $0x4000, $0x38;
	[tilespmem:$0x1C200] =	vst v63  }
0x1e7: {  	_ =	swait.ge [sflag:s29], $0x4000  }
0x1e8: {  	s12 =	simm.s32 $0x0;
	[sflag:s29] =	ssyncset.done $0x0  }
0x1e9: {  	s2 =	sand.u32 $0x1F80, s12;
	[sflag:s29] =	ssyncadd.s32 $0xFFFFC000  }
0x1ea: {  	v3 =	vld [tilespmem:s2+$0x2270]  }
0x1eb: {  	v4 =	vld [tilespmem:s2+$0x2200]  }
0x1ec: {  	v5 =	vld [tilespmem:s2+$0x2210]  }
0x1ed: {  	s15 =	simm.s32 $0x0;
	s19 =	simm.s32 $0x0;
	v6 =	vld [tilespmem:s2+$0x2220]  }
0x1ee: {  	s5 =	sand.u32 $0x10, s8;
	s9 =	sand.u32 $0x1C00, s8;
	s3 =	sand.u32 $0x2000, s15;
	v7 =	vld [tilespmem:s2+$0x2230]  }
0x1ef: {  	s10 =	sand.u32 $0x380, s19;
	s3 =	sor.u32 s9, s3;
	v8 =	vld [tilespmem:s2+$0x2240];
	v3 =	vshra.s32 v3, s5  }
0x1f0: {  	s10 =	sor.u32 s10, s3;
	v9 =	vld [tilespmem:s2+$0x2250];
	v3 =	vunpack.i.l.bf16.f32 v3  }
0x1f1: {  	v4 =	vshra.s32 v4, s5;
	[tilespmem:s10+$0x18270] =	vst.add.f32.msk $0xffff, v3  }
0x1f2: {  	v3 =	vunpack.i.l.bf16.f32 v4;
	v4 =	vshra.s32 v5, s5;
	v5 =	vld [tilespmem:s2+$0x2260]  }
0x1f3: {  	v6 =	vshra.s32 v6, s5;
	v4 =	vunpack.i.l.bf16.f32 v4;
	[tilespmem:s10+$0x18200] =	vst.add.f32.msk $0xffff, v3  }
0x1f4: {  	v3 =	vunpack.i.l.bf16.f32 v6;
	v6 =	vshra.s32 v7, s5;
	[tilespmem:s10+$0x18210] =	vst.add.f32.msk $0xffff, v4  }
0x1f5: {  	v4 =	vunpack.i.l.bf16.f32 v6;
	v6 =	vshra.s32 v8, s5;
	[tilespmem:s10+$0x18220] =	vst.add.f32.msk $0xffff, v3  }
0x1f6: {  	s12 =	simm.s32 $0x80;
	v3 =	vshra.s32 v9, s5;
	v6 =	vunpack.i.l.bf16.f32 v6;
	[tilespmem:s10+$0x18230] =	vst.add.f32.msk $0xffff, v4  }
0x1f7: {  	s15 =	simm.s32 $0x0;
	s9 =	simm.s32 $0x1;
	s3 =	simm.s32 $0x0;
	v3 =	vunpack.i.l.bf16.f32 v3;
	[tilespmem:s10+$0x18240] =	vst.add.f32.msk $0xffff, v6;
	v4 =	vshra.s32 v5, s5  }
.LBB2_12:
0x1f8: {  	s2 =	sshrl.u32 s12, $0x1;
	[tilespmem:s10+$0x18250] =	vst.add.f32.msk $0xffff, v3;
	v3 =	vunpack.i.l.bf16.f32 v4  }
0x1f9: {  	s2 =	sand.u32 $0x1F80, s2;
	[tilespmem:s10+$0x18260] =	vst.add.f32.msk $0xffff, v3  }
0x1fa: {  	v3 =	vld [tilespmem:s2+$0x2270]  }
0x1fb: {  	v4 =	vld [tilespmem:s2+$0x2200]  }
0x1fc: {  	s3 =	sadd.s32 $0x8, s3;
	s8 =	sadd.s32 $0x10, s8;
	v5 =	vld [tilespmem:s2+$0x2210]  }
0x1fd: {  	s15 =	sadd.s32 $0x400, s15;
	s5 =	sand.u32 $0x10, s8;
	s10 =	sshll.u32 s3, $0x4;
	v6 =	vld [tilespmem:s2+$0x2220]  }
0x1fe: {  	s11 =	sand.u32 $0x1C00, s15;
	s19 =	sshll.u32 s3, $0x1;
	s10 =	sand.u32 $0x2000, s10;
	v7 =	vld [tilespmem:s2+$0x2230]  }
0x1ff: {  	p0 =	slt.u32 s3, $0x3F8;
	s19 =	sand.u32 $0x380, s19;
	s10 =	sor.u32 s11, s10;
	v8 =	vld [tilespmem:s2+$0x2240];
	v3 =	vshra.s32 v3, s5  }
0x200: {  	s10 =	sor.u32 s19, s10;
	v4 =	vshra.s32 v4, s5;
	v9 =	vld [tilespmem:s2+$0x2250];
	v3 =	vunpack.i.l.bf16.f32 v3  }
0x201: {  	s9 =	sadd.s32 $0x1, s9;
	v4 =	vunpack.i.l.bf16.f32 v4;
	v5 =	vshra.s32 v5, s5;
	[tilespmem:s10+$0x18270] =	vst.add.f32.msk $0xffff, v3  }
0x202: {  	v3 =	vunpack.i.l.bf16.f32 v5;
	v5 =	vshra.s32 v6, s5;
	v6 =	vld [tilespmem:s2+$0x2260]  }
.Ltmp5:
0x203: {  	[tilespmem:s10+$0x18200] =	vst.add.f32.msk $0xffff, v4;
	v4 =	vunpack.i.l.bf16.f32 v5;
	v5 =	vshra.s32 v7, s5;
	(pc) =	sbr.rel @p0 .LBB2_12-.Ltmp5, $4  }
0x204: {  	[tilespmem:s10+$0x18210] =	vst.add.f32.msk $0xffff, v3;
	v3 =	vunpack.i.l.bf16.f32 v5;
	v5 =	vshra.s32 v8, s5  }
0x205: {  	[tilespmem:s10+$0x18220] =	vst.add.f32.msk $0xffff, v4;
	v4 =	vunpack.i.l.bf16.f32 v5;
	v5 =	vshra.s32 v9, s5  }
0x206: {  	[tilespmem:s10+$0x18230] =	vst.add.f32.msk $0xffff, v3;
	v3 =	vunpack.i.l.bf16.f32 v5  }
0x207: {  	s12 =	sadd.s32 $0x80, s12;
	[tilespmem:s10+$0x18240] =	vst.add.f32.msk $0xffff, v4;
	v4 =	vshra.s32 v6, s5  }
0x208: {  	[tilespmem:s10+$0x18250] =	vst.add.f32.msk $0xffff, v3;
	v3 =	vunpack.i.l.bf16.f32 v4  }
0x209: {  	[tilespmem:s10+$0x18260] =	vst.add.f32.msk $0xffff, v3  }
0x20a: {  	_ =	swait.ge [sflag:s6], $0x4000  }
0x20b: {  	[sflag:s6] =	ssyncset.done $0x0  }
0x20c: {  	[sflag:s6] =	ssyncadd.s32 $0xFFFFC000  }
0x20d: {  	v3 =	vld [tilespmem:$0x120];
	_ =	sdelay $0x4  }
0x20e: {  	v4 =	vshll.u32 v3, $0x3  }
0x20f: {  	v3 =	vand.u32 $0x7, v3;
	v4 =	vand.u32 $0xFFFFFFC0, v4  }
0x210: {  	v3 =	vor.u32 v3, v4  }
0x211: {  	v4 =	vperm.xlane v3, v0;
	_ =	sdelay $0x1  }
0x212: {  	v4 =	vadd.s32 v1, v4;
	_ =	sdelay $0x3  }
0x213: {  	s8 =	simm.s32 $0x0;
	s2 =	simm.s32 $0x14200  }
0x214: {  	[tilespmem:s2], [sflag:$0x8] =	stream.indirect_vreg.gather [hbm4b:s24+s8], $0x80, v4, vm0, $0xb8;
	[tilespmem:$0x1C200] =	vst v63  }
0x215: {  	s12 =	simm.s32 $0x14A00;
	v3 =	vperm.xlane v3, v2  }
0x216: {  	[tilespmem:s12], [sflag:$0x8] =	stream.indirect_vreg.gather [hbm4b:s30+s8], $0x80, v4, vm0, $0xb8;
	[tilespmem:$0x1C200] =	vst v63  }
0x217: {  	s15 =	simm.s32 $0x15200;
	v3 =	vadd.s32 v1, v3  }
0x218: {  	[tilespmem:s15], [sflag:$0x8] =	stream.indirect_vreg.gather [hbm4b:s31+s8], $0x80, v4, vm0, $0xb8;
	[tilespmem:$0x1C200] =	vst v63  }
0x219: {  	s19 =	simm.s32 $0x15A00  }
0x21a: {  	[tilespmem:s19], [sflag:$0x8] =	stream.indirect_vreg.gather [hbm4b:s21+s8], $0x80, v4, vm0, $0xb8;
	[tilespmem:$0x1C200] =	vst v63  }
0x21b: {  	s3 =	simm.s32 $0x16200  }
0x21c: {  	[tilespmem:s3], [sflag:$0x8] =	stream.indirect_vreg.gather [hbm4b:s24+s8], $0x80, v3, vm0, $0xb8;
	[tilespmem:$0x1C200] =	vst v63  }
0x21d: {  	s5 =	simm.s32 $0x16A00  }
0x21e: {  	[tilespmem:s5], [sflag:$0x8] =	stream.indirect_vreg.gather [hbm4b:s30+s8], $0x80, v3, vm0, $0xb8;
	[tilespmem:$0x1C200] =	vst v63  }
0x21f: {  	s9 =	simm.s32 $0x17200  }
0x220: {  	[tilespmem:s9], [sflag:$0x8] =	stream.indirect_vreg.gather [hbm4b:s31+s8], $0x80, v3, vm0, $0xb8;
	[tilespmem:$0x1C200] =	vst v63  }
0x221: {  	s10 =	simm.s32 $0x17A00  }
0x222: {  	[tilespmem:s10], [sflag:$0x8] =	stream.indirect_vreg.gather [hbm4b:s21+s8], $0x80, v3, vm0, $0xb8;
	[tilespmem:$0x1C200] =	vst v63  }
0x223: {  	s11 =	rddreg [dreg:$0x10];
	s3 =	simm.s32 $0x18200  }
0x224: {  	[hbm4b:s11+s8] =	stream.linear.scatter [tilespmem:s3], [sflag:$0xF], $0x4000, $0x38;
	[tilespmem:$0x1C200] =	vst v63  }
0x225: {  	_ =	swait.ge [sflag:s14], $0x4000  }
0x226: {  	s12 =	simm.s32 $0x0;
	[sflag:s14] =	ssyncset.done $0x0  }
0x227: {  	s2 =	sand.u32 $0x1F80, s12;
	[sflag:s14] =	ssyncadd.s32 $0xFFFFC000  }
0x228: {  	v3 =	vld [tilespmem:s2+$0x2270]  }
0x229: {  	v4 =	vld [tilespmem:s2+$0x2200]  }
0x22a: {  	v5 =	vld [tilespmem:s2+$0x2210]  }
0x22b: {  	s15 =	simm.s32 $0x0;
	s19 =	simm.s32 $0x0;
	v6 =	vld [tilespmem:s2+$0x2220]  }
0x22c: {  	s5 =	sand.u32 $0x10, s8;
	s9 =	sand.u32 $0x1C00, s8;
	s3 =	sand.u32 $0x2000, s15;
	v7 =	vld [tilespmem:s2+$0x2230]  }
0x22d: {  	s10 =	sand.u32 $0x380, s19;
	s3 =	sor.u32 s9, s3;
	v8 =	vld [tilespmem:s2+$0x2240];
	v3 =	vshra.s32 v3, s5  }
0x22e: {  	s10 =	sor.u32 s3, s10;
	v9 =	vld [tilespmem:s2+$0x2250];
	v3 =	vunpack.i.l.bf16.f32 v3  }
0x22f: {  	v4 =	vshra.s32 v4, s5;
	[tilespmem:s10+$0x4270] =	vst.add.f32.msk $0xffff, v3  }
0x230: {  	v3 =	vunpack.i.l.bf16.f32 v4;
	v4 =	vshra.s32 v5, s5;
	v5 =	vld [tilespmem:s2+$0x2260]  }
0x231: {  	v6 =	vshra.s32 v6, s5;
	v4 =	vunpack.i.l.bf16.f32 v4;
	[tilespmem:s10+$0x4200] =	vst.add.f32.msk $0xffff, v3  }
0x232: {  	v3 =	vunpack.i.l.bf16.f32 v6;
	v6 =	vshra.s32 v7, s5;
	[tilespmem:s10+$0x4210] =	vst.add.f32.msk $0xffff, v4  }
0x233: {  	v4 =	vunpack.i.l.bf16.f32 v6;
	v6 =	vshra.s32 v8, s5;
	[tilespmem:s10+$0x4220] =	vst.add.f32.msk $0xffff, v3  }
0x234: {  	s12 =	simm.s32 $0x80;
	v3 =	vshra.s32 v9, s5;
	v6 =	vunpack.i.l.bf16.f32 v6;
	[tilespmem:s10+$0x4230] =	vst.add.f32.msk $0xffff, v4  }
0x235: {  	s15 =	simm.s32 $0x0;
	s9 =	simm.s32 $0x1;
	s3 =	simm.s32 $0x0;
	v3 =	vunpack.i.l.bf16.f32 v3;
	[tilespmem:s10+$0x4240] =	vst.add.f32.msk $0xffff, v6;
	v4 =	vshra.s32 v5, s5  }
.LBB2_14:
0x236: {  	s2 =	sshrl.u32 s12, $0x1;
	[tilespmem:s10+$0x4250] =	vst.add.f32.msk $0xffff, v3;
	v3 =	vunpack.i.l.bf16.f32 v4  }
0x237: {  	s2 =	sand.u32 $0x1F80, s2;
	[tilespmem:s10+$0x4260] =	vst.add.f32.msk $0xffff, v3  }
0x238: {  	v3 =	vld [tilespmem:s2+$0x2270]  }
0x239: {  	v4 =	vld [tilespmem:s2+$0x2200]  }
0x23a: {  	s3 =	sadd.s32 $0x8, s3;
	s8 =	sadd.s32 $0x10, s8;
	v5 =	vld [tilespmem:s2+$0x2210]  }
0x23b: {  	s15 =	sadd.s32 $0x400, s15;
	s5 =	sand.u32 $0x10, s8;
	s10 =	sshll.u32 s3, $0x4;
	v6 =	vld [tilespmem:s2+$0x2220]  }
0x23c: {  	s11 =	sand.u32 $0x1C00, s15;
	s19 =	sshll.u32 s3, $0x1;
	s10 =	sand.u32 $0x2000, s10;
	v7 =	vld [tilespmem:s2+$0x2230]  }
0x23d: {  	p0 =	slt.u32 s3, $0x3F8;
	s19 =	sand.u32 $0x380, s19;
	s10 =	sor.u32 s11, s10;
	v8 =	vld [tilespmem:s2+$0x2240];
	v3 =	vshra.s32 v3, s5  }
0x23e: {  	s10 =	sor.u32 s10, s19;
	v4 =	vshra.s32 v4, s5;
	v9 =	vld [tilespmem:s2+$0x2250];
	v3 =	vunpack.i.l.bf16.f32 v3  }
0x23f: {  	s9 =	sadd.s32 $0x1, s9;
	v4 =	vunpack.i.l.bf16.f32 v4;
	v5 =	vshra.s32 v5, s5;
	[tilespmem:s10+$0x4270] =	vst.add.f32.msk $0xffff, v3  }
0x240: {  	v3 =	vunpack.i.l.bf16.f32 v5;
	v5 =	vshra.s32 v6, s5;
	v6 =	vld [tilespmem:s2+$0x2260]  }
.Ltmp6:
0x241: {  	[tilespmem:s10+$0x4200] =	vst.add.f32.msk $0xffff, v4;
	v4 =	vunpack.i.l.bf16.f32 v5;
	v5 =	vshra.s32 v7, s5;
	(pc) =	sbr.rel @p0 .LBB2_14-.Ltmp6, $4  }
0x242: {  	[tilespmem:s10+$0x4210] =	vst.add.f32.msk $0xffff, v3;
	v3 =	vunpack.i.l.bf16.f32 v5;
	v5 =	vshra.s32 v8, s5  }
0x243: {  	[tilespmem:s10+$0x4220] =	vst.add.f32.msk $0xffff, v4;
	v4 =	vunpack.i.l.bf16.f32 v5;
	v5 =	vshra.s32 v9, s5  }
0x244: {  	[tilespmem:s10+$0x4230] =	vst.add.f32.msk $0xffff, v3;
	v3 =	vunpack.i.l.bf16.f32 v5  }
0x245: {  	s12 =	sadd.s32 $0x80, s12;
	[tilespmem:s10+$0x4240] =	vst.add.f32.msk $0xffff, v4;
	v4 =	vshra.s32 v6, s5  }
0x246: {  	[tilespmem:s10+$0x4250] =	vst.add.f32.msk $0xffff, v3;
	v3 =	vunpack.i.l.bf16.f32 v4  }
0x247: {  	[tilespmem:s10+$0x4260] =	vst.add.f32.msk $0xffff, v3  }
0x248: {  	_ =	swait.ge [sflag:s7], $0x4000  }
0x249: {  	[sflag:s7] =	ssyncset.done $0x0  }
0x24a: {  	[sflag:s7] =	ssyncadd.s32 $0xFFFFC000  }
0x24b: {  	v3 =	vld [tilespmem:$0x1A0];
	_ =	sdelay $0x4  }
0x24c: {  	v4 =	vshll.u32 v3, $0x3  }
0x24d: {  	v3 =	vand.u32 $0x7, v3;
	v4 =	vand.u32 $0xFFFFFFC0, v4  }
0x24e: {  	v3 =	vor.u32 v3, v4  }
0x24f: {  	v4 =	vperm.xlane v3, v0;
	_ =	sdelay $0x1  }
0x250: {  	v4 =	vadd.s32 v1, v4;
	_ =	sdelay $0x3  }
0x251: {  	s8 =	simm.s32 $0x0;
	s2 =	simm.s32 $0x18200  }
0x252: {  	[tilespmem:s2], [sflag:$0x9] =	stream.indirect_vreg.gather [hbm4b:s24+s8], $0x80, v4, vm0, $0xb8;
	[tilespmem:$0x1C200] =	vst v63  }
0x253: {  	s12 =	simm.s32 $0x18A00;
	v3 =	vperm.xlane v3, v2  }
0x254: {  	[tilespmem:s12], [sflag:$0x9] =	stream.indirect_vreg.gather [hbm4b:s30+s8], $0x80, v4, vm0, $0xb8;
	[tilespmem:$0x1C200] =	vst v63  }
0x255: {  	s15 =	simm.s32 $0x19200;
	v3 =	vadd.s32 v1, v3  }
0x256: {  	[tilespmem:s15], [sflag:$0x9] =	stream.indirect_vreg.gather [hbm4b:s31+s8], $0x80, v4, vm0, $0xb8;
	[tilespmem:$0x1C200] =	vst v63  }
0x257: {  	s19 =	simm.s32 $0x19A00  }
0x258: {  	[tilespmem:s19], [sflag:$0x9] =	stream.indirect_vreg.gather [hbm4b:s21+s8], $0x80, v4, vm0, $0xb8;
	[tilespmem:$0x1C200] =	vst v63  }
0x259: {  	s3 =	simm.s32 $0x1A200  }
0x25a: {  	[tilespmem:s3], [sflag:$0x9] =	stream.indirect_vreg.gather [hbm4b:s24+s8], $0x80, v3, vm0, $0xb8;
	[tilespmem:$0x1C200] =	vst v63  }
0x25b: {  	s5 =	simm.s32 $0x1AA00  }
0x25c: {  	[tilespmem:s5], [sflag:$0x9] =	stream.indirect_vreg.gather [hbm4b:s30+s8], $0x80, v3, vm0, $0xb8;
	[tilespmem:$0x1C200] =	vst v63  }
0x25d: {  	s9 =	simm.s32 $0x1B200  }
0x25e: {  	[tilespmem:s9], [sflag:$0x9] =	stream.indirect_vreg.gather [hbm4b:s31+s8], $0x80, v3, vm0, $0xb8;
	[tilespmem:$0x1C200] =	vst v63  }
0x25f: {  	s10 =	simm.s32 $0x1BA00  }
0x260: {  	[tilespmem:s10], [sflag:$0x9] =	stream.indirect_vreg.gather [hbm4b:s21+s8], $0x80, v3, vm0, $0xb8;
	[tilespmem:$0x1C200] =	vst v63  }
0x261: {  	s11 =	rddreg [dreg:$0x11];
	s3 =	simm.s32 $0x4200  }
0x262: {  	[hbm4b:s11+s8] =	stream.linear.scatter [tilespmem:s3], [sflag:$0xA], $0x4000, $0x38;
	[tilespmem:$0x1C200] =	vst v63  }
0x263: {  	_ =	swait.ge [sflag:s16], $0x4000  }
0x264: {  	s12 =	simm.s32 $0x0;
	[sflag:s16] =	ssyncset.done $0x0  }
0x265: {  	s2 =	sand.u32 $0x1F80, s12;
	[sflag:s16] =	ssyncadd.s32 $0xFFFFC000  }
0x266: {  	v3 =	vld [tilespmem:s2+$0x2270]  }
0x267: {  	v4 =	vld [tilespmem:s2+$0x2200]  }
0x268: {  	v5 =	vld [tilespmem:s2+$0x2210]  }
0x269: {  	s15 =	simm.s32 $0x0;
	s19 =	simm.s32 $0x0;
	v6 =	vld [tilespmem:s2+$0x2220]  }
0x26a: {  	s5 =	sand.u32 $0x10, s8;
	s9 =	sand.u32 $0x1C00, s8;
	s3 =	sand.u32 $0x2000, s15;
	v7 =	vld [tilespmem:s2+$0x2230]  }
0x26b: {  	s10 =	sand.u32 $0x380, s19;
	s3 =	sor.u32 s9, s3;
	v8 =	vld [tilespmem:s2+$0x2240];
	v3 =	vshra.s32 v3, s5  }
0x26c: {  	s10 =	sor.u32 s10, s3;
	v9 =	vld [tilespmem:s2+$0x2250];
	v3 =	vunpack.i.l.bf16.f32 v3  }
0x26d: {  	v4 =	vshra.s32 v4, s5;
	[tilespmem:s10+$0x8270] =	vst.add.f32.msk $0xffff, v3  }
0x26e: {  	v3 =	vunpack.i.l.bf16.f32 v4;
	v4 =	vshra.s32 v5, s5;
	v5 =	vld [tilespmem:s2+$0x2260]  }
0x26f: {  	v6 =	vshra.s32 v6, s5;
	v4 =	vunpack.i.l.bf16.f32 v4;
	[tilespmem:s10+$0x8200] =	vst.add.f32.msk $0xffff, v3  }
0x270: {  	v3 =	vunpack.i.l.bf16.f32 v6;
	v6 =	vshra.s32 v7, s5;
	[tilespmem:s10+$0x8210] =	vst.add.f32.msk $0xffff, v4  }
0x271: {  	v4 =	vunpack.i.l.bf16.f32 v6;
	v6 =	vshra.s32 v8, s5;
	[tilespmem:s10+$0x8220] =	vst.add.f32.msk $0xffff, v3  }
0x272: {  	s12 =	simm.s32 $0x80;
	v3 =	vshra.s32 v9, s5;
	v6 =	vunpack.i.l.bf16.f32 v6;
	[tilespmem:s10+$0x8230] =	vst.add.f32.msk $0xffff, v4  }
0x273: {  	s15 =	simm.s32 $0x0;
	s9 =	simm.s32 $0x1;
	s3 =	simm.s32 $0x0;
	v3 =	vunpack.i.l.bf16.f32 v3;
	[tilespmem:s10+$0x8240] =	vst.add.f32.msk $0xffff, v6;
	v4 =	vshra.s32 v5, s5  }
.LBB2_16:
0x274: {  	s2 =	sshrl.u32 s12, $0x1;
	[tilespmem:s10+$0x8250] =	vst.add.f32.msk $0xffff, v3;
	v3 =	vunpack.i.l.bf16.f32 v4  }
0x275: {  	s2 =	sand.u32 $0x1F80, s2;
	[tilespmem:s10+$0x8260] =	vst.add.f32.msk $0xffff, v3  }
0x276: {  	v3 =	vld [tilespmem:s2+$0x2270]  }
0x277: {  	v4 =	vld [tilespmem:s2+$0x2200]  }
0x278: {  	s3 =	sadd.s32 $0x8, s3;
	s8 =	sadd.s32 $0x10, s8;
	v5 =	vld [tilespmem:s2+$0x2210]  }
0x279: {  	s15 =	sadd.s32 $0x400, s15;
	s5 =	sand.u32 $0x10, s8;
	s10 =	sshll.u32 s3, $0x4;
	v6 =	vld [tilespmem:s2+$0x2220]  }
0x27a: {  	s11 =	sand.u32 $0x1C00, s15;
	s19 =	sshll.u32 s3, $0x1;
	s10 =	sand.u32 $0x2000, s10;
	v7 =	vld [tilespmem:s2+$0x2230]  }
0x27b: {  	p0 =	slt.u32 s3, $0x3F8;
	s19 =	sand.u32 $0x380, s19;
	s10 =	sor.u32 s11, s10;
	v8 =	vld [tilespmem:s2+$0x2240];
	v3 =	vshra.s32 v3, s5  }
0x27c: {  	s10 =	sor.u32 s19, s10;
	v4 =	vshra.s32 v4, s5;
	v9 =	vld [tilespmem:s2+$0x2250];
	v3 =	vunpack.i.l.bf16.f32 v3  }
0x27d: {  	s9 =	sadd.s32 $0x1, s9;
	v4 =	vunpack.i.l.bf16.f32 v4;
	v5 =	vshra.s32 v5, s5;
	[tilespmem:s10+$0x8270] =	vst.add.f32.msk $0xffff, v3  }
0x27e: {  	v3 =	vunpack.i.l.bf16.f32 v5;
	v5 =	vshra.s32 v6, s5;
	v6 =	vld [tilespmem:s2+$0x2260]  }
.Ltmp7:
0x27f: {  	[tilespmem:s10+$0x8200] =	vst.add.f32.msk $0xffff, v4;
	v4 =	vunpack.i.l.bf16.f32 v5;
	v5 =	vshra.s32 v7, s5;
	(pc) =	sbr.rel @p0 .LBB2_16-.Ltmp7, $4  }
0x280: {  	[tilespmem:s10+$0x8210] =	vst.add.f32.msk $0xffff, v3;
	v3 =	vunpack.i.l.bf16.f32 v5;
	v5 =	vshra.s32 v8, s5  }
0x281: {  	[tilespmem:s10+$0x8220] =	vst.add.f32.msk $0xffff, v4;
	v4 =	vunpack.i.l.bf16.f32 v5;
	v5 =	vshra.s32 v9, s5  }
0x282: {  	[tilespmem:s10+$0x8230] =	vst.add.f32.msk $0xffff, v3;
	v3 =	vunpack.i.l.bf16.f32 v5  }
0x283: {  	s12 =	sadd.s32 $0x80, s12;
	[tilespmem:s10+$0x8240] =	vst.add.f32.msk $0xffff, v4;
	v4 =	vshra.s32 v6, s5  }
0x284: {  	[tilespmem:s10+$0x8250] =	vst.add.f32.msk $0xffff, v3;
	v3 =	vunpack.i.l.bf16.f32 v4  }
0x285: {  	[tilespmem:s10+$0x8260] =	vst.add.f32.msk $0xffff, v3  }
0x286: {  	_ =	swait.ge [sflag:s17], $0x4000  }
0x287: {  	[sflag:s17] =	ssyncset.done $0x0  }
0x288: {  	[sflag:s17] =	ssyncadd.s32 $0xFFFFC000  }
0x289: {  	v3 =	vld [tilespmem:$0x30];
	_ =	sdelay $0x4  }
0x28a: {  	v4 =	vshll.u32 v3, $0x3  }
0x28b: {  	v3 =	vand.u32 $0x7, v3;
	v4 =	vand.u32 $0xFFFFFFC0, v4  }
0x28c: {  	v3 =	vor.u32 v3, v4  }
0x28d: {  	v4 =	vperm.xlane v3, v0;
	_ =	sdelay $0x1  }
0x28e: {  	v4 =	vadd.s32 v1, v4;
	_ =	sdelay $0x3  }
0x28f: {  	s8 =	simm.s32 $0x0;
	s2 =	simm.s32 $0x4200  }
0x290: {  	[tilespmem:s2], [sflag:$0x4] =	stream.indirect_vreg.gather [hbm4b:s24+s8], $0x80, v4, vm0, $0xb8;
	[tilespmem:$0x1C200] =	vst v63  }
0x291: {  	s9 =	simm.s32 $0x4A00;
	v3 =	vperm.xlane v3, v2  }
0x292: {  	[tilespmem:s9], [sflag:$0x4] =	stream.indirect_vreg.gather [hbm4b:s30+s8], $0x80, v4, vm0, $0xb8;
	[tilespmem:$0x1C200] =	vst v63  }
0x293: {  	s10 =	simm.s32 $0x5200;
	v3 =	vadd.s32 v1, v3  }
0x294: {  	[tilespmem:s10], [sflag:$0x4] =	stream.indirect_vreg.gather [hbm4b:s31+s8], $0x80, v4, vm0, $0xb8;
	[tilespmem:$0x1C200] =	vst v63  }
0x295: {  	s11 =	simm.s32 $0x5A00  }
0x296: {  	[tilespmem:s11], [sflag:$0x4] =	stream.indirect_vreg.gather [hbm4b:s21+s8], $0x80, v4, vm0, $0xb8;
	[tilespmem:$0x1C200] =	vst v63  }
0x297: {  	s12 =	simm.s32 $0x6200  }
0x298: {  	[tilespmem:s12], [sflag:$0x4] =	stream.indirect_vreg.gather [hbm4b:s24+s8], $0x80, v3, vm0, $0xb8;
	[tilespmem:$0x1C200] =	vst v63  }
0x299: {  	s15 =	simm.s32 $0x6A00  }
0x29a: {  	[tilespmem:s15], [sflag:$0x4] =	stream.indirect_vreg.gather [hbm4b:s30+s8], $0x80, v3, vm0, $0xb8;
	[tilespmem:$0x1C200] =	vst v63  }
0x29b: {  	s19 =	simm.s32 $0x7200  }
0x29c: {  	[tilespmem:s19], [sflag:$0x4] =	stream.indirect_vreg.gather [hbm4b:s31+s8], $0x80, v3, vm0, $0xb8;
	[tilespmem:$0x1C200] =	vst v63  }
0x29d: {  	s3 =	simm.s32 $0x7A00  }
0x29e: {  	[tilespmem:s3], [sflag:$0x4] =	stream.indirect_vreg.gather [hbm4b:s21+s8], $0x80, v3, vm0, $0xb8;
	[tilespmem:$0x1C200] =	vst v63  }
0x29f: {  	s5 =	rddreg [dreg:$0x12];
	s3 =	simm.s32 $0x2200  }
0x2a0: {  	[tilespmem:s3], [sflag:$0x3] =	stream.linear.gather [hbm4b:s5+s8], $0x2000, $0x38;
	[tilespmem:$0x1C200] =	vst v63  }
0x2a1: {  	s9 =	rddreg [dreg:$0x13];
	s10 =	simm.s32 $0x8200;
	s11 =	simm.s32 $0x2  }
0x2a2: {  	[hbm4b:s9+s8] =	stream.linear.scatter [tilespmem:s10], [sflag:$0xB], $0x4000, $0x38;
	[tilespmem:$0x1C200] =	vst v63  }
0x2a3: {  	_ =	swait.ge [sflag:s11], $0x2000  }
0x2a4: {  	[sflag:s11] =	ssyncset.done $0x0  }
0x2a5: {  	[sflag:s11] =	ssyncadd.s32 $0xFFFFE000  }
0x2a6: {  	_ =	swait.ge [sflag:s18], $0x4000  }
0x2a7: {  	s12 =	simm.s32 $0x0;
	[sflag:s18] =	ssyncset.done $0x0  }
0x2a8: {  	s2 =	sand.u32 $0x1F80, s12;
	[sflag:s18] =	ssyncadd.s32 $0xFFFFC000  }
0x2a9: {  	v3 =	vld [tilespmem:s2+$0x270]  }
0x2aa: {  	v4 =	vld [tilespmem:s2+$0x200]  }
0x2ab: {  	v5 =	vld [tilespmem:s2+$0x210]  }
0x2ac: {  	s15 =	simm.s32 $0x0;
	s19 =	simm.s32 $0x0;
	v6 =	vld [tilespmem:s2+$0x220]  }
0x2ad: {  	s5 =	sand.u32 $0x10, s8;
	s3 =	sand.u32 $0x2000, s15;
	s9 =	sand.u32 $0x1C00, s8;
	v7 =	vld [tilespmem:s2+$0x230]  }
0x2ae: {  	s10 =	sand.u32 $0x380, s19;
	s3 =	sor.u32 s9, s3;
	v8 =	vld [tilespmem:s2+$0x240];
	v3 =	vshra.s32 v3, s5  }
0x2af: {  	s10 =	sor.u32 s10, s3;
	v9 =	vld [tilespmem:s2+$0x250];
	v3 =	vunpack.i.l.bf16.f32 v3  }
0x2b0: {  	v4 =	vshra.s32 v4, s5;
	[tilespmem:s10+$0xC270] =	vst.add.f32.msk $0xffff, v3  }
0x2b1: {  	v3 =	vunpack.i.l.bf16.f32 v4;
	v4 =	vshra.s32 v5, s5;
	v5 =	vld [tilespmem:s2+$0x260]  }
0x2b2: {  	v6 =	vshra.s32 v6, s5;
	v4 =	vunpack.i.l.bf16.f32 v4;
	[tilespmem:s10+$0xC200] =	vst.add.f32.msk $0xffff, v3  }
0x2b3: {  	v3 =	vunpack.i.l.bf16.f32 v6;
	v6 =	vshra.s32 v7, s5;
	[tilespmem:s10+$0xC210] =	vst.add.f32.msk $0xffff, v4  }
0x2b4: {  	v4 =	vunpack.i.l.bf16.f32 v6;
	v6 =	vshra.s32 v8, s5;
	[tilespmem:s10+$0xC220] =	vst.add.f32.msk $0xffff, v3  }
0x2b5: {  	s12 =	simm.s32 $0x80;
	v3 =	vshra.s32 v9, s5;
	v6 =	vunpack.i.l.bf16.f32 v6;
	[tilespmem:s10+$0xC230] =	vst.add.f32.msk $0xffff, v4  }
0x2b6: {  	s15 =	simm.s32 $0x0;
	s9 =	simm.s32 $0x1;
	s3 =	simm.s32 $0x0;
	v3 =	vunpack.i.l.bf16.f32 v3;
	[tilespmem:s10+$0xC240] =	vst.add.f32.msk $0xffff, v6;
	v4 =	vshra.s32 v5, s5  }
.LBB2_18:
0x2b7: {  	s2 =	sshrl.u32 s12, $0x1;
	[tilespmem:s10+$0xC250] =	vst.add.f32.msk $0xffff, v3;
	v3 =	vunpack.i.l.bf16.f32 v4  }
0x2b8: {  	s2 =	sand.u32 $0x1F80, s2;
	[tilespmem:s10+$0xC260] =	vst.add.f32.msk $0xffff, v3  }
0x2b9: {  	v3 =	vld [tilespmem:s2+$0x270]  }
0x2ba: {  	v4 =	vld [tilespmem:s2+$0x200]  }
0x2bb: {  	s3 =	sadd.s32 $0x8, s3;
	s8 =	sadd.s32 $0x10, s8;
	v5 =	vld [tilespmem:s2+$0x210]  }
0x2bc: {  	s15 =	sadd.s32 $0x400, s15;
	s5 =	sand.u32 $0x10, s8;
	s10 =	sshll.u32 s3, $0x4;
	v6 =	vld [tilespmem:s2+$0x220]  }
0x2bd: {  	s11 =	sand.u32 $0x1C00, s15;
	s19 =	sshll.u32 s3, $0x1;
	s10 =	sand.u32 $0x2000, s10;
	v7 =	vld [tilespmem:s2+$0x230]  }
0x2be: {  	p0 =	slt.u32 s3, $0x3F8;
	s19 =	sand.u32 $0x380, s19;
	s10 =	sor.u32 s11, s10;
	v8 =	vld [tilespmem:s2+$0x240];
	v3 =	vshra.s32 v3, s5  }
0x2bf: {  	s10 =	sor.u32 s19, s10;
	v4 =	vshra.s32 v4, s5;
	v9 =	vld [tilespmem:s2+$0x250];
	v3 =	vunpack.i.l.bf16.f32 v3  }
0x2c0: {  	s9 =	sadd.s32 $0x1, s9;
	v4 =	vunpack.i.l.bf16.f32 v4;
	v5 =	vshra.s32 v5, s5;
	[tilespmem:s10+$0xC270] =	vst.add.f32.msk $0xffff, v3  }
0x2c1: {  	v3 =	vunpack.i.l.bf16.f32 v5;
	v5 =	vshra.s32 v6, s5;
	v6 =	vld [tilespmem:s2+$0x260]  }
.Ltmp8:
0x2c2: {  	[tilespmem:s10+$0xC200] =	vst.add.f32.msk $0xffff, v4;
	v4 =	vunpack.i.l.bf16.f32 v5;
	v5 =	vshra.s32 v7, s5;
	(pc) =	sbr.rel @p0 .LBB2_18-.Ltmp8, $4  }
0x2c3: {  	[tilespmem:s10+$0xC210] =	vst.add.f32.msk $0xffff, v3;
	v3 =	vunpack.i.l.bf16.f32 v5;
	v5 =	vshra.s32 v8, s5  }
0x2c4: {  	[tilespmem:s10+$0xC220] =	vst.add.f32.msk $0xffff, v4;
	v4 =	vunpack.i.l.bf16.f32 v5;
	v5 =	vshra.s32 v9, s5  }
0x2c5: {  	[tilespmem:s10+$0xC230] =	vst.add.f32.msk $0xffff, v3;
	v3 =	vunpack.i.l.bf16.f32 v5  }
0x2c6: {  	s12 =	sadd.s32 $0x80, s12;
	[tilespmem:s10+$0xC240] =	vst.add.f32.msk $0xffff, v4;
	v4 =	vshra.s32 v6, s5  }
0x2c7: {  	[tilespmem:s10+$0xC250] =	vst.add.f32.msk $0xffff, v3;
	v3 =	vunpack.i.l.bf16.f32 v4  }
0x2c8: {  	[tilespmem:s10+$0xC260] =	vst.add.f32.msk $0xffff, v3  }
0x2c9: {  	_ =	swait.ge [sflag:s20], $0x4000  }
0x2ca: {  	[sflag:s20] =	ssyncset.done $0x0  }
0x2cb: {  	[sflag:s20] =	ssyncadd.s32 $0xFFFFC000  }
0x2cc: {  	v3 =	vld [tilespmem:$0xB0];
	_ =	sdelay $0x4  }
0x2cd: {  	v4 =	vshll.u32 v3, $0x3  }
0x2ce: {  	v3 =	vand.u32 $0x7, v3;
	v4 =	vand.u32 $0xFFFFFFC0, v4  }
0x2cf: {  	v3 =	vor.u32 v3, v4  }
0x2d0: {  	v4 =	vperm.xlane v3, v0;
	_ =	sdelay $0x1  }
0x2d1: {  	v4 =	vadd.s32 v1, v4;
	_ =	sdelay $0x3  }
0x2d2: {  	s8 =	simm.s32 $0x0;
	s2 =	simm.s32 $0x8200  }
0x2d3: {  	[tilespmem:s2], [sflag:$0x5] =	stream.indirect_vreg.gather [hbm4b:s24+s8], $0x80, v4, vm0, $0xb8;
	[tilespmem:$0x1C200] =	vst v63  }
0x2d4: {  	s15 =	simm.s32 $0x8A00;
	v3 =	vperm.xlane v3, v2  }
0x2d5: {  	[tilespmem:s15], [sflag:$0x5] =	stream.indirect_vreg.gather [hbm4b:s30+s8], $0x80, v4, vm0, $0xb8;
	[tilespmem:$0x1C200] =	vst v63  }
0x2d6: {  	s19 =	simm.s32 $0x9200;
	v3 =	vadd.s32 v1, v3  }
0x2d7: {  	[tilespmem:s19], [sflag:$0x5] =	stream.indirect_vreg.gather [hbm4b:s31+s8], $0x80, v4, vm0, $0xb8;
	[tilespmem:$0x1C200] =	vst v63  }
0x2d8: {  	s3 =	simm.s32 $0x9A00  }
0x2d9: {  	[tilespmem:s3], [sflag:$0x5] =	stream.indirect_vreg.gather [hbm4b:s21+s8], $0x80, v4, vm0, $0xb8;
	[tilespmem:$0x1C200] =	vst v63  }
0x2da: {  	s5 =	simm.s32 $0xA200  }
0x2db: {  	[tilespmem:s5], [sflag:$0x5] =	stream.indirect_vreg.gather [hbm4b:s24+s8], $0x80, v3, vm0, $0xb8;
	[tilespmem:$0x1C200] =	vst v63  }
0x2dc: {  	s9 =	simm.s32 $0xAA00  }
0x2dd: {  	[tilespmem:s9], [sflag:$0x5] =	stream.indirect_vreg.gather [hbm4b:s30+s8], $0x80, v3, vm0, $0xb8;
	[tilespmem:$0x1C200] =	vst v63  }
0x2de: {  	s10 =	simm.s32 $0xB200  }
0x2df: {  	[tilespmem:s10], [sflag:$0x5] =	stream.indirect_vreg.gather [hbm4b:s31+s8], $0x80, v3, vm0, $0xb8;
	[tilespmem:$0x1C200] =	vst v63  }
0x2e0: {  	s11 =	simm.s32 $0xBA00  }
0x2e1: {  	[tilespmem:s11], [sflag:$0x5] =	stream.indirect_vreg.gather [hbm4b:s21+s8], $0x80, v3, vm0, $0xb8;
	[tilespmem:$0x1C200] =	vst v63  }
0x2e2: {  	s12 =	rddreg [dreg:$0x14];
	s3 =	simm.s32 $0xC200  }
0x2e3: {  	[hbm4b:s12+s8] =	stream.linear.scatter [tilespmem:s3], [sflag:$0xC], $0x4000, $0x38;
	[tilespmem:$0x1C200] =	vst v63  }
0x2e4: {  	_ =	swait.ge [sflag:s22], $0x4000  }
0x2e5: {  	s15 =	simm.s32 $0x0;
	[sflag:s22] =	ssyncset.done $0x0  }
0x2e6: {  	s2 =	sand.u32 $0x1F80, s15;
	[sflag:s22] =	ssyncadd.s32 $0xFFFFC000  }
0x2e7: {  	v3 =	vld [tilespmem:s2+$0x270]  }
0x2e8: {  	v4 =	vld [tilespmem:s2+$0x200]  }
0x2e9: {  	s19 =	simm.s32 $0x0;
	v5 =	vld [tilespmem:s2+$0x210]  }
0x2ea: {  	s5 =	sand.u32 $0x1C00, s8;
	s9 =	simm.s32 $0x0;
	s3 =	sand.u32 $0x2000, s19;
	v6 =	vld [tilespmem:s2+$0x220]  }
0x2eb: {  	s9 =	sand.u32 $0x380, s9;
	s11 =	sand.u32 $0x10, s8;
	s3 =	sor.u32 s5, s3;
	v7 =	vld [tilespmem:s2+$0x230]  }
0x2ec: {  	s3 =	sor.u32 s9, s3;
	v8 =	vld [tilespmem:s2+$0x240];
	v3 =	vshra.s32 v3, s11  }
0x2ed: {  	s10 =	sadd.s32 $0x4200, s3;
	v9 =	vld [tilespmem:s2+$0x250];
	v3 =	vunpack.i.l.bf16.f32 v3  }
0x2ee: {  	v4 =	vshra.s32 v4, s11;
	[tilespmem:s10+$0xC070] =	vst.add.f32.msk $0xffff, v3  }
0x2ef: {  	v3 =	vunpack.i.l.bf16.f32 v4;
	v4 =	vshra.s32 v5, s11;
	v5 =	vld [tilespmem:s2+$0x260]  }
0x2f0: {  	v6 =	vshra.s32 v6, s11;
	v4 =	vunpack.i.l.bf16.f32 v4;
	[tilespmem:s3+$0x10200] =	vst.add.f32.msk $0xffff, v3  }
0x2f1: {  	v3 =	vunpack.i.l.bf16.f32 v6;
	v6 =	vshra.s32 v7, s11;
	[tilespmem:s10+$0xC010] =	vst.add.f32.msk $0xffff, v4  }
0x2f2: {  	v4 =	vunpack.i.l.bf16.f32 v6;
	v6 =	vshra.s32 v8, s11;
	[tilespmem:s10+$0xC020] =	vst.add.f32.msk $0xffff, v3  }
0x2f3: {  	s15 =	simm.s32 $0x0;
	v3 =	vshra.s32 v9, s11;
	v6 =	vunpack.i.l.bf16.f32 v6;
	[tilespmem:s10+$0xC030] =	vst.add.f32.msk $0xffff, v4  }
0x2f4: {  	s12 =	simm.s32 $0x80;
	s9 =	simm.s32 $0x1;
	s3 =	simm.s32 $0x0;
	v3 =	vunpack.i.l.bf16.f32 v3;
	[tilespmem:s10+$0xC040] =	vst.add.f32.msk $0xffff, v6;
	v4 =	vshra.s32 v5, s11  }
.LBB2_20:
0x2f5: {  	s2 =	sshrl.u32 s12, $0x1;
	[tilespmem:s10+$0xC050] =	vst.add.f32.msk $0xffff, v3;
	v3 =	vunpack.i.l.bf16.f32 v4  }
0x2f6: {  	s2 =	sand.u32 $0x1F80, s2;
	[tilespmem:s10+$0xC060] =	vst.add.f32.msk $0xffff, v3  }
0x2f7: {  	v3 =	vld [tilespmem:s2+$0x270]  }
0x2f8: {  	s3 =	sadd.s32 $0x8, s3;
	v4 =	vld [tilespmem:s2+$0x200]  }
0x2f9: {  	s8 =	sadd.s32 $0x400, s8;
	s15 =	sadd.s32 $0x10, s15;
	s5 =	sshll.u32 s3, $0x4;
	v5 =	vld [tilespmem:s2+$0x210]  }
0x2fa: {  	s10 =	sand.u32 $0x1C00, s8;
	s11 =	sshll.u32 s3, $0x1;
	s5 =	sand.u32 $0x2000, s5;
	v6 =	vld [tilespmem:s2+$0x220]  }
0x2fb: {  	s19 =	sand.u32 $0x10, s15;
	s11 =	sand.u32 $0x380, s11;
	s5 =	sor.u32 s10, s5;
	v7 =	vld [tilespmem:s2+$0x230]  }
0x2fc: {  	p0 =	slt.u32 s3, $0x3F8;
	s5 =	sor.u32 s11, s5;
	v8 =	vld [tilespmem:s2+$0x240];
	v3 =	vshra.s32 v3, s19  }
0x2fd: {  	s10 =	sadd.s32 $0x4200, s5;
	v4 =	vshra.s32 v4, s19;
	v9 =	vld [tilespmem:s2+$0x250];
	v3 =	vunpack.i.l.bf16.f32 v3  }
0x2fe: {  	s9 =	sadd.s32 $0x1, s9;
	v4 =	vunpack.i.l.bf16.f32 v4;
	v5 =	vshra.s32 v5, s19;
	[tilespmem:s10+$0xC070] =	vst.add.f32.msk $0xffff, v3  }
0x2ff: {  	v3 =	vunpack.i.l.bf16.f32 v5;
	v5 =	vshra.s32 v6, s19;
	v6 =	vld [tilespmem:s2+$0x260]  }
.Ltmp9:
0x300: {  	[tilespmem:s5+$0x10200] =	vst.add.f32.msk $0xffff, v4;
	v4 =	vunpack.i.l.bf16.f32 v5;
	v5 =	vshra.s32 v7, s19;
	(pc) =	sbr.rel @p0 .LBB2_20-.Ltmp9, $4  }
0x301: {  	[tilespmem:s10+$0xC010] =	vst.add.f32.msk $0xffff, v3;
	v3 =	vunpack.i.l.bf16.f32 v5;
	v5 =	vshra.s32 v8, s19  }
0x302: {  	[tilespmem:s10+$0xC020] =	vst.add.f32.msk $0xffff, v4;
	v4 =	vunpack.i.l.bf16.f32 v5;
	v5 =	vshra.s32 v9, s19  }
0x303: {  	[tilespmem:s10+$0xC030] =	vst.add.f32.msk $0xffff, v3;
	v3 =	vunpack.i.l.bf16.f32 v5  }
0x304: {  	s12 =	sadd.s32 $0x80, s12;
	[tilespmem:s10+$0xC040] =	vst.add.f32.msk $0xffff, v4;
	v4 =	vshra.s32 v6, s19  }
0x305: {  	[tilespmem:s10+$0xC050] =	vst.add.f32.msk $0xffff, v3;
	v3 =	vunpack.i.l.bf16.f32 v4  }
0x306: {  	[tilespmem:s10+$0xC060] =	vst.add.f32.msk $0xffff, v3  }
0x307: {  	_ =	swait.ge [sflag:s23], $0x4000  }
0x308: {  	[sflag:s23] =	ssyncset.done $0x0  }
0x309: {  	[sflag:s23] =	ssyncadd.s32 $0xFFFFC000  }
0x30a: {  	v3 =	vld [tilespmem:$0x130];
	_ =	sdelay $0x4  }
0x30b: {  	v4 =	vshll.u32 v3, $0x3  }
0x30c: {  	v3 =	vand.u32 $0x7, v3;
	v4 =	vand.u32 $0xFFFFFFC0, v4  }
0x30d: {  	v3 =	vor.u32 v3, v4  }
0x30e: {  	v4 =	vperm.xlane v3, v0;
	_ =	sdelay $0x1  }
0x30f: {  	v4 =	vadd.s32 v1, v4;
	_ =	sdelay $0x3  }
0x310: {  	s8 =	simm.s32 $0x0;
	s2 =	simm.s32 $0xC200  }
0x311: {  	[tilespmem:s2], [sflag:$0x6] =	stream.indirect_vreg.gather [hbm4b:s24+s8], $0x80, v4, vm0, $0xb8;
	[tilespmem:$0x1C200] =	vst v63  }
0x312: {  	s15 =	simm.s32 $0xCA00;
	v3 =	vperm.xlane v3, v2  }
0x313: {  	[tilespmem:s15], [sflag:$0x6] =	stream.indirect_vreg.gather [hbm4b:s30+s8], $0x80, v4, vm0, $0xb8;
	[tilespmem:$0x1C200] =	vst v63  }
0x314: {  	s19 =	simm.s32 $0xD200;
	v3 =	vadd.s32 v1, v3  }
0x315: {  	[tilespmem:s19], [sflag:$0x6] =	stream.indirect_vreg.gather [hbm4b:s31+s8], $0x80, v4, vm0, $0xb8;
	[tilespmem:$0x1C200] =	vst v63  }
0x316: {  	s3 =	simm.s32 $0xDA00  }
0x317: {  	[tilespmem:s3], [sflag:$0x6] =	stream.indirect_vreg.gather [hbm4b:s21+s8], $0x80, v4, vm0, $0xb8;
	[tilespmem:$0x1C200] =	vst v63  }
0x318: {  	s5 =	simm.s32 $0xE200  }
0x319: {  	[tilespmem:s5], [sflag:$0x6] =	stream.indirect_vreg.gather [hbm4b:s24+s8], $0x80, v3, vm0, $0xb8;
	[tilespmem:$0x1C200] =	vst v63  }
0x31a: {  	s9 =	simm.s32 $0xEA00  }
0x31b: {  	[tilespmem:s9], [sflag:$0x6] =	stream.indirect_vreg.gather [hbm4b:s30+s8], $0x80, v3, vm0, $0xb8;
	[tilespmem:$0x1C200] =	vst v63  }
0x31c: {  	s10 =	simm.s32 $0xF200  }
0x31d: {  	[tilespmem:s10], [sflag:$0x6] =	stream.indirect_vreg.gather [hbm4b:s31+s8], $0x80, v3, vm0, $0xb8;
	[tilespmem:$0x1C200] =	vst v63  }
0x31e: {  	s11 =	simm.s32 $0xFA00  }
0x31f: {  	[tilespmem:s11], [sflag:$0x6] =	stream.indirect_vreg.gather [hbm4b:s21+s8], $0x80, v3, vm0, $0xb8;
	[tilespmem:$0x1C200] =	vst v63  }
0x320: {  	s12 =	rddreg [dreg:$0x15]  }
0x321: {  	[hbm4b:s12+s8] =	stream.linear.scatter [tilespmem:s13], [sflag:$0xD], $0x4000, $0x38;
	[tilespmem:$0x1C200] =	vst v63  }
0x322: {  	_ =	swait.ge [sflag:s26], $0x4000  }
0x323: {  	s15 =	simm.s32 $0x0;
	[sflag:s26] =	ssyncset.done $0x0  }
0x324: {  	s2 =	sand.u32 $0x1F80, s15;
	[sflag:s26] =	ssyncadd.s32 $0xFFFFC000  }
0x325: {  	v3 =	vld [tilespmem:s2+$0x270]  }
0x326: {  	v4 =	vld [tilespmem:s2+$0x200]  }
0x327: {  	v5 =	vld [tilespmem:s2+$0x210]  }
0x328: {  	s19 =	simm.s32 $0x0;
	s3 =	simm.s32 $0x0;
	v6 =	vld [tilespmem:s2+$0x220]  }
0x329: {  	s3 =	sand.u32 $0x2000, s3;
	s5 =	sand.u32 $0x10, s8;
	s9 =	sand.u32 $0x1C00, s8;
	v7 =	vld [tilespmem:s2+$0x230]  }
0x32a: {  	s3 =	sor.u32 s9, s3;
	s10 =	sand.u32 $0x380, s19;
	v8 =	vld [tilespmem:s2+$0x240];
	v3 =	vshra.s32 v3, s5  }
0x32b: {  	s10 =	sor.u32 s10, s3;
	v9 =	vld [tilespmem:s2+$0x250];
	v3 =	vunpack.i.l.bf16.f32 v3  }
0x32c: {  	v4 =	vshra.s32 v4, s5;
	[tilespmem:s10+$0x14270] =	vst.add.f32.msk $0xffff, v3  }
0x32d: {  	v3 =	vunpack.i.l.bf16.f32 v4;
	v4 =	vshra.s32 v5, s5;
	v5 =	vld [tilespmem:s2+$0x260]  }
0x32e: {  	v6 =	vshra.s32 v6, s5;
	v4 =	vunpack.i.l.bf16.f32 v4;
	[tilespmem:s10+$0x14200] =	vst.add.f32.msk $0xffff, v3  }
0x32f: {  	v3 =	vunpack.i.l.bf16.f32 v6;
	v6 =	vshra.s32 v7, s5;
	[tilespmem:s10+$0x14210] =	vst.add.f32.msk $0xffff, v4  }
0x330: {  	v4 =	vunpack.i.l.bf16.f32 v6;
	v6 =	vshra.s32 v8, s5;
	[tilespmem:s10+$0x14220] =	vst.add.f32.msk $0xffff, v3  }
0x331: {  	s15 =	simm.s32 $0x0;
	v3 =	vshra.s32 v9, s5;
	v6 =	vunpack.i.l.bf16.f32 v6;
	[tilespmem:s10+$0x14230] =	vst.add.f32.msk $0xffff, v4  }
0x332: {  	s9 =	simm.s32 $0x1;
	s3 =	simm.s32 $0x0;
	s12 =	simm.s32 $0x80;
	v3 =	vunpack.i.l.bf16.f32 v3;
	[tilespmem:s10+$0x14240] =	vst.add.f32.msk $0xffff, v6;
	v4 =	vshra.s32 v5, s5  }
.LBB2_22:
0x333: {  	s2 =	sshrl.u32 s12, $0x1;
	[tilespmem:s10+$0x14250] =	vst.add.f32.msk $0xffff, v3;
	v3 =	vunpack.i.l.bf16.f32 v4  }
0x334: {  	s2 =	sand.u32 $0x1F80, s2;
	[tilespmem:s10+$0x14260] =	vst.add.f32.msk $0xffff, v3  }
0x335: {  	v3 =	vld [tilespmem:s2+$0x270]  }
0x336: {  	v4 =	vld [tilespmem:s2+$0x200]  }
0x337: {  	s3 =	sadd.s32 $0x8, s3;
	s8 =	sadd.s32 $0x10, s8;
	v5 =	vld [tilespmem:s2+$0x210]  }
0x338: {  	s15 =	sadd.s32 $0x400, s15;
	s5 =	sand.u32 $0x10, s8;
	s10 =	sshll.u32 s3, $0x4;
	v6 =	vld [tilespmem:s2+$0x220]  }
0x339: {  	s11 =	sand.u32 $0x1C00, s15;
	s19 =	sshll.u32 s3, $0x1;
	s10 =	sand.u32 $0x2000, s10;
	v7 =	vld [tilespmem:s2+$0x230]  }
0x33a: {  	p0 =	slt.u32 s3, $0x3F8;
	s19 =	sand.u32 $0x380, s19;
	s10 =	sor.u32 s11, s10;
	v8 =	vld [tilespmem:s2+$0x240];
	v3 =	vshra.s32 v3, s5  }
0x33b: {  	s10 =	sor.u32 s19, s10;
	v4 =	vshra.s32 v4, s5;
	v9 =	vld [tilespmem:s2+$0x250];
	v3 =	vunpack.i.l.bf16.f32 v3  }
0x33c: {  	s9 =	sadd.s32 $0x1, s9;
	v4 =	vunpack.i.l.bf16.f32 v4;
	v5 =	vshra.s32 v5, s5;
	[tilespmem:s10+$0x14270] =	vst.add.f32.msk $0xffff, v3  }
0x33d: {  	v3 =	vunpack.i.l.bf16.f32 v5;
	v5 =	vshra.s32 v6, s5;
	v6 =	vld [tilespmem:s2+$0x260]  }
.Ltmp10:
0x33e: {  	[tilespmem:s10+$0x14200] =	vst.add.f32.msk $0xffff, v4;
	v4 =	vunpack.i.l.bf16.f32 v5;
	v5 =	vshra.s32 v7, s5;
	(pc) =	sbr.rel @p0 .LBB2_22-.Ltmp10, $4  }
0x33f: {  	[tilespmem:s10+$0x14210] =	vst.add.f32.msk $0xffff, v3;
	v3 =	vunpack.i.l.bf16.f32 v5;
	v5 =	vshra.s32 v8, s5  }
0x340: {  	[tilespmem:s10+$0x14220] =	vst.add.f32.msk $0xffff, v4;
	v4 =	vunpack.i.l.bf16.f32 v5;
	v5 =	vshra.s32 v9, s5  }
0x341: {  	[tilespmem:s10+$0x14230] =	vst.add.f32.msk $0xffff, v3;
	v3 =	vunpack.i.l.bf16.f32 v5  }
0x342: {  	s12 =	sadd.s32 $0x80, s12;
	[tilespmem:s10+$0x14240] =	vst.add.f32.msk $0xffff, v4;
	v4 =	vshra.s32 v6, s5  }
0x343: {  	[tilespmem:s10+$0x14250] =	vst.add.f32.msk $0xffff, v3;
	v3 =	vunpack.i.l.bf16.f32 v4  }
0x344: {  	[tilespmem:s10+$0x14260] =	vst.add.f32.msk $0xffff, v3  }
0x345: {  	_ =	swait.ge [sflag:s28], $0x4000  }
0x346: {  	[sflag:s28] =	ssyncset.done $0x0  }
0x347: {  	[sflag:s28] =	ssyncadd.s32 $0xFFFFC000  }
0x348: {  	v3 =	vld [tilespmem:$0x1B0];
	_ =	sdelay $0x4  }
0x349: {  	v4 =	vshll.u32 v3, $0x3  }
0x34a: {  	v3 =	vand.u32 $0x7, v3;
	v4 =	vand.u32 $0xFFFFFFC0, v4  }
0x34b: {  	v3 =	vor.u32 v3, v4  }
0x34c: {  	v4 =	vperm.xlane v3, v0;
	_ =	sdelay $0x1  }
0x34d: {  	v4 =	vadd.s32 v1, v4;
	_ =	sdelay $0x3  }
0x34e: {  	s8 =	simm.s32 $0x0  }
0x34f: {  	[tilespmem:s13], [sflag:$0x7] =	stream.indirect_vreg.gather [hbm4b:s24+s8], $0x80, v4, vm0, $0xb8;
	[tilespmem:$0x1C200] =	vst v63  }
0x350: {  	s2 =	simm.s32 $0x10A00;
	v3 =	vperm.xlane v3, v2  }
0x351: {  	[tilespmem:s2], [sflag:$0x7] =	stream.indirect_vreg.gather [hbm4b:s30+s8], $0x80, v4, vm0, $0xb8;
	[tilespmem:$0x1C200] =	vst v63  }
0x352: {  	s15 =	simm.s32 $0x11200;
	v3 =	vadd.s32 v1, v3  }
0x353: {  	[tilespmem:s15], [sflag:$0x7] =	stream.indirect_vreg.gather [hbm4b:s31+s8], $0x80, v4, vm0, $0xb8;
	[tilespmem:$0x1C200] =	vst v63  }
0x354: {  	s19 =	simm.s32 $0x11A00  }
0x355: {  	[tilespmem:s19], [sflag:$0x7] =	stream.indirect_vreg.gather [hbm4b:s21+s8], $0x80, v4, vm0, $0xb8;
	[tilespmem:$0x1C200] =	vst v63  }
0x356: {  	s3 =	simm.s32 $0x12200  }
0x357: {  	[tilespmem:s3], [sflag:$0x7] =	stream.indirect_vreg.gather [hbm4b:s24+s8], $0x80, v3, vm0, $0xb8;
	[tilespmem:$0x1C200] =	vst v63  }
0x358: {  	s5 =	simm.s32 $0x12A00  }
0x359: {  	[tilespmem:s5], [sflag:$0x7] =	stream.indirect_vreg.gather [hbm4b:s30+s8], $0x80, v3, vm0, $0xb8;
	[tilespmem:$0x1C200] =	vst v63  }
0x35a: {  	s9 =	simm.s32 $0x13200  }
0x35b: {  	[tilespmem:s9], [sflag:$0x7] =	stream.indirect_vreg.gather [hbm4b:s31+s8], $0x80, v3, vm0, $0xb8;
	[tilespmem:$0x1C200] =	vst v63  }
0x35c: {  	s10 =	simm.s32 $0x13A00  }
0x35d: {  	[tilespmem:s10], [sflag:$0x7] =	stream.indirect_vreg.gather [hbm4b:s21+s8], $0x80, v3, vm0, $0xb8;
	[tilespmem:$0x1C200] =	vst v63  }
0x35e: {  	s11 =	rddreg [dreg:$0x16];
	s3 =	simm.s32 $0x14200  }
0x35f: {  	[hbm4b:s11+s8] =	stream.linear.scatter [tilespmem:s3], [sflag:$0xE], $0x4000, $0x38;
	[tilespmem:$0x1C200] =	vst v63  }
0x360: {  	_ =	swait.ge [sflag:s29], $0x4000  }
0x361: {  	s12 =	simm.s32 $0x0;
	[sflag:s29] =	ssyncset.done $0x0  }
0x362: {  	s2 =	sand.u32 $0x1F80, s12;
	[sflag:s29] =	ssyncadd.s32 $0xFFFFC000  }
0x363: {  	v3 =	vld [tilespmem:s2+$0x270]  }
0x364: {  	v4 =	vld [tilespmem:s2+$0x200]  }
0x365: {  	v5 =	vld [tilespmem:s2+$0x210]  }
0x366: {  	s15 =	simm.s32 $0x0;
	s19 =	simm.s32 $0x0;
	v6 =	vld [tilespmem:s2+$0x220]  }
0x367: {  	s5 =	sand.u32 $0x10, s8;
	s9 =	sand.u32 $0x1C00, s8;
	s3 =	sand.u32 $0x2000, s15;
	v7 =	vld [tilespmem:s2+$0x230]  }
0x368: {  	s10 =	sand.u32 $0x380, s19;
	s3 =	sor.u32 s9, s3;
	v8 =	vld [tilespmem:s2+$0x240];
	v3 =	vshra.s32 v3, s5  }
0x369: {  	s10 =	sor.u32 s10, s3;
	v9 =	vld [tilespmem:s2+$0x250];
	v3 =	vunpack.i.l.bf16.f32 v3  }
0x36a: {  	v4 =	vshra.s32 v4, s5;
	[tilespmem:s10+$0x18270] =	vst.add.f32.msk $0xffff, v3  }
0x36b: {  	v3 =	vunpack.i.l.bf16.f32 v4;
	v4 =	vshra.s32 v5, s5;
	v5 =	vld [tilespmem:s2+$0x260]  }
0x36c: {  	v6 =	vshra.s32 v6, s5;
	v4 =	vunpack.i.l.bf16.f32 v4;
	[tilespmem:s10+$0x18200] =	vst.add.f32.msk $0xffff, v3  }
0x36d: {  	v3 =	vunpack.i.l.bf16.f32 v6;
	v6 =	vshra.s32 v7, s5;
	[tilespmem:s10+$0x18210] =	vst.add.f32.msk $0xffff, v4  }
0x36e: {  	v4 =	vunpack.i.l.bf16.f32 v6;
	v6 =	vshra.s32 v8, s5;
	[tilespmem:s10+$0x18220] =	vst.add.f32.msk $0xffff, v3  }
0x36f: {  	s12 =	simm.s32 $0x80;
	v3 =	vshra.s32 v9, s5;
	v6 =	vunpack.i.l.bf16.f32 v6;
	[tilespmem:s10+$0x18230] =	vst.add.f32.msk $0xffff, v4  }
0x370: {  	s15 =	simm.s32 $0x0;
	s9 =	simm.s32 $0x1;
	s3 =	simm.s32 $0x0;
	v3 =	vunpack.i.l.bf16.f32 v3;
	[tilespmem:s10+$0x18240] =	vst.add.f32.msk $0xffff, v6;
	v4 =	vshra.s32 v5, s5  }
.LBB2_24:
0x371: {  	s2 =	sshrl.u32 s12, $0x1;
	[tilespmem:s10+$0x18250] =	vst.add.f32.msk $0xffff, v3;
	v3 =	vunpack.i.l.bf16.f32 v4  }
0x372: {  	s2 =	sand.u32 $0x1F80, s2;
	[tilespmem:s10+$0x18260] =	vst.add.f32.msk $0xffff, v3  }
0x373: {  	v3 =	vld [tilespmem:s2+$0x270]  }
0x374: {  	v4 =	vld [tilespmem:s2+$0x200]  }
0x375: {  	s3 =	sadd.s32 $0x8, s3;
	s8 =	sadd.s32 $0x10, s8;
	v5 =	vld [tilespmem:s2+$0x210]  }
0x376: {  	s15 =	sadd.s32 $0x400, s15;
	s5 =	sand.u32 $0x10, s8;
	s10 =	sshll.u32 s3, $0x4;
	v6 =	vld [tilespmem:s2+$0x220]  }
0x377: {  	s11 =	sand.u32 $0x1C00, s15;
	s19 =	sshll.u32 s3, $0x1;
	s10 =	sand.u32 $0x2000, s10;
	v7 =	vld [tilespmem:s2+$0x230]  }
0x378: {  	p0 =	slt.u32 s3, $0x3F8;
	s19 =	sand.u32 $0x380, s19;
	s10 =	sor.u32 s11, s10;
	v8 =	vld [tilespmem:s2+$0x240];
	v3 =	vshra.s32 v3, s5  }
0x379: {  	s10 =	sor.u32 s19, s10;
	v4 =	vshra.s32 v4, s5;
	v9 =	vld [tilespmem:s2+$0x250];
	v3 =	vunpack.i.l.bf16.f32 v3  }
0x37a: {  	s9 =	sadd.s32 $0x1, s9;
	v4 =	vunpack.i.l.bf16.f32 v4;
	v5 =	vshra.s32 v5, s5;
	[tilespmem:s10+$0x18270] =	vst.add.f32.msk $0xffff, v3  }
0x37b: {  	v3 =	vunpack.i.l.bf16.f32 v5;
	v5 =	vshra.s32 v6, s5;
	v6 =	vld [tilespmem:s2+$0x260]  }
.Ltmp11:
0x37c: {  	[tilespmem:s10+$0x18200] =	vst.add.f32.msk $0xffff, v4;
	v4 =	vunpack.i.l.bf16.f32 v5;
	v5 =	vshra.s32 v7, s5;
	(pc) =	sbr.rel @p0 .LBB2_24-.Ltmp11, $4  }
0x37d: {  	[tilespmem:s10+$0x18210] =	vst.add.f32.msk $0xffff, v3;
	v3 =	vunpack.i.l.bf16.f32 v5;
	v5 =	vshra.s32 v8, s5  }
0x37e: {  	[tilespmem:s10+$0x18220] =	vst.add.f32.msk $0xffff, v4;
	v4 =	vunpack.i.l.bf16.f32 v5;
	v5 =	vshra.s32 v9, s5  }
0x37f: {  	[tilespmem:s10+$0x18230] =	vst.add.f32.msk $0xffff, v3;
	v3 =	vunpack.i.l.bf16.f32 v5  }
0x380: {  	s12 =	sadd.s32 $0x80, s12;
	[tilespmem:s10+$0x18240] =	vst.add.f32.msk $0xffff, v4;
	v4 =	vshra.s32 v6, s5  }
0x381: {  	[tilespmem:s10+$0x18250] =	vst.add.f32.msk $0xffff, v3;
	v3 =	vunpack.i.l.bf16.f32 v4  }
0x382: {  	[tilespmem:s10+$0x18260] =	vst.add.f32.msk $0xffff, v3  }
0x383: {  	s8 =	simm.s32 $0x0;
	s3 =	simm.s32 $0x18200;
	s2 =	rddreg [dreg:$0x17]  }
0x384: {  	[hbm4b:s2+s8] =	stream.linear.scatter [tilespmem:s3], [sflag:$0xF], $0x4000, $0x38;
	[tilespmem:$0x1C200] =	vst v63  }
0x385: {  	_ =	swait.ge [sflag:s25], $0x2000  }
0x386: {  	[sflag:s25] =	ssyncset.done $0x0  }
0x387: {  	[sflag:s25] =	ssyncadd.s32 $0xFFFFE000  }
0x388: {  	_ =	swait.ge [sflag:s14], $0x4000  }
0x389: {  	s12 =	simm.s32 $0x0;
	[sflag:s14] =	ssyncset.done $0x0  }
0x38a: {  	s2 =	sand.u32 $0x1F80, s12;
	[sflag:s14] =	ssyncadd.s32 $0xFFFFC000  }
0x38b: {  	v3 =	vld [tilespmem:s2+$0x2270]  }
0x38c: {  	v4 =	vld [tilespmem:s2+$0x2200]  }
0x38d: {  	v5 =	vld [tilespmem:s2+$0x2210]  }
0x38e: {  	s15 =	simm.s32 $0x0;
	s19 =	simm.s32 $0x0;
	v6 =	vld [tilespmem:s2+$0x2220]  }
0x38f: {  	s5 =	sand.u32 $0x10, s8;
	s9 =	sand.u32 $0x1C00, s8;
	s3 =	sand.u32 $0x2000, s15;
	v7 =	vld [tilespmem:s2+$0x2230]  }
0x390: {  	s10 =	sand.u32 $0x380, s19;
	s3 =	sor.u32 s9, s3;
	v8 =	vld [tilespmem:s2+$0x2240];
	v3 =	vshra.s32 v3, s5  }
0x391: {  	s10 =	sor.u32 s3, s10;
	v9 =	vld [tilespmem:s2+$0x2250];
	v3 =	vunpack.i.l.bf16.f32 v3  }
0x392: {  	v4 =	vshra.s32 v4, s5;
	[tilespmem:s10+$0x4270] =	vst.add.f32.msk $0xffff, v3  }
0x393: {  	v3 =	vunpack.i.l.bf16.f32 v4;
	v4 =	vshra.s32 v5, s5;
	v5 =	vld [tilespmem:s2+$0x2260]  }
0x394: {  	v6 =	vshra.s32 v6, s5;
	v4 =	vunpack.i.l.bf16.f32 v4;
	[tilespmem:s10+$0x4200] =	vst.add.f32.msk $0xffff, v3  }
0x395: {  	v3 =	vunpack.i.l.bf16.f32 v6;
	v6 =	vshra.s32 v7, s5;
	[tilespmem:s10+$0x4210] =	vst.add.f32.msk $0xffff, v4  }
0x396: {  	v4 =	vunpack.i.l.bf16.f32 v6;
	v6 =	vshra.s32 v8, s5;
	[tilespmem:s10+$0x4220] =	vst.add.f32.msk $0xffff, v3  }
0x397: {  	s12 =	simm.s32 $0x80;
	v3 =	vshra.s32 v9, s5;
	v6 =	vunpack.i.l.bf16.f32 v6;
	[tilespmem:s10+$0x4230] =	vst.add.f32.msk $0xffff, v4  }
0x398: {  	s15 =	simm.s32 $0x0;
	s9 =	simm.s32 $0x1;
	s3 =	simm.s32 $0x0;
	v3 =	vunpack.i.l.bf16.f32 v3;
	[tilespmem:s10+$0x4240] =	vst.add.f32.msk $0xffff, v6;
	v4 =	vshra.s32 v5, s5  }
.LBB2_26:
0x399: {  	s2 =	sshrl.u32 s12, $0x1;
	[tilespmem:s10+$0x4250] =	vst.add.f32.msk $0xffff, v3;
	v3 =	vunpack.i.l.bf16.f32 v4  }
0x39a: {  	s2 =	sand.u32 $0x1F80, s2;
	[tilespmem:s10+$0x4260] =	vst.add.f32.msk $0xffff, v3  }
0x39b: {  	v3 =	vld [tilespmem:s2+$0x2270]  }
0x39c: {  	v4 =	vld [tilespmem:s2+$0x2200]  }
0x39d: {  	s3 =	sadd.s32 $0x8, s3;
	s8 =	sadd.s32 $0x10, s8;
	v5 =	vld [tilespmem:s2+$0x2210]  }
0x39e: {  	s15 =	sadd.s32 $0x400, s15;
	s5 =	sand.u32 $0x10, s8;
	s10 =	sshll.u32 s3, $0x4;
	v6 =	vld [tilespmem:s2+$0x2220]  }
0x39f: {  	s11 =	sand.u32 $0x1C00, s15;
	s19 =	sshll.u32 s3, $0x1;
	s10 =	sand.u32 $0x2000, s10;
	v7 =	vld [tilespmem:s2+$0x2230]  }
0x3a0: {  	p0 =	slt.u32 s3, $0x3F8;
	s19 =	sand.u32 $0x380, s19;
	s10 =	sor.u32 s11, s10;
	v8 =	vld [tilespmem:s2+$0x2240];
	v3 =	vshra.s32 v3, s5  }
0x3a1: {  	s10 =	sor.u32 s10, s19;
	v4 =	vshra.s32 v4, s5;
	v9 =	vld [tilespmem:s2+$0x2250];
	v3 =	vunpack.i.l.bf16.f32 v3  }
0x3a2: {  	s9 =	sadd.s32 $0x1, s9;
	v4 =	vunpack.i.l.bf16.f32 v4;
	v5 =	vshra.s32 v5, s5;
	[tilespmem:s10+$0x4270] =	vst.add.f32.msk $0xffff, v3  }
0x3a3: {  	v3 =	vunpack.i.l.bf16.f32 v5;
	v5 =	vshra.s32 v6, s5;
	v6 =	vld [tilespmem:s2+$0x2260]  }
.Ltmp12:
0x3a4: {  	[tilespmem:s10+$0x4200] =	vst.add.f32.msk $0xffff, v4;
	v4 =	vunpack.i.l.bf16.f32 v5;
	v5 =	vshra.s32 v7, s5;
	(pc) =	sbr.rel @p0 .LBB2_26-.Ltmp12, $4  }
0x3a5: {  	[tilespmem:s10+$0x4210] =	vst.add.f32.msk $0xffff, v3;
	v3 =	vunpack.i.l.bf16.f32 v5;
	v5 =	vshra.s32 v8, s5  }
0x3a6: {  	[tilespmem:s10+$0x4220] =	vst.add.f32.msk $0xffff, v4;
	v4 =	vunpack.i.l.bf16.f32 v5;
	v5 =	vshra.s32 v9, s5  }
0x3a7: {  	[tilespmem:s10+$0x4230] =	vst.add.f32.msk $0xffff, v3;
	v3 =	vunpack.i.l.bf16.f32 v5  }
0x3a8: {  	s12 =	sadd.s32 $0x80, s12;
	[tilespmem:s10+$0x4240] =	vst.add.f32.msk $0xffff, v4;
	v4 =	vshra.s32 v6, s5  }
0x3a9: {  	[tilespmem:s10+$0x4250] =	vst.add.f32.msk $0xffff, v3;
	v3 =	vunpack.i.l.bf16.f32 v4  }
0x3aa: {  	[tilespmem:s10+$0x4260] =	vst.add.f32.msk $0xffff, v3  }
0x3ab: {  	s8 =	simm.s32 $0x0;
	s3 =	simm.s32 $0x4200;
	s2 =	rddreg [dreg:$0x18]  }
0x3ac: {  	[hbm4b:s2+s8] =	stream.linear.scatter [tilespmem:s3], [sflag:$0xA], $0x4000, $0x38;
	[tilespmem:$0x1C200] =	vst v63  }
0x3ad: {  	_ =	swait.ge [sflag:s16], $0x4000  }
0x3ae: {  	s12 =	simm.s32 $0x0;
	[sflag:s16] =	ssyncset.done $0x0  }
0x3af: {  	s2 =	sand.u32 $0x1F80, s12;
	[sflag:s16] =	ssyncadd.s32 $0xFFFFC000  }
0x3b0: {  	v3 =	vld [tilespmem:s2+$0x2270]  }
0x3b1: {  	v4 =	vld [tilespmem:s2+$0x2200]  }
0x3b2: {  	v5 =	vld [tilespmem:s2+$0x2210]  }
0x3b3: {  	s15 =	simm.s32 $0x0;
	s19 =	simm.s32 $0x0;
	v6 =	vld [tilespmem:s2+$0x2220]  }
0x3b4: {  	s5 =	sand.u32 $0x10, s8;
	s9 =	sand.u32 $0x1C00, s8;
	s3 =	sand.u32 $0x2000, s15;
	v7 =	vld [tilespmem:s2+$0x2230]  }
0x3b5: {  	s10 =	sand.u32 $0x380, s19;
	s3 =	sor.u32 s9, s3;
	v8 =	vld [tilespmem:s2+$0x2240];
	v3 =	vshra.s32 v3, s5  }
0x3b6: {  	s10 =	sor.u32 s10, s3;
	v9 =	vld [tilespmem:s2+$0x2250];
	v3 =	vunpack.i.l.bf16.f32 v3  }
0x3b7: {  	v4 =	vshra.s32 v4, s5;
	[tilespmem:s10+$0x8270] =	vst.add.f32.msk $0xffff, v3  }
0x3b8: {  	v3 =	vunpack.i.l.bf16.f32 v4;
	v4 =	vshra.s32 v5, s5;
	v5 =	vld [tilespmem:s2+$0x2260]  }
0x3b9: {  	v6 =	vshra.s32 v6, s5;
	v4 =	vunpack.i.l.bf16.f32 v4;
	[tilespmem:s10+$0x8200] =	vst.add.f32.msk $0xffff, v3  }
0x3ba: {  	v3 =	vunpack.i.l.bf16.f32 v6;
	v6 =	vshra.s32 v7, s5;
	[tilespmem:s10+$0x8210] =	vst.add.f32.msk $0xffff, v4  }
0x3bb: {  	v4 =	vunpack.i.l.bf16.f32 v6;
	v6 =	vshra.s32 v8, s5;
	[tilespmem:s10+$0x8220] =	vst.add.f32.msk $0xffff, v3  }
0x3bc: {  	s12 =	simm.s32 $0x80;
	v3 =	vshra.s32 v9, s5;
	v6 =	vunpack.i.l.bf16.f32 v6;
	[tilespmem:s10+$0x8230] =	vst.add.f32.msk $0xffff, v4  }
0x3bd: {  	s15 =	simm.s32 $0x0;
	s9 =	simm.s32 $0x1;
	s3 =	simm.s32 $0x0;
	v3 =	vunpack.i.l.bf16.f32 v3;
	[tilespmem:s10+$0x8240] =	vst.add.f32.msk $0xffff, v6;
	v4 =	vshra.s32 v5, s5  }
.LBB2_28:
0x3be: {  	s2 =	sshrl.u32 s12, $0x1;
	[tilespmem:s10+$0x8250] =	vst.add.f32.msk $0xffff, v3;
	v3 =	vunpack.i.l.bf16.f32 v4  }
0x3bf: {  	s2 =	sand.u32 $0x1F80, s2;
	[tilespmem:s10+$0x8260] =	vst.add.f32.msk $0xffff, v3  }
0x3c0: {  	v3 =	vld [tilespmem:s2+$0x2270]  }
0x3c1: {  	v4 =	vld [tilespmem:s2+$0x2200]  }
0x3c2: {  	s3 =	sadd.s32 $0x8, s3;
	s8 =	sadd.s32 $0x10, s8;
	v5 =	vld [tilespmem:s2+$0x2210]  }
0x3c3: {  	s15 =	sadd.s32 $0x400, s15;
	s5 =	sand.u32 $0x10, s8;
	s10 =	sshll.u32 s3, $0x4;
	v6 =	vld [tilespmem:s2+$0x2220]  }
0x3c4: {  	s11 =	sand.u32 $0x1C00, s15;
	s19 =	sshll.u32 s3, $0x1;
	s10 =	sand.u32 $0x2000, s10;
	v7 =	vld [tilespmem:s2+$0x2230]  }
0x3c5: {  	p0 =	slt.u32 s3, $0x3F8;
	s19 =	sand.u32 $0x380, s19;
	s10 =	sor.u32 s11, s10;
	v8 =	vld [tilespmem:s2+$0x2240];
	v3 =	vshra.s32 v3, s5  }
0x3c6: {  	s10 =	sor.u32 s19, s10;
	v4 =	vshra.s32 v4, s5;
	v9 =	vld [tilespmem:s2+$0x2250];
	v3 =	vunpack.i.l.bf16.f32 v3  }
0x3c7: {  	s9 =	sadd.s32 $0x1, s9;
	v4 =	vunpack.i.l.bf16.f32 v4;
	v5 =	vshra.s32 v5, s5;
	[tilespmem:s10+$0x8270] =	vst.add.f32.msk $0xffff, v3  }
0x3c8: {  	v3 =	vunpack.i.l.bf16.f32 v5;
	v5 =	vshra.s32 v6, s5;
	v6 =	vld [tilespmem:s2+$0x2260]  }
.Ltmp13:
0x3c9: {  	[tilespmem:s10+$0x8200] =	vst.add.f32.msk $0xffff, v4;
	v4 =	vunpack.i.l.bf16.f32 v5;
	v5 =	vshra.s32 v7, s5;
	(pc) =	sbr.rel @p0 .LBB2_28-.Ltmp13, $4  }
0x3ca: {  	[tilespmem:s10+$0x8210] =	vst.add.f32.msk $0xffff, v3;
	v3 =	vunpack.i.l.bf16.f32 v5;
	v5 =	vshra.s32 v8, s5  }
0x3cb: {  	[tilespmem:s10+$0x8220] =	vst.add.f32.msk $0xffff, v4;
	v4 =	vunpack.i.l.bf16.f32 v5;
	v5 =	vshra.s32 v9, s5  }
0x3cc: {  	[tilespmem:s10+$0x8230] =	vst.add.f32.msk $0xffff, v3;
	v3 =	vunpack.i.l.bf16.f32 v5  }
0x3cd: {  	s12 =	sadd.s32 $0x80, s12;
	[tilespmem:s10+$0x8240] =	vst.add.f32.msk $0xffff, v4;
	v4 =	vshra.s32 v6, s5  }
0x3ce: {  	[tilespmem:s10+$0x8250] =	vst.add.f32.msk $0xffff, v3;
	v3 =	vunpack.i.l.bf16.f32 v4  }
0x3cf: {  	[tilespmem:s10+$0x8260] =	vst.add.f32.msk $0xffff, v3  }
0x3d0: {  	s8 =	simm.s32 $0x0;
	s3 =	simm.s32 $0x8200;
	s2 =	rddreg [dreg:$0x19]  }
0x3d1: {  	[hbm4b:s2+s8] =	stream.linear.scatter [tilespmem:s3], [sflag:$0xB], $0x4000, $0x38;
	[tilespmem:$0x1C200] =	vst v63  }
0x3d2: {  	_ =	swait.ge [sflag:s18], $0x4000  }
0x3d3: {  	s12 =	simm.s32 $0x0;
	[sflag:s18] =	ssyncset.done $0x0  }
0x3d4: {  	s2 =	sand.u32 $0x1F80, s12;
	[sflag:s18] =	ssyncadd.s32 $0xFFFFC000  }
0x3d5: {  	v3 =	vld [tilespmem:s2+$0x2270]  }
0x3d6: {  	v4 =	vld [tilespmem:s2+$0x2200]  }
0x3d7: {  	v5 =	vld [tilespmem:s2+$0x2210]  }
0x3d8: {  	s15 =	simm.s32 $0x0;
	s19 =	simm.s32 $0x0;
	v6 =	vld [tilespmem:s2+$0x2220]  }
0x3d9: {  	s5 =	sand.u32 $0x10, s8;
	s9 =	sand.u32 $0x1C00, s8;
	s3 =	sand.u32 $0x2000, s15;
	v7 =	vld [tilespmem:s2+$0x2230]  }
0x3da: {  	s10 =	sand.u32 $0x380, s19;
	s3 =	sor.u32 s9, s3;
	v8 =	vld [tilespmem:s2+$0x2240];
	v3 =	vshra.s32 v3, s5  }
0x3db: {  	s10 =	sor.u32 s10, s3;
	v9 =	vld [tilespmem:s2+$0x2250];
	v3 =	vunpack.i.l.bf16.f32 v3  }
0x3dc: {  	v4 =	vshra.s32 v4, s5;
	[tilespmem:s10+$0xC270] =	vst.add.f32.msk $0xffff, v3  }
0x3dd: {  	v3 =	vunpack.i.l.bf16.f32 v4;
	v4 =	vshra.s32 v5, s5;
	v5 =	vld [tilespmem:s2+$0x2260]  }
0x3de: {  	v6 =	vshra.s32 v6, s5;
	v4 =	vunpack.i.l.bf16.f32 v4;
	[tilespmem:s10+$0xC200] =	vst.add.f32.msk $0xffff, v3  }
0x3df: {  	v3 =	vunpack.i.l.bf16.f32 v6;
	v6 =	vshra.s32 v7, s5;
	[tilespmem:s10+$0xC210] =	vst.add.f32.msk $0xffff, v4  }
0x3e0: {  	v4 =	vunpack.i.l.bf16.f32 v6;
	v6 =	vshra.s32 v8, s5;
	[tilespmem:s10+$0xC220] =	vst.add.f32.msk $0xffff, v3  }
0x3e1: {  	s12 =	simm.s32 $0x80;
	v3 =	vshra.s32 v9, s5;
	v6 =	vunpack.i.l.bf16.f32 v6;
	[tilespmem:s10+$0xC230] =	vst.add.f32.msk $0xffff, v4  }
0x3e2: {  	s15 =	simm.s32 $0x0;
	s9 =	simm.s32 $0x1;
	s3 =	simm.s32 $0x0;
	v3 =	vunpack.i.l.bf16.f32 v3;
	[tilespmem:s10+$0xC240] =	vst.add.f32.msk $0xffff, v6;
	v4 =	vshra.s32 v5, s5  }
.LBB2_30:
0x3e3: {  	s2 =	sshrl.u32 s12, $0x1;
	[tilespmem:s10+$0xC250] =	vst.add.f32.msk $0xffff, v3;
	v3 =	vunpack.i.l.bf16.f32 v4  }
0x3e4: {  	s2 =	sand.u32 $0x1F80, s2;
	[tilespmem:s10+$0xC260] =	vst.add.f32.msk $0xffff, v3  }
0x3e5: {  	v3 =	vld [tilespmem:s2+$0x2270]  }
0x3e6: {  	v4 =	vld [tilespmem:s2+$0x2200]  }
0x3e7: {  	s3 =	sadd.s32 $0x8, s3;
	s8 =	sadd.s32 $0x10, s8;
	v5 =	vld [tilespmem:s2+$0x2210]  }
0x3e8: {  	s15 =	sadd.s32 $0x400, s15;
	s5 =	sand.u32 $0x10, s8;
	s10 =	sshll.u32 s3, $0x4;
	v6 =	vld [tilespmem:s2+$0x2220]  }
0x3e9: {  	s11 =	sand.u32 $0x1C00, s15;
	s19 =	sshll.u32 s3, $0x1;
	s10 =	sand.u32 $0x2000, s10;
	v7 =	vld [tilespmem:s2+$0x2230]  }
0x3ea: {  	p0 =	slt.u32 s3, $0x3F8;
	s19 =	sand.u32 $0x380, s19;
	s10 =	sor.u32 s11, s10;
	v8 =	vld [tilespmem:s2+$0x2240];
	v3 =	vshra.s32 v3, s5  }
0x3eb: {  	s10 =	sor.u32 s19, s10;
	v4 =	vshra.s32 v4, s5;
	v9 =	vld [tilespmem:s2+$0x2250];
	v3 =	vunpack.i.l.bf16.f32 v3  }
0x3ec: {  	s9 =	sadd.s32 $0x1, s9;
	v4 =	vunpack.i.l.bf16.f32 v4;
	v5 =	vshra.s32 v5, s5;
	[tilespmem:s10+$0xC270] =	vst.add.f32.msk $0xffff, v3  }
0x3ed: {  	v3 =	vunpack.i.l.bf16.f32 v5;
	v5 =	vshra.s32 v6, s5;
	v6 =	vld [tilespmem:s2+$0x2260]  }
.Ltmp14:
0x3ee: {  	[tilespmem:s10+$0xC200] =	vst.add.f32.msk $0xffff, v4;
	v4 =	vunpack.i.l.bf16.f32 v5;
	v5 =	vshra.s32 v7, s5;
	(pc) =	sbr.rel @p0 .LBB2_30-.Ltmp14, $4  }
0x3ef: {  	[tilespmem:s10+$0xC210] =	vst.add.f32.msk $0xffff, v3;
	v3 =	vunpack.i.l.bf16.f32 v5;
	v5 =	vshra.s32 v8, s5  }
0x3f0: {  	[tilespmem:s10+$0xC220] =	vst.add.f32.msk $0xffff, v4;
	v4 =	vunpack.i.l.bf16.f32 v5;
	v5 =	vshra.s32 v9, s5  }
0x3f1: {  	[tilespmem:s10+$0xC230] =	vst.add.f32.msk $0xffff, v3;
	v3 =	vunpack.i.l.bf16.f32 v5  }
0x3f2: {  	s12 =	sadd.s32 $0x80, s12;
	[tilespmem:s10+$0xC240] =	vst.add.f32.msk $0xffff, v4;
	v4 =	vshra.s32 v6, s5  }
0x3f3: {  	[tilespmem:s10+$0xC250] =	vst.add.f32.msk $0xffff, v3;
	v3 =	vunpack.i.l.bf16.f32 v4  }
0x3f4: {  	[tilespmem:s10+$0xC260] =	vst.add.f32.msk $0xffff, v3  }
0x3f5: {  	s8 =	simm.s32 $0x0;
	s3 =	simm.s32 $0xC200;
	s2 =	rddreg [dreg:$0x1a]  }
0x3f6: {  	[hbm4b:s2+s8] =	stream.linear.scatter [tilespmem:s3], [sflag:$0xC], $0x4000, $0x38;
	[tilespmem:$0x1C200] =	vst v63  }
0x3f7: {  	_ =	swait.ge [sflag:s22], $0x4000  }
0x3f8: {  	s15 =	simm.s32 $0x0;
	[sflag:s22] =	ssyncset.done $0x0  }
0x3f9: {  	s2 =	sand.u32 $0x1F80, s15;
	[sflag:s22] =	ssyncadd.s32 $0xFFFFC000  }
0x3fa: {  	v3 =	vld [tilespmem:s2+$0x2270]  }
0x3fb: {  	v4 =	vld [tilespmem:s2+$0x2200]  }
0x3fc: {  	s19 =	simm.s32 $0x0;
	v5 =	vld [tilespmem:s2+$0x2210]  }
0x3fd: {  	s9 =	simm.s32 $0x0;
	s5 =	sand.u32 $0x1C00, s8;
	s3 =	sand.u32 $0x2000, s19;
	v6 =	vld [tilespmem:s2+$0x2220]  }
0x3fe: {  	s11 =	sand.u32 $0x10, s8;
	s9 =	sand.u32 $0x380, s9;
	s3 =	sor.u32 s5, s3;
	v7 =	vld [tilespmem:s2+$0x2230]  }
0x3ff: {  	s3 =	sor.u32 s9, s3;
	v8 =	vld [tilespmem:s2+$0x2240];
	v3 =	vshra.s32 v3, s11  }
0x400: {  	s10 =	sadd.s32 $0x4200, s3;
	v9 =	vld [tilespmem:s2+$0x2250];
	v3 =	vunpack.i.l.bf16.f32 v3  }
0x401: {  	v4 =	vshra.s32 v4, s11;
	[tilespmem:s10+$0xC070] =	vst.add.f32.msk $0xffff, v3  }
0x402: {  	v3 =	vunpack.i.l.bf16.f32 v4;
	v4 =	vshra.s32 v5, s11;
	v5 =	vld [tilespmem:s2+$0x2260]  }
0x403: {  	v6 =	vshra.s32 v6, s11;
	v4 =	vunpack.i.l.bf16.f32 v4;
	[tilespmem:s3+$0x10200] =	vst.add.f32.msk $0xffff, v3  }
0x404: {  	v3 =	vunpack.i.l.bf16.f32 v6;
	v6 =	vshra.s32 v7, s11;
	[tilespmem:s10+$0xC010] =	vst.add.f32.msk $0xffff, v4  }
0x405: {  	v4 =	vunpack.i.l.bf16.f32 v6;
	v6 =	vshra.s32 v8, s11;
	[tilespmem:s10+$0xC020] =	vst.add.f32.msk $0xffff, v3  }
0x406: {  	s12 =	simm.s32 $0x80;
	v3 =	vshra.s32 v9, s11;
	v6 =	vunpack.i.l.bf16.f32 v6;
	[tilespmem:s10+$0xC030] =	vst.add.f32.msk $0xffff, v4  }
0x407: {  	s15 =	simm.s32 $0x0;
	s9 =	simm.s32 $0x1;
	s3 =	simm.s32 $0x0;
	v3 =	vunpack.i.l.bf16.f32 v3;
	[tilespmem:s10+$0xC040] =	vst.add.f32.msk $0xffff, v6;
	v4 =	vshra.s32 v5, s11  }
.LBB2_32:
0x408: {  	s2 =	sshrl.u32 s12, $0x1;
	[tilespmem:s10+$0xC050] =	vst.add.f32.msk $0xffff, v3;
	v3 =	vunpack.i.l.bf16.f32 v4  }
0x409: {  	s2 =	sand.u32 $0x1F80, s2;
	[tilespmem:s10+$0xC060] =	vst.add.f32.msk $0xffff, v3  }
0x40a: {  	v3 =	vld [tilespmem:s2+$0x2270]  }
0x40b: {  	s3 =	sadd.s32 $0x8, s3;
	v4 =	vld [tilespmem:s2+$0x2200]  }
0x40c: {  	s8 =	sadd.s32 $0x400, s8;
	s15 =	sadd.s32 $0x10, s15;
	s5 =	sshll.u32 s3, $0x4;
	v5 =	vld [tilespmem:s2+$0x2210]  }
0x40d: {  	s10 =	sand.u32 $0x1C00, s8;
	s11 =	sshll.u32 s3, $0x1;
	s5 =	sand.u32 $0x2000, s5;
	v6 =	vld [tilespmem:s2+$0x2220]  }
0x40e: {  	s19 =	sand.u32 $0x10, s15;
	s11 =	sand.u32 $0x380, s11;
	s5 =	sor.u32 s10, s5;
	v7 =	vld [tilespmem:s2+$0x2230]  }
0x40f: {  	p0 =	slt.u32 s3, $0x3F8;
	s5 =	sor.u32 s11, s5;
	v8 =	vld [tilespmem:s2+$0x2240];
	v3 =	vshra.s32 v3, s19  }
0x410: {  	s10 =	sadd.s32 $0x4200, s5;
	v4 =	vshra.s32 v4, s19;
	v9 =	vld [tilespmem:s2+$0x2250];
	v3 =	vunpack.i.l.bf16.f32 v3  }
0x411: {  	s9 =	sadd.s32 $0x1, s9;
	v4 =	vunpack.i.l.bf16.f32 v4;
	v5 =	vshra.s32 v5, s19;
	[tilespmem:s10+$0xC070] =	vst.add.f32.msk $0xffff, v3  }
0x412: {  	v3 =	vunpack.i.l.bf16.f32 v5;
	v5 =	vshra.s32 v6, s19;
	v6 =	vld [tilespmem:s2+$0x2260]  }
.Ltmp15:
0x413: {  	[tilespmem:s5+$0x10200] =	vst.add.f32.msk $0xffff, v4;
	v4 =	vunpack.i.l.bf16.f32 v5;
	v5 =	vshra.s32 v7, s19;
	(pc) =	sbr.rel @p0 .LBB2_32-.Ltmp15, $4  }
0x414: {  	[tilespmem:s10+$0xC010] =	vst.add.f32.msk $0xffff, v3;
	v3 =	vunpack.i.l.bf16.f32 v5;
	v5 =	vshra.s32 v8, s19  }
0x415: {  	[tilespmem:s10+$0xC020] =	vst.add.f32.msk $0xffff, v4;
	v4 =	vunpack.i.l.bf16.f32 v5;
	v5 =	vshra.s32 v9, s19  }
0x416: {  	[tilespmem:s10+$0xC030] =	vst.add.f32.msk $0xffff, v3;
	v3 =	vunpack.i.l.bf16.f32 v5  }
0x417: {  	s12 =	sadd.s32 $0x80, s12;
	[tilespmem:s10+$0xC040] =	vst.add.f32.msk $0xffff, v4;
	v4 =	vshra.s32 v6, s19  }
0x418: {  	[tilespmem:s10+$0xC050] =	vst.add.f32.msk $0xffff, v3;
	v3 =	vunpack.i.l.bf16.f32 v4  }
0x419: {  	[tilespmem:s10+$0xC060] =	vst.add.f32.msk $0xffff, v3  }
0x41a: {  	s5 =	simm.s32 $0x10200;
	s2 =	rddreg [dreg:$0x1b]  }
0x41b: {  	[hbm4b:s2+s1] =	stream.linear.scatter [tilespmem:s5], [sflag:$0xD], $0x4000, $0x38;
	[tilespmem:$0x1C200] =	vst v63  }
0x41c: {  	_ =	swait.ge [sflag:s6], $0x4000  }
0x41d: {  	[sflag:s6] =	ssyncset.done $0x0  }
0x41e: {  	[sflag:s6] =	ssyncadd.s32 $0xFFFFC000  }
0x41f: {  	_ =	swait.ge [sflag:s7], $0x4000  }
0x420: {  	[sflag:s7] =	ssyncset.done $0x0  }
0x421: {  	[sflag:s7] =	ssyncadd.s32 $0xFFFFC000  }
0x422: {  	_ =	swait.ge [sflag:s17], $0x4000  }
0x423: {  	[sflag:s17] =	ssyncset.done $0x0  }
0x424: {  	[sflag:s17] =	ssyncadd.s32 $0xFFFFC000  }
0x425: {  	_ =	swait.ge [sflag:s20], $0x4000  }
0x426: {  	[sflag:s20] =	ssyncset.done $0x0  }
0x427: {  	[sflag:s20] =	ssyncadd.s32 $0xFFFFC000  }
0x428: {  	_ =	swait.ge [sflag:s23], $0x4000  }
0x429: {  	[sflag:s23] =	ssyncset.done $0x0  }
0x42a: {  	[sflag:s23] =	ssyncadd.s32 $0xFFFFC000  }
0x42b: {  	_ =	swait.ge [sflag:s28], $0x4000  }
0x42c: {  	s0 =	sadd.s32 $0x1, s0;
	s19 =	rddreg [dreg:$0x1c]  }
0x42d: {  	p0 =	sne.s32 s0, s19  }
.Ltmp16:
0x42e: {  	_ = 	snop;
	(pc) =	sbr.rel @p0 .LBB2_1-.Ltmp16, $3  }
0x42f: {  	_ =	sdelay $0x1  }
0x430: {  	[sflag:s28] =	ssyncset.done $0x0  }
0x431: {  	[sflag:s28] =	ssyncadd.s32 $0xFFFFC000  }
0x432: {  	_ =	sfence.sel $0x180000  }
0x433: {  	[bflag:$0x0] =	sbarrier.arrive $0xFFFF  }
0x434: {  	_ =	strace $0x90000047  }
0x435: {  	s0 =	stileid.u32;
	[bflag:$0x2] =	sbarrier.arrive $0xFFFF  }
0x436: {  	p0 =	sne.s32 s0, $0x0;
	s0 =	rddreg [dreg:$0x4]  }
0x437: {  	s0 =	sadd.s32 @!p0 $0x100000, s0  }
0x438: {  	[sflag:s0] =	ssyncadd.tile.s32 @!p0 $0x1;
	_ =	shalt  }
.Lfunc_end2:
_tile_overlayer_lowered:
.L_overlay_start_2:
0x439: {  	(tag) =	ssettag $0x2  }
0x43a: {  	s0 =	rddreg [dreg:$0x0];
	s2 =	stileid.u32  }
0x43b: {  	s1 =	rddreg [dreg:$0x1];
	p0 =	sne.s32 s2, $0x0  }
0x43c: {  	s3 =	rddreg [dreg:$0x2];
	[bflag:$0x3] =	sbarrier.arrive $0xFFFF;
	s2 =	simm.s32 @!p0 $0x1C10  }
0x43d: {  	[timem:s3], [sflag:s2] =	dma.local @!p0 [hbm:s0], s1  }
0x43e: {  	s0 =	simm.s32 @!p0 $0x10  }
0x43f: {  	_ =	swait.ge @!p0 [sflag:s0], s1  }
0x440: {  	s1 =	ssub.s32 @!p0 $0x0, s1;
	[sflag:s0] =	ssyncset.done @!p0 $0x0  }
0x441: {  	[sflag:s0] =	ssyncadd.s32 @!p0 s1  }
0x442: {  	[bflag:$0x3] =	sbarrier.arrive $0xFFFF  }
0x443: {  	_ =	shalt  }

</sc_bundles>
